<compile_context>
chip_gen: v7x
topology: tpu7x:2x2x1
jax: 0.10.2.dev20260603
libtpu: 0.0.44.dev20260713+nightly
codegen_flags: <defaults>
</compile_context>

<pallas_src>
import functools
import math

import jax
import jax.numpy as jnp
from jax import lax
from jax.experimental import pallas as pl
from jax.experimental.pallas import tpu as pltpu
from jax.experimental.pallas import tpu_sc as plsc

D_MODEL = 128
_SCALE = math.sqrt(float(D_MODEL))
_NC = 2
_NS = 16
_NW = _NC * _NS
_CHUNK = 32
_LANES = 16
_NBUF = 8


def _embed(xf, table):
    B = xf.shape[0]
    b_per_w = B // _NW
    n_chunks = b_per_w // _CHUNK
    n_groups = n_chunks // _NBUF
    mesh = plsc.VectorSubcoreMesh(core_axis_name="c", subcore_axis_name="s")

    @functools.partial(
        pl.kernel,
        out_type=jax.ShapeDtypeStruct((B, D_MODEL), jnp.float32),
        mesh=mesh,
        scratch_types=[
            pltpu.VMEM((b_per_w,), jnp.int32),
            pltpu.VMEM((_NBUF, _CHUNK, D_MODEL), jnp.float32),
            pltpu.VMEM((_NBUF, _CHUNK, D_MODEL), jnp.float32),
        ]
        + [pltpu.SemaphoreType.DMA] * (2 * _NBUF),
    )
    def k(idx_hbm, table_hbm, out_hbm, idx_v, in_v, out_v, *sems):
        gsem = sems[:_NBUF]
        osem = sems[_NBUF:]
        wid = lax.axis_index("s") * _NC + lax.axis_index("c")
        base = wid * b_per_w
        pltpu.sync_copy(idx_hbm.at[pl.ds(base, b_per_w)], idx_v)

        def gather(off, b):
            pltpu.make_async_copy(
                table_hbm.at[idx_v.at[pl.ds(off, _CHUNK)]], in_v.at[b], gsem[b]
            ).start()

        def gather_wait(b):
            pltpu.make_async_copy(
                table_hbm.at[idx_v.at[pl.ds(0, _CHUNK)]], in_v.at[b], gsem[b]
            ).wait()

        def out_start(off, b):
            pltpu.make_async_copy(
                out_v.at[b], out_hbm.at[pl.ds(base + off, _CHUNK)], osem[b]
            ).start()

        def out_wait(b):
            pltpu.make_async_copy(
                out_v.at[b], out_hbm.at[pl.ds(base, _CHUNK)], osem[b]
            ).wait()

        for b in range(_NBUF):
            gather(b * _CHUNK, b)

        def group_body(g, carry):
            for b in range(_NBUF):
                c = g * _NBUF + b
                off = c * _CHUNK
                gather_wait(b)

                @pl.when(c >= _NBUF)
                def _():
                    out_wait(b)

                def row_body(r, carry2):
                    for j in range(D_MODEL // _LANES):
                        sl = pl.ds(j * _LANES, _LANES)
                        out_v[b, r, sl] = in_v[b, r, sl] * _SCALE
                    return carry2

                lax.fori_loop(0, _CHUNK, row_body, 0)
                out_start(off, b)

                @pl.when(c + _NBUF < n_chunks)
                def _():
                    gather(off + _NBUF * _CHUNK, b)
            return carry

        lax.fori_loop(0, n_groups, group_body, 0)
        for b in range(_NBUF):
            out_wait(b)

    return k(xf, table)


def kernel(x, table):
    b, s = x.shape
    xf = x.reshape(b * s).astype(jnp.int32)
    out = _embed(xf, table)
    return out.reshape(b, s, D_MODEL)

# --- scband reference (transcript-rebuilt; emitter-appended) ---
"""Pipeline reference for scband-input-embeddings-38405597561818 (READ-ONLY COPY).

The authoritative reference and input builder live on the scoring server;
editing this copy changes nothing except your own understanding.
"""

import math
import jax, jax.numpy as jnp
import numpy as np

D_MODEL = 128
VOCAB = 100000

def setup_inputs(seed: int = 0) -> dict:
    key = jax.random.key(seed)
    k_idx, k_tab = jax.random.split(key)
    x = jax.random.randint(k_idx, (1024, 200), 0, VOCAB, dtype=jnp.int64 if jax.config.read('jax_enable_x64') else jnp.int32)
    table = jax.random.normal(k_tab, (VOCAB, D_MODEL), dtype=jnp.float32) * 0.02
    return {"x": x, "table": table}

def reference(x, table):
    # nn.Embedding lookup followed by scaling by sqrt(d_model)
    emb = jnp.take(table, x, axis=0)
    return emb * math.sqrt(D_MODEL)

if __name__ == "__main__":
    import jax
    _d = setup_inputs()
    print(jax.jit(kernel)(*tuple(_d.values())))

</pallas_src>

<mosaic_0001>
#map = affine_map<(d0, d1) -> (0)>
#map1 = affine_map<(d0, d1) -> (0, 0)>
module attributes {stable_mosaic.version = 14 : i64} {
  func.func @k(%arg0: i32, %arg1: i32, %arg2: memref<204800xi32, #tpu.memory_space<hbm>>, %arg3: memref<100000x128xf32, #tpu.memory_space<hbm>>, %arg4: memref<204800x128xf32, #tpu.memory_space<hbm>>, %arg5: memref<6400xi32, #tpu.memory_space<vmem>>, %arg6: memref<8x32x128xf32, #tpu.memory_space<vmem>>, %arg7: memref<8x32x128xf32, #tpu.memory_space<vmem>>, %arg8: memref<!tpu.dma_semaphore, #tpu.memory_space<semaphore_mem>>, %arg9: memref<!tpu.dma_semaphore, #tpu.memory_space<semaphore_mem>>, %arg10: memref<!tpu.dma_semaphore, #tpu.memory_space<semaphore_mem>>, %arg11: memref<!tpu.dma_semaphore, #tpu.memory_space<semaphore_mem>>, %arg12: memref<!tpu.dma_semaphore, #tpu.memory_space<semaphore_mem>>, %arg13: memref<!tpu.dma_semaphore, #tpu.memory_space<semaphore_mem>>, %arg14: memref<!tpu.dma_semaphore, #tpu.memory_space<semaphore_mem>>, %arg15: memref<!tpu.dma_semaphore, #tpu.memory_space<semaphore_mem>>, %arg16: memref<!tpu.dma_semaphore, #tpu.memory_space<semaphore_mem>>, %arg17: memref<!tpu.dma_semaphore, #tpu.memory_space<semaphore_mem>>, %arg18: memref<!tpu.dma_semaphore, #tpu.memory_space<semaphore_mem>>, %arg19: memref<!tpu.dma_semaphore, #tpu.memory_space<semaphore_mem>>, %arg20: memref<!tpu.dma_semaphore, #tpu.memory_space<semaphore_mem>>, %arg21: memref<!tpu.dma_semaphore, #tpu.memory_space<semaphore_mem>>, %arg22: memref<!tpu.dma_semaphore, #tpu.memory_space<semaphore_mem>>, %arg23: memref<!tpu.dma_semaphore, #tpu.memory_space<semaphore_mem>>) attributes {dimension_semantics = [#tpu.dimension_semantics<core_parallel>, #tpu.dimension_semantics<subcore_parallel>], iteration_bounds = array<i64: 2, 16>, scalar_prefetch = 0 : i64, scratch_operands = 19 : i64, tpu.core_type = #tpu.core_type<sc_vector_subcore>, window_params = [{transform_indices = #map}, {transform_indices = #map1}, {transform_indices = #map1}]} {
    %mul3A = arith.constant 2 : i32
    %mul3A_0 = arith.muli %arg1, %mul3A : i32
    %add3A = arith.addi %mul3A_0, %arg0 : i32
    %mul3A_1 = arith.constant 6400 : i32
    %mul3A_2 = arith.muli %add3A, %mul3A_1 : i32
    "tpu.region"() ({
      %run_scoped3A = tpu.sem_alloc : memref<!tpu.dma_semaphore, #tpu.memory_space<semaphore_mem>>
      %dma_start3A_190 = tpu.memref_slice %arg2[%mul3A_2] : memref<204800xi32, #tpu.memory_space<hbm>> -> memref<6400xi32, #tpu.memory_space<hbm>>
      %dma_start3A_191 = tpu.memref_slice %arg2[%mul3A_2] : memref<204800xi32, #tpu.memory_space<hbm>> -> memref<6400xi32, #tpu.memory_space<hbm>>
      tpu.enqueue_dma source(%dma_start3A_191 : memref<6400xi32, #tpu.memory_space<hbm>>) target(%arg5 : memref<6400xi32, #tpu.memory_space<vmem>>) target_semaphore(%run_scoped3A : memref<!tpu.dma_semaphore, #tpu.memory_space<semaphore_mem>>)
      %dma_wait3A_192 = tpu.memref_slice %arg2[%mul3A_2] : memref<204800xi32, #tpu.memory_space<hbm>> -> memref<6400xi32, #tpu.memory_space<hbm>>
      %dma_wait3A_193 = tpu.memref_slice %arg2[%mul3A_2] : memref<204800xi32, #tpu.memory_space<hbm>> -> memref<6400xi32, #tpu.memory_space<hbm>>
      tpu.wait_dma2 semaphore(%run_scoped3A : memref<!tpu.dma_semaphore, #tpu.memory_space<semaphore_mem>>) src(%dma_wait3A_193 : memref<6400xi32, #tpu.memory_space<hbm>>) dst(%arg5 : memref<6400xi32, #tpu.memory_space<vmem>>)
      tpu.yield
    }) : () -> ()
    %dma_start3A = arith.constant 0 : i32
    %dma_start3A_3 = arith.constant 0 : i32
    %dma_start3A_4 = arith.constant 0 : i32
    %dma_start3A_5 = tpu.memref_slice %arg6[%dma_start3A, %dma_start3A_3, %dma_start3A_4] : memref<8x32x128xf32, #tpu.memory_space<vmem>> -> memref<1x32x128xf32, #tpu.memory_space<vmem>>
    %dma_start3A_6 = tpu.memref_squeeze %dma_start3A_5 : memref<1x32x128xf32, #tpu.memory_space<vmem>> -> memref<32x128xf32, #tpu.memory_space<vmem>>
    %dma_start3A_7 = arith.constant 0 : i32
    %dma_start3A_8 = tpu.memref_slice %arg5[%dma_start3A_7] : memref<6400xi32, #tpu.memory_space<vmem>> -> memref<32xi32, #tpu.memory_space<vmem>>
    %dma_start3A_9 = arith.constant 0 : i32
    %dma_start3A_10 = arith.constant 0 : i32
    %dma_start3A_11 = tpu.memref_slice %arg3[%dma_start3A_9, %dma_start3A_10] : memref<100000x128xf32, #tpu.memory_space<hbm>> -> memref<100000x128xf32, #tpu.memory_space<hbm>>
    tpu.enqueue_indirect_dma source(%dma_start3A_11 : memref<100000x128xf32, #tpu.memory_space<hbm>>) target(%dma_start3A_6 : memref<32x128xf32, #tpu.memory_space<vmem>>) offsets(%dma_start3A_8 : memref<32xi32, #tpu.memory_space<vmem>>) semaphore(%arg8 : memref<!tpu.dma_semaphore, #tpu.memory_space<semaphore_mem>>)
    %dma_start3A_12 = arith.constant 1 : i32
    %dma_start3A_13 = arith.constant 0 : i32
    %dma_start3A_14 = arith.constant 0 : i32
    %dma_start3A_15 = tpu.memref_slice %arg6[%dma_start3A_12, %dma_start3A_13, %dma_start3A_14] : memref<8x32x128xf32, #tpu.memory_space<vmem>> -> memref<1x32x128xf32, #tpu.memory_space<vmem>>
    %dma_start3A_16 = tpu.memref_squeeze %dma_start3A_15 : memref<1x32x128xf32, #tpu.memory_space<vmem>> -> memref<32x128xf32, #tpu.memory_space<vmem>>
    %dma_start3A_17 = arith.constant 32 : i32
    %dma_start3A_18 = tpu.memref_slice %arg5[%dma_start3A_17] : memref<6400xi32, #tpu.memory_space<vmem>> -> memref<32xi32, #tpu.memory_space<vmem>>
    %dma_start3A_19 = arith.constant 0 : i32
    %dma_start3A_20 = arith.constant 0 : i32
    %dma_start3A_21 = tpu.memref_slice %arg3[%dma_start3A_19, %dma_start3A_20] : memref<100000x128xf32, #tpu.memory_space<hbm>> -> memref<100000x128xf32, #tpu.memory_space<hbm>>
    tpu.enqueue_indirect_dma source(%dma_start3A_21 : memref<100000x128xf32, #tpu.memory_space<hbm>>) target(%dma_start3A_16 : memref<32x128xf32, #tpu.memory_space<vmem>>) offsets(%dma_start3A_18 : memref<32xi32, #tpu.memory_space<vmem>>) semaphore(%arg9 : memref<!tpu.dma_semaphore, #tpu.memory_space<semaphore_mem>>)
    %dma_start3A_22 = arith.constant 2 : i32
    %dma_start3A_23 = arith.constant 0 : i32
    %dma_start3A_24 = arith.constant 0 : i32
    %dma_start3A_25 = tpu.memref_slice %arg6[%dma_start3A_22, %dma_start3A_23, %dma_start3A_24] : memref<8x32x128xf32, #tpu.memory_space<vmem>> -> memref<1x32x128xf32, #tpu.memory_space<vmem>>
    %dma_start3A_26 = tpu.memref_squeeze %dma_start3A_25 : memref<1x32x128xf32, #tpu.memory_space<vmem>> -> memref<32x128xf32, #tpu.memory_space<vmem>>
    %dma_start3A_27 = arith.constant 64 : i32
    %dma_start3A_28 = tpu.memref_slice %arg5[%dma_start3A_27] : memref<6400xi32, #tpu.memory_space<vmem>> -> memref<32xi32, #tpu.memory_space<vmem>>
    %dma_start3A_29 = arith.constant 0 : i32
    %dma_start3A_30 = arith.constant 0 : i32
    %dma_start3A_31 = tpu.memref_slice %arg3[%dma_start3A_29, %dma_start3A_30] : memref<100000x128xf32, #tpu.memory_space<hbm>> -> memref<100000x128xf32, #tpu.memory_space<hbm>>
    tpu.enqueue_indirect_dma source(%dma_start3A_31 : memref<100000x128xf32, #tpu.memory_space<hbm>>) target(%dma_start3A_26 : memref<32x128xf32, #tpu.memory_space<vmem>>) offsets(%dma_start3A_28 : memref<32xi32, #tpu.memory_space<vmem>>) semaphore(%arg10 : memref<!tpu.dma_semaphore, #tpu.memory_space<semaphore_mem>>)
    %dma_start3A_32 = arith.constant 3 : i32
    %dma_start3A_33 = arith.constant 0 : i32
    %dma_start3A_34 = arith.constant 0 : i32
    %dma_start3A_35 = tpu.memref_slice %arg6[%dma_start3A_32, %dma_start3A_33, %dma_start3A_34] : memref<8x32x128xf32, #tpu.memory_space<vmem>> -> memref<1x32x128xf32, #tpu.memory_space<vmem>>
    %dma_start3A_36 = tpu.memref_squeeze %dma_start3A_35 : memref<1x32x128xf32, #tpu.memory_space<vmem>> -> memref<32x128xf32, #tpu.memory_space<vmem>>
    %dma_start3A_37 = arith.constant 96 : i32
    %dma_start3A_38 = tpu.memref_slice %arg5[%dma_start3A_37] : memref<6400xi32, #tpu.memory_space<vmem>> -> memref<32xi32, #tpu.memory_space<vmem>>
    %dma_start3A_39 = arith.constant 0 : i32
    %dma_start3A_40 = arith.constant 0 : i32
    %dma_start3A_41 = tpu.memref_slice %arg3[%dma_start3A_39, %dma_start3A_40] : memref<100000x128xf32, #tpu.memory_space<hbm>> -> memref<100000x128xf32, #tpu.memory_space<hbm>>
    tpu.enqueue_indirect_dma source(%dma_start3A_41 : memref<100000x128xf32, #tpu.memory_space<hbm>>) target(%dma_start3A_36 : memref<32x128xf32, #tpu.memory_space<vmem>>) offsets(%dma_start3A_38 : memref<32xi32, #tpu.memory_space<vmem>>) semaphore(%arg11 : memref<!tpu.dma_semaphore, #tpu.memory_space<semaphore_mem>>)
    %dma_start3A_42 = arith.constant 4 : i32
    %dma_start3A_43 = arith.constant 0 : i32
    %dma_start3A_44 = arith.constant 0 : i32
    %dma_start3A_45 = tpu.memref_slice %arg6[%dma_start3A_42, %dma_start3A_43, %dma_start3A_44] : memref<8x32x128xf32, #tpu.memory_space<vmem>> -> memref<1x32x128xf32, #tpu.memory_space<vmem>>
    %dma_start3A_46 = tpu.memref_squeeze %dma_start3A_45 : memref<1x32x128xf32, #tpu.memory_space<vmem>> -> memref<32x128xf32, #tpu.memory_space<vmem>>
    %dma_start3A_47 = arith.constant 128 : i32
    %dma_start3A_48 = tpu.memref_slice %arg5[%dma_start3A_47] : memref<6400xi32, #tpu.memory_space<vmem>> -> memref<32xi32, #tpu.memory_space<vmem>>
    %dma_start3A_49 = arith.constant 0 : i32
    %dma_start3A_50 = arith.constant 0 : i32
    %dma_start3A_51 = tpu.memref_slice %arg3[%dma_start3A_49, %dma_start3A_50] : memref<100000x128xf32, #tpu.memory_space<hbm>> -> memref<100000x128xf32, #tpu.memory_space<hbm>>
    tpu.enqueue_indirect_dma source(%dma_start3A_51 : memref<100000x128xf32, #tpu.memory_space<hbm>>) target(%dma_start3A_46 : memref<32x128xf32, #tpu.memory_space<vmem>>) offsets(%dma_start3A_48 : memref<32xi32, #tpu.memory_space<vmem>>) semaphore(%arg12 : memref<!tpu.dma_semaphore, #tpu.memory_space<semaphore_mem>>)
    %dma_start3A_52 = arith.constant 5 : i32
    %dma_start3A_53 = arith.constant 0 : i32
    %dma_start3A_54 = arith.constant 0 : i32
    %dma_start3A_55 = tpu.memref_slice %arg6[%dma_start3A_52, %dma_start3A_53, %dma_start3A_54] : memref<8x32x128xf32, #tpu.memory_space<vmem>> -> memref<1x32x128xf32, #tpu.memory_space<vmem>>
    %dma_start3A_56 = tpu.memref_squeeze %dma_start3A_55 : memref<1x32x128xf32, #tpu.memory_space<vmem>> -> memref<32x128xf32, #tpu.memory_space<vmem>>
    %dma_start3A_57 = arith.constant 160 : i32
    %dma_start3A_58 = tpu.memref_slice %arg5[%dma_start3A_57] : memref<6400xi32, #tpu.memory_space<vmem>> -> memref<32xi32, #tpu.memory_space<vmem>>
    %dma_start3A_59 = arith.constant 0 : i32
    %dma_start3A_60 = arith.constant 0 : i32
    %dma_start3A_61 = tpu.memref_slice %arg3[%dma_start3A_59, %dma_start3A_60] : memref<100000x128xf32, #tpu.memory_space<hbm>> -> memref<100000x128xf32, #tpu.memory_space<hbm>>
    tpu.enqueue_indirect_dma source(%dma_start3A_61 : memref<100000x128xf32, #tpu.memory_space<hbm>>) target(%dma_start3A_56 : memref<32x128xf32, #tpu.memory_space<vmem>>) offsets(%dma_start3A_58 : memref<32xi32, #tpu.memory_space<vmem>>) semaphore(%arg13 : memref<!tpu.dma_semaphore, #tpu.memory_space<semaphore_mem>>)
    %dma_start3A_62 = arith.constant 6 : i32
    %dma_start3A_63 = arith.constant 0 : i32
    %dma_start3A_64 = arith.constant 0 : i32
    %dma_start3A_65 = tpu.memref_slice %arg6[%dma_start3A_62, %dma_start3A_63, %dma_start3A_64] : memref<8x32x128xf32, #tpu.memory_space<vmem>> -> memref<1x32x128xf32, #tpu.memory_space<vmem>>
    %dma_start3A_66 = tpu.memref_squeeze %dma_start3A_65 : memref<1x32x128xf32, #tpu.memory_space<vmem>> -> memref<32x128xf32, #tpu.memory_space<vmem>>
    %dma_start3A_67 = arith.constant 192 : i32
    %dma_start3A_68 = tpu.memref_slice %arg5[%dma_start3A_67] : memref<6400xi32, #tpu.memory_space<vmem>> -> memref<32xi32, #tpu.memory_space<vmem>>
    %dma_start3A_69 = arith.constant 0 : i32
    %dma_start3A_70 = arith.constant 0 : i32
    %dma_start3A_71 = tpu.memref_slice %arg3[%dma_start3A_69, %dma_start3A_70] : memref<100000x128xf32, #tpu.memory_space<hbm>> -> memref<100000x128xf32, #tpu.memory_space<hbm>>
    tpu.enqueue_indirect_dma source(%dma_start3A_71 : memref<100000x128xf32, #tpu.memory_space<hbm>>) target(%dma_start3A_66 : memref<32x128xf32, #tpu.memory_space<vmem>>) offsets(%dma_start3A_68 : memref<32xi32, #tpu.memory_space<vmem>>) semaphore(%arg14 : memref<!tpu.dma_semaphore, #tpu.memory_space<semaphore_mem>>)
    %dma_start3A_72 = arith.constant 7 : i32
    %dma_start3A_73 = arith.constant 0 : i32
    %dma_start3A_74 = arith.constant 0 : i32
    %dma_start3A_75 = tpu.memref_slice %arg6[%dma_start3A_72, %dma_start3A_73, %dma_start3A_74] : memref<8x32x128xf32, #tpu.memory_space<vmem>> -> memref<1x32x128xf32, #tpu.memory_space<vmem>>
    %dma_start3A_76 = tpu.memref_squeeze %dma_start3A_75 : memref<1x32x128xf32, #tpu.memory_space<vmem>> -> memref<32x128xf32, #tpu.memory_space<vmem>>
    %dma_start3A_77 = arith.constant 224 : i32
    %dma_start3A_78 = tpu.memref_slice %arg5[%dma_start3A_77] : memref<6400xi32, #tpu.memory_space<vmem>> -> memref<32xi32, #tpu.memory_space<vmem>>
    %dma_start3A_79 = arith.constant 0 : i32
    %dma_start3A_80 = arith.constant 0 : i32
    %dma_start3A_81 = tpu.memref_slice %arg3[%dma_start3A_79, %dma_start3A_80] : memref<100000x128xf32, #tpu.memory_space<hbm>> -> memref<100000x128xf32, #tpu.memory_space<hbm>>
    tpu.enqueue_indirect_dma source(%dma_start3A_81 : memref<100000x128xf32, #tpu.memory_space<hbm>>) target(%dma_start3A_76 : memref<32x128xf32, #tpu.memory_space<vmem>>) offsets(%dma_start3A_78 : memref<32xi32, #tpu.memory_space<vmem>>) semaphore(%arg15 : memref<!tpu.dma_semaphore, #tpu.memory_space<semaphore_mem>>)
    %scan3A = arith.constant 0 : i32
    %scan3A_82 = arith.constant 0 : i32
    %scan3A_83 = arith.constant 25 : i32
    %scan3A_84 = arith.addi %scan3A_82, %scan3A_83 : i32
    %scan3A_85 = arith.constant 1 : i32
    scf.for %scan3A_190 = %scan3A_82 to %scan3A_84 step %scan3A_85  : i32 {
      %mul3A_191 = arith.constant 8 : i32
      %mul3A_192 = arith.muli %scan3A_190, %mul3A_191 : i32
      %add3A_193 = arith.constant 0 : i32
      %add3A_194 = arith.addi %mul3A_192, %add3A_193 : i32
      %mul3A_195 = arith.constant 32 : i32
      %mul3A_196 = arith.muli %add3A_194, %mul3A_195 : i32
      %dma_wait3A_197 = arith.constant 0 : i32
      %dma_wait3A_198 = arith.constant 0 : i32
      %dma_wait3A_199 = arith.constant 0 : i32
      %dma_wait3A_200 = tpu.memref_slice %arg6[%dma_wait3A_197, %dma_wait3A_198, %dma_wait3A_199] : memref<8x32x128xf32, #tpu.memory_space<vmem>> -> memref<1x32x128xf32, #tpu.memory_space<vmem>>
      %dma_wait3A_201 = tpu.memref_squeeze %dma_wait3A_200 : memref<1x32x128xf32, #tpu.memory_space<vmem>> -> memref<32x128xf32, #tpu.memory_space<vmem>>
      %dma_wait3A_202 = arith.constant 0 : i32
      %dma_wait3A_203 = tpu.memref_slice %arg5[%dma_wait3A_202] : memref<6400xi32, #tpu.memory_space<vmem>> -> memref<32xi32, #tpu.memory_space<vmem>>
      %dma_wait3A_204 = arith.constant 0 : i32
      %dma_wait3A_205 = arith.constant 0 : i32
      %dma_wait3A_206 = tpu.memref_slice %arg3[%dma_wait3A_204, %dma_wait3A_205] : memref<100000x128xf32, #tpu.memory_space<hbm>> -> memref<100000x128xf32, #tpu.memory_space<hbm>>
      tpu.wait_indirect_dma semaphore(%arg8 : memref<!tpu.dma_semaphore, #tpu.memory_space<semaphore_mem>>) src(%dma_wait3A_206 : memref<100000x128xf32, #tpu.memory_space<hbm>>) dst(%dma_wait3A_201 : memref<32x128xf32, #tpu.memory_space<vmem>>)
      %ge3A = arith.constant 8 : i32
      %ge3A_207 = arith.cmpi sge, %add3A_194, %ge3A : i32
      %convert_element_type3A = arith.extui %ge3A_207 : i1 to i32
      %cond3A = arith.constant 0 : i32
      %cond3A_208 = arith.cmpi ne, %convert_element_type3A, %cond3A : i32
      scf.if %cond3A_208 {
        %dma_wait3A_571 = arith.constant 0 : i32
        %dma_wait3A_572 = arith.constant 0 : i32
        %dma_wait3A_573 = arith.constant 0 : i32
        %dma_wait3A_574 = tpu.memref_slice %arg7[%dma_wait3A_571, %dma_wait3A_572, %dma_wait3A_573] : memref<8x32x128xf32, #tpu.memory_space<vmem>> -> memref<1x32x128xf32, #tpu.memory_space<vmem>>
        %dma_wait3A_575 = tpu.memref_squeeze %dma_wait3A_574 : memref<1x32x128xf32, #tpu.memory_space<vmem>> -> memref<32x128xf32, #tpu.memory_space<vmem>>
        %dma_wait3A_576 = arith.constant 0 : i32
        %dma_wait3A_577 = tpu.memref_slice %arg4[%mul3A_2, %dma_wait3A_576] : memref<204800x128xf32, #tpu.memory_space<hbm>> -> memref<32x128xf32, #tpu.memory_space<hbm>>
        %dma_wait3A_578 = arith.constant 0 : i32
        %dma_wait3A_579 = tpu.memref_slice %arg4[%mul3A_2, %dma_wait3A_578] : memref<204800x128xf32, #tpu.memory_space<hbm>> -> memref<32x128xf32, #tpu.memory_space<hbm>>
        %dma_wait3A_580 = arith.constant 0 : i32
        %dma_wait3A_581 = arith.constant 0 : i32
        %dma_wait3A_582 = tpu.memref_slice %arg7[%dma_wait3A_571, %dma_wait3A_580, %dma_wait3A_581] : memref<8x32x128xf32, #tpu.memory_space<vmem>> -> memref<1x32x128xf32, #tpu.memory_space<vmem>>
        %dma_wait3A_583 = tpu.memref_squeeze %dma_wait3A_582 : memref<1x32x128xf32, #tpu.memory_space<vmem>> -> memref<32x128xf32, #tpu.memory_space<vmem>>
        tpu.wait_dma2 semaphore(%arg16 : memref<!tpu.dma_semaphore, #tpu.memory_space<semaphore_mem>>) src(%dma_wait3A_583 : memref<32x128xf32, #tpu.memory_space<vmem>>) dst(%dma_wait3A_579 : memref<32x128xf32, #tpu.memory_space<hbm>>)
      } else {
      }
      %scan3A_209 = arith.constant 0 : i32
      %scan3A_210 = arith.constant 0 : i32
      %scan3A_211 = arith.constant 32 : i32
      %scan3A_212 = arith.addi %scan3A_210, %scan3A_211 : i32
      %scan3A_213 = arith.constant 1 : i32
      scf.for %scan3A_571 = %scan3A_210 to %scan3A_212 step %scan3A_213  : i32 {
        %get3A = arith.constant 0 : i32
        %get3A_572 = arith.index_cast %get3A : i32 to index
        %get3A_573 = arith.index_cast %scan3A_571 : i32 to index
        %get3A_574 = arith.constant 0 : index
        %get3A_575 = tpu.vector_load %arg6[%get3A_572, %get3A_573, %get3A_574] {strides = array<i32>} : memref<8x32x128xf32, #tpu.memory_space<vmem>>, vector<1x1x16xf32>,
        %get3A_576 = vector.shape_cast %get3A_575 : vector<1x1x16xf32> to vector<16xf32>
        %mul3A_577 = arith.constant 11.3137083 : f32
        %mul3A_578 = vector.broadcast %mul3A_577 : f32 to vector<16xf32>
        %mul3A_579 = arith.mulf %get3A_576, %mul3A_578 : vector<16xf32>
        %swap3A = arith.constant 0 : i32
        %swap3A_580 = arith.index_cast %swap3A : i32 to index
        %swap3A_581 = arith.index_cast %scan3A_571 : i32 to index
        %swap3A_582 = arith.constant 0 : index
        %swap3A_583 = tpu.vector_load %arg7[%swap3A_580, %swap3A_581, %swap3A_582] {strides = array<i32>} : memref<8x32x128xf32, #tpu.memory_space<vmem>>, vector<1x1x16xf32>,
        %swap3A_584 = vector.shape_cast %swap3A_583 : vector<1x1x16xf32> to vector<16xf32>
        %swap3A_585 = vector.shape_cast %mul3A_579 : vector<16xf32> to vector<1x1x16xf32>
        tpu.vector_store %arg7[%swap3A_580, %swap3A_581, %swap3A_582], %swap3A_585 {strides = array<i32>} : memref<8x32x128xf32, #tpu.memory_space<vmem>>, vector<1x1x16xf32>,
        %get3A_586 = arith.constant 0 : i32
        %get3A_587 = arith.index_cast %get3A_586 : i32 to index
        %get3A_588 = arith.index_cast %scan3A_571 : i32 to index
        %get3A_589 = arith.constant 16 : index
        %get3A_590 = tpu.vector_load %arg6[%get3A_587, %get3A_588, %get3A_589] {strides = array<i32>} : memref<8x32x128xf32, #tpu.memory_space<vmem>>, vector<1x1x16xf32>,
        %get3A_591 = vector.shape_cast %get3A_590 : vector<1x1x16xf32> to vector<16xf32>
        %mul3A_592 = arith.constant 11.3137083 : f32
        %mul3A_593 = vector.broadcast %mul3A_592 : f32 to vector<16xf32>
        %mul3A_594 = arith.mulf %get3A_591, %mul3A_593 : vector<16xf32>
        %swap3A_595 = arith.constant 0 : i32
        %swap3A_596 = arith.index_cast %swap3A_595 : i32 to index
        %swap3A_597 = arith.index_cast %scan3A_571 : i32 to index
        %swap3A_598 = arith.constant 16 : index
        %swap3A_599 = tpu.vector_load %arg7[%swap3A_596, %swap3A_597, %swap3A_598] {strides = array<i32>} : memref<8x32x128xf32, #tpu.memory_space<vmem>>, vector<1x1x16xf32>,
        %swap3A_600 = vector.shape_cast %swap3A_599 : vector<1x1x16xf32> to vector<16xf32>
        %swap3A_601 = vector.shape_cast %mul3A_594 : vector<16xf32> to vector<1x1x16xf32>
        tpu.vector_store %arg7[%swap3A_596, %swap3A_597, %swap3A_598], %swap3A_601 {strides = array<i32>} : memref<8x32x128xf32, #tpu.memory_space<vmem>>, vector<1x1x16xf32>,
        %get3A_602 = arith.constant 0 : i32
        %get3A_603 = arith.index_cast %get3A_602 : i32 to index
        %get3A_604 = arith.index_cast %scan3A_571 : i32 to index
        %get3A_605 = arith.constant 32 : index
        %get3A_606 = tpu.vector_load %arg6[%get3A_603, %get3A_604, %get3A_605] {strides = array<i32>} : memref<8x32x128xf32, #tpu.memory_space<vmem>>, vector<1x1x16xf32>,
        %get3A_607 = vector.shape_cast %get3A_606 : vector<1x1x16xf32> to vector<16xf32>
        %mul3A_608 = arith.constant 11.3137083 : f32
        %mul3A_609 = vector.broadcast %mul3A_608 : f32 to vector<16xf32>
        %mul3A_610 = arith.mulf %get3A_607, %mul3A_609 : vector<16xf32>
        %swap3A_611 = arith.constant 0 : i32
        %swap3A_612 = arith.index_cast %swap3A_611 : i32 to index
        %swap3A_613 = arith.index_cast %scan3A_571 : i32 to index
        %swap3A_614 = arith.constant 32 : index
        %swap3A_615 = tpu.vector_load %arg7[%swap3A_612, %swap3A_613, %swap3A_614] {strides = array<i32>} : memref<8x32x128xf32, #tpu.memory_space<vmem>>, vector<1x1x16xf32>,
        %swap3A_616 = vector.shape_cast %swap3A_615 : vector<1x1x16xf32> to vector<16xf32>
        %swap3A_617 = vector.shape_cast %mul3A_610 : vector<16xf32> to vector<1x1x16xf32>
        tpu.vector_store %arg7[%swap3A_612, %swap3A_613, %swap3A_614], %swap3A_617 {strides = array<i32>} : memref<8x32x128xf32, #tpu.memory_space<vmem>>, vector<1x1x16xf32>,
        %get3A_618 = arith.constant 0 : i32
        %get3A_619 = arith.index_cast %get3A_618 : i32 to index
        %get3A_620 = arith.index_cast %scan3A_571 : i32 to index
        %get3A_621 = arith.constant 48 : index
        %get3A_622 = tpu.vector_load %arg6[%get3A_619, %get3A_620, %get3A_621] {strides = array<i32>} : memref<8x32x128xf32, #tpu.memory_space<vmem>>, vector<1x1x16xf32>,
        %get3A_623 = vector.shape_cast %get3A_622 : vector<1x1x16xf32> to vector<16xf32>
        %mul3A_624 = arith.constant 11.3137083 : f32
        %mul3A_625 = vector.broadcast %mul3A_624 : f32 to vector<16xf32>
        %mul3A_626 = arith.mulf %get3A_623, %mul3A_625 : vector<16xf32>
        %swap3A_627 = arith.constant 0 : i32
        %swap3A_628 = arith.index_cast %swap3A_627 : i32 to index
        %swap3A_629 = arith.index_cast %scan3A_571 : i32 to index
        %swap3A_630 = arith.constant 48 : index
        %swap3A_631 = tpu.vector_load %arg7[%swap3A_628, %swap3A_629, %swap3A_630] {strides = array<i32>} : memref<8x32x128xf32, #tpu.memory_space<vmem>>, vector<1x1x16xf32>,
        %swap3A_632 = vector.shape_cast %swap3A_631 : vector<1x1x16xf32> to vector<16xf32>
        %swap3A_633 = vector.shape_cast %mul3A_626 : vector<16xf32> to vector<1x1x16xf32>
        tpu.vector_store %arg7[%swap3A_628, %swap3A_629, %swap3A_630], %swap3A_633 {strides = array<i32>} : memref<8x32x128xf32, #tpu.memory_space<vmem>>, vector<1x1x16xf32>,
        %get3A_634 = arith.constant 0 : i32
        %get3A_635 = arith.index_cast %get3A_634 : i32 to index
        %get3A_636 = arith.index_cast %scan3A_571 : i32 to index
        %get3A_637 = arith.constant 64 : index
        %get3A_638 = tpu.vector_load %arg6[%get3A_635, %get3A_636, %get3A_637] {strides = array<i32>} : memref<8x32x128xf32, #tpu.memory_space<vmem>>, vector<1x1x16xf32>,
        %get3A_639 = vector.shape_cast %get3A_638 : vector<1x1x16xf32> to vector<16xf32>
        %mul3A_640 = arith.constant 11.3137083 : f32
        %mul3A_641 = vector.broadcast %mul3A_640 : f32 to vector<16xf32>
        %mul3A_642 = arith.mulf %get3A_639, %mul3A_641 : vector<16xf32>
        %swap3A_643 = arith.constant 0 : i32
        %swap3A_644 = arith.index_cast %swap3A_643 : i32 to index
        %swap3A_645 = arith.index_cast %scan3A_571 : i32 to index
        %swap3A_646 = arith.constant 64 : index
        %swap3A_647 = tpu.vector_load %arg7[%swap3A_644, %swap3A_645, %swap3A_646] {strides = array<i32>} : memref<8x32x128xf32, #tpu.memory_space<vmem>>, vector<1x1x16xf32>,
        %swap3A_648 = vector.shape_cast %swap3A_647 : vector<1x1x16xf32> to vector<16xf32>
        %swap3A_649 = vector.shape_cast %mul3A_642 : vector<16xf32> to vector<1x1x16xf32>
        tpu.vector_store %arg7[%swap3A_644, %swap3A_645, %swap3A_646], %swap3A_649 {strides = array<i32>} : memref<8x32x128xf32, #tpu.memory_space<vmem>>, vector<1x1x16xf32>,
        %get3A_650 = arith.constant 0 : i32
        %get3A_651 = arith.index_cast %get3A_650 : i32 to index
        %get3A_652 = arith.index_cast %scan3A_571 : i32 to index
        %get3A_653 = arith.constant 80 : index
        %get3A_654 = tpu.vector_load %arg6[%get3A_651, %get3A_652, %get3A_653] {strides = array<i32>} : memref<8x32x128xf32, #tpu.memory_space<vmem>>, vector<1x1x16xf32>,
        %get3A_655 = vector.shape_cast %get3A_654 : vector<1x1x16xf32> to vector<16xf32>
        %mul3A_656 = arith.constant 11.3137083 : f32
        %mul3A_657 = vector.broadcast %mul3A_656 : f32 to vector<16xf32>
        %mul3A_658 = arith.mulf %get3A_655, %mul3A_657 : vector<16xf32>
        %swap3A_659 = arith.constant 0 : i32
        %swap3A_660 = arith.index_cast %swap3A_659 : i32 to index
        %swap3A_661 = arith.index_cast %scan3A_571 : i32 to index
        %swap3A_662 = arith.constant 80 : index
        %swap3A_663 = tpu.vector_load %arg7[%swap3A_660, %swap3A_661, %swap3A_662] {strides = array<i32>} : memref<8x32x128xf32, #tpu.memory_space<vmem>>, vector<1x1x16xf32>,
        %swap3A_664 = vector.shape_cast %swap3A_663 : vector<1x1x16xf32> to vector<16xf32>
        %swap3A_665 = vector.shape_cast %mul3A_658 : vector<16xf32> to vector<1x1x16xf32>
        tpu.vector_store %arg7[%swap3A_660, %swap3A_661, %swap3A_662], %swap3A_665 {strides = array<i32>} : memref<8x32x128xf32, #tpu.memory_space<vmem>>, vector<1x1x16xf32>,
        %get3A_666 = arith.constant 0 : i32
        %get3A_667 = arith.index_cast %get3A_666 : i32 to index
        %get3A_668 = arith.index_cast %scan3A_571 : i32 to index
        %get3A_669 = arith.constant 96 : index
        %get3A_670 = tpu.vector_load %arg6[%get3A_667, %get3A_668, %get3A_669] {strides = array<i32>} : memref<8x32x128xf32, #tpu.memory_space<vmem>>, vector<1x1x16xf32>,
        %get3A_671 = vector.shape_cast %get3A_670 : vector<1x1x16xf32> to vector<16xf32>
        %mul3A_672 = arith.constant 11.3137083 : f32
        %mul3A_673 = vector.broadcast %mul3A_672 : f32 to vector<16xf32>
        %mul3A_674 = arith.mulf %get3A_671, %mul3A_673 : vector<16xf32>
        %swap3A_675 = arith.constant 0 : i32
        %swap3A_676 = arith.index_cast %swap3A_675 : i32 to index
        %swap3A_677 = arith.index_cast %scan3A_571 : i32 to index
        %swap3A_678 = arith.constant 96 : index
        %swap3A_679 = tpu.vector_load %arg7[%swap3A_676, %swap3A_677, %swap3A_678] {strides = array<i32>} : memref<8x32x128xf32, #tpu.memory_space<vmem>>, vector<1x1x16xf32>,
        %swap3A_680 = vector.shape_cast %swap3A_679 : vector<1x1x16xf32> to vector<16xf32>
        %swap3A_681 = vector.shape_cast %mul3A_674 : vector<16xf32> to vector<1x1x16xf32>
        tpu.vector_store %arg7[%swap3A_676, %swap3A_677, %swap3A_678], %swap3A_681 {strides = array<i32>} : memref<8x32x128xf32, #tpu.memory_space<vmem>>, vector<1x1x16xf32>,
        %get3A_682 = arith.constant 0 : i32
        %get3A_683 = arith.index_cast %get3A_682 : i32 to index
        %get3A_684 = arith.index_cast %scan3A_571 : i32 to index
        %get3A_685 = arith.constant 112 : index
        %get3A_686 = tpu.vector_load %arg6[%get3A_683, %get3A_684, %get3A_685] {strides = array<i32>} : memref<8x32x128xf32, #tpu.memory_space<vmem>>, vector<1x1x16xf32>,
        %get3A_687 = vector.shape_cast %get3A_686 : vector<1x1x16xf32> to vector<16xf32>
        %mul3A_688 = arith.constant 11.3137083 : f32
        %mul3A_689 = vector.broadcast %mul3A_688 : f32 to vector<16xf32>
        %mul3A_690 = arith.mulf %get3A_687, %mul3A_689 : vector<16xf32>
        %swap3A_691 = arith.constant 0 : i32
        %swap3A_692 = arith.index_cast %swap3A_691 : i32 to index
        %swap3A_693 = arith.index_cast %scan3A_571 : i32 to index
        %swap3A_694 = arith.constant 112 : index
        %swap3A_695 = tpu.vector_load %arg7[%swap3A_692, %swap3A_693, %swap3A_694] {strides = array<i32>} : memref<8x32x128xf32, #tpu.memory_space<vmem>>, vector<1x1x16xf32>,
        %swap3A_696 = vector.shape_cast %swap3A_695 : vector<1x1x16xf32> to vector<16xf32>
        %swap3A_697 = vector.shape_cast %mul3A_690 : vector<16xf32> to vector<1x1x16xf32>
        tpu.vector_store %arg7[%swap3A_692, %swap3A_693, %swap3A_694], %swap3A_697 {strides = array<i32>} : memref<8x32x128xf32, #tpu.memory_space<vmem>>, vector<1x1x16xf32>,
      }
      %scan3A_214 = arith.constant 32 : i32
      %add3A_215 = arith.addi %mul3A_2, %mul3A_196 : i32
      %dma_start3A_216 = arith.constant 0 : i32
      %dma_start3A_217 = arith.constant 0 : i32
      %dma_start3A_218 = arith.constant 0 : i32
      %dma_start3A_219 = tpu.memref_slice %arg7[%dma_start3A_216, %dma_start3A_217, %dma_start3A_218] : memref<8x32x128xf32, #tpu.memory_space<vmem>> -> memref<1x32x128xf32, #tpu.memory_space<vmem>>
      %dma_start3A_220 = tpu.memref_squeeze %dma_start3A_219 : memref<1x32x128xf32, #tpu.memory_space<vmem>> -> memref<32x128xf32, #tpu.memory_space<vmem>>
      %dma_start3A_221 = arith.constant 0 : i32
      %dma_start3A_222 = tpu.memref_slice %arg4[%add3A_215, %dma_start3A_221] : memref<204800x128xf32, #tpu.memory_space<hbm>> -> memref<32x128xf32, #tpu.memory_space<hbm>>
      %dma_start3A_223 = arith.constant 0 : i32
      %dma_start3A_224 = tpu.memref_slice %arg4[%add3A_215, %dma_start3A_223] : memref<204800x128xf32, #tpu.memory_space<hbm>> -> memref<32x128xf32, #tpu.memory_space<hbm>>
      %dma_start3A_225 = arith.constant 0 : i32
      %dma_start3A_226 = arith.constant 0 : i32
      %dma_start3A_227 = tpu.memref_slice %arg7[%dma_start3A_216, %dma_start3A_225, %dma_start3A_226] : memref<8x32x128xf32, #tpu.memory_space<vmem>> -> memref<1x32x128xf32, #tpu.memory_space<vmem>>
      %dma_start3A_228 = tpu.memref_squeeze %dma_start3A_227 : memref<1x32x128xf32, #tpu.memory_space<vmem>> -> memref<32x128xf32, #tpu.memory_space<vmem>>
      tpu.enqueue_dma source(%dma_start3A_228 : memref<32x128xf32, #tpu.memory_space<vmem>>) target(%dma_start3A_224 : memref<32x128xf32, #tpu.memory_space<hbm>>) target_semaphore(%arg16 : memref<!tpu.dma_semaphore, #tpu.memory_space<semaphore_mem>>)
      %add3A_229 = arith.constant 8 : i32
      %add3A_230 = arith.addi %add3A_194, %add3A_229 : i32
      %lt3A = arith.constant 200 : i32
      %lt3A_231 = arith.cmpi slt, %add3A_230, %lt3A : i32
      %convert_element_type3A_232 = arith.extui %lt3A_231 : i1 to i32
      %cond3A_233 = arith.constant 0 : i32
      %cond3A_234 = arith.cmpi ne, %convert_element_type3A_232, %cond3A_233 : i32
      scf.if %cond3A_234 {
        %add3A_571 = arith.constant 256 : i32
        %add3A_572 = arith.addi %mul3A_196, %add3A_571 : i32
        %dma_start3A_573 = arith.constant 0 : i32
        %dma_start3A_574 = arith.constant 0 : i32
        %dma_start3A_575 = arith.constant 0 : i32
        %dma_start3A_576 = tpu.memref_slice %arg6[%dma_start3A_573, %dma_start3A_574, %dma_start3A_575] : memref<8x32x128xf32, #tpu.memory_space<vmem>> -> memref<1x32x128xf32, #tpu.memory_space<vmem>>
        %dma_start3A_577 = tpu.memref_squeeze %dma_start3A_576 : memref<1x32x128xf32, #tpu.memory_space<vmem>> -> memref<32x128xf32, #tpu.memory_space<vmem>>
        %dma_start3A_578 = tpu.memref_slice %arg5[%add3A_572] : memref<6400xi32, #tpu.memory_space<vmem>> -> memref<32xi32, #tpu.memory_space<vmem>>
        %dma_start3A_579 = arith.constant 0 : i32
        %dma_start3A_580 = arith.constant 0 : i32
        %dma_start3A_581 = tpu.memref_slice %arg3[%dma_start3A_579, %dma_start3A_580] : memref<100000x128xf32, #tpu.memory_space<hbm>> -> memref<100000x128xf32, #tpu.memory_space<hbm>>
        tpu.enqueue_indirect_dma source(%dma_start3A_581 : memref<100000x128xf32, #tpu.memory_space<hbm>>) target(%dma_start3A_577 : memref<32x128xf32, #tpu.memory_space<vmem>>) offsets(%dma_start3A_578 : memref<32xi32, #tpu.memory_space<vmem>>) semaphore(%arg8 : memref<!tpu.dma_semaphore, #tpu.memory_space<semaphore_mem>>)
      } else {
      }
      %mul3A_235 = arith.constant 8 : i32
      %mul3A_236 = arith.muli %scan3A_190, %mul3A_235 : i32
      %add3A_237 = arith.constant 1 : i32
      %add3A_238 = arith.addi %mul3A_236, %add3A_237 : i32
      %mul3A_239 = arith.constant 32 : i32
      %mul3A_240 = arith.muli %add3A_238, %mul3A_239 : i32
      %dma_wait3A_241 = arith.constant 1 : i32
      %dma_wait3A_242 = arith.constant 0 : i32
      %dma_wait3A_243 = arith.constant 0 : i32
      %dma_wait3A_244 = tpu.memref_slice %arg6[%dma_wait3A_241, %dma_wait3A_242, %dma_wait3A_243] : memref<8x32x128xf32, #tpu.memory_space<vmem>> -> memref<1x32x128xf32, #tpu.memory_space<vmem>>
      %dma_wait3A_245 = tpu.memref_squeeze %dma_wait3A_244 : memref<1x32x128xf32, #tpu.memory_space<vmem>> -> memref<32x128xf32, #tpu.memory_space<vmem>>
      %dma_wait3A_246 = arith.constant 0 : i32
      %dma_wait3A_247 = tpu.memref_slice %arg5[%dma_wait3A_246] : memref<6400xi32, #tpu.memory_space<vmem>> -> memref<32xi32, #tpu.memory_space<vmem>>
      %dma_wait3A_248 = arith.constant 0 : i32
      %dma_wait3A_249 = arith.constant 0 : i32
      %dma_wait3A_250 = tpu.memref_slice %arg3[%dma_wait3A_248, %dma_wait3A_249] : memref<100000x128xf32, #tpu.memory_space<hbm>> -> memref<100000x128xf32, #tpu.memory_space<hbm>>
      tpu.wait_indirect_dma semaphore(%arg9 : memref<!tpu.dma_semaphore, #tpu.memory_space<semaphore_mem>>) src(%dma_wait3A_250 : memref<100000x128xf32, #tpu.memory_space<hbm>>) dst(%dma_wait3A_245 : memref<32x128xf32, #tpu.memory_space<vmem>>)
      %ge3A_251 = arith.constant 8 : i32
      %ge3A_252 = arith.cmpi sge, %add3A_238, %ge3A_251 : i32
      %convert_element_type3A_253 = arith.extui %ge3A_252 : i1 to i32
      %cond3A_254 = arith.constant 0 : i32
      %cond3A_255 = arith.cmpi ne, %convert_element_type3A_253, %cond3A_254 : i32
      scf.if %cond3A_255 {
        %dma_wait3A_571 = arith.constant 1 : i32
        %dma_wait3A_572 = arith.constant 0 : i32
        %dma_wait3A_573 = arith.constant 0 : i32
        %dma_wait3A_574 = tpu.memref_slice %arg7[%dma_wait3A_571, %dma_wait3A_572, %dma_wait3A_573] : memref<8x32x128xf32, #tpu.memory_space<vmem>> -> memref<1x32x128xf32, #tpu.memory_space<vmem>>
        %dma_wait3A_575 = tpu.memref_squeeze %dma_wait3A_574 : memref<1x32x128xf32, #tpu.memory_space<vmem>> -> memref<32x128xf32, #tpu.memory_space<vmem>>
        %dma_wait3A_576 = arith.constant 0 : i32
        %dma_wait3A_577 = tpu.memref_slice %arg4[%mul3A_2, %dma_wait3A_576] : memref<204800x128xf32, #tpu.memory_space<hbm>> -> memref<32x128xf32, #tpu.memory_space<hbm>>
        %dma_wait3A_578 = arith.constant 0 : i32
        %dma_wait3A_579 = tpu.memref_slice %arg4[%mul3A_2, %dma_wait3A_578] : memref<204800x128xf32, #tpu.memory_space<hbm>> -> memref<32x128xf32, #tpu.memory_space<hbm>>
        %dma_wait3A_580 = arith.constant 0 : i32
        %dma_wait3A_581 = arith.constant 0 : i32
        %dma_wait3A_582 = tpu.memref_slice %arg7[%dma_wait3A_571, %dma_wait3A_580, %dma_wait3A_581] : memref<8x32x128xf32, #tpu.memory_space<vmem>> -> memref<1x32x128xf32, #tpu.memory_space<vmem>>
        %dma_wait3A_583 = tpu.memref_squeeze %dma_wait3A_582 : memref<1x32x128xf32, #tpu.memory_space<vmem>> -> memref<32x128xf32, #tpu.memory_space<vmem>>
        tpu.wait_dma2 semaphore(%arg17 : memref<!tpu.dma_semaphore, #tpu.memory_space<semaphore_mem>>) src(%dma_wait3A_583 : memref<32x128xf32, #tpu.memory_space<vmem>>) dst(%dma_wait3A_579 : memref<32x128xf32, #tpu.memory_space<hbm>>)
      } else {
      }
      %scan3A_256 = arith.constant 0 : i32
      %scan3A_257 = arith.constant 0 : i32
      %scan3A_258 = arith.constant 32 : i32
      %scan3A_259 = arith.addi %scan3A_257, %scan3A_258 : i32
      %scan3A_260 = arith.constant 1 : i32
      scf.for %scan3A_571 = %scan3A_257 to %scan3A_259 step %scan3A_260  : i32 {
        %get3A = arith.constant 1 : i32
        %get3A_572 = arith.index_cast %get3A : i32 to index
        %get3A_573 = arith.index_cast %scan3A_571 : i32 to index
        %get3A_574 = arith.constant 0 : index
        %get3A_575 = tpu.vector_load %arg6[%get3A_572, %get3A_573, %get3A_574] {strides = array<i32>} : memref<8x32x128xf32, #tpu.memory_space<vmem>>, vector<1x1x16xf32>,
        %get3A_576 = vector.shape_cast %get3A_575 : vector<1x1x16xf32> to vector<16xf32>
        %mul3A_577 = arith.constant 11.3137083 : f32
        %mul3A_578 = vector.broadcast %mul3A_577 : f32 to vector<16xf32>
        %mul3A_579 = arith.mulf %get3A_576, %mul3A_578 : vector<16xf32>
        %swap3A = arith.constant 1 : i32
        %swap3A_580 = arith.index_cast %swap3A : i32 to index
        %swap3A_581 = arith.index_cast %scan3A_571 : i32 to index
        %swap3A_582 = arith.constant 0 : index
        %swap3A_583 = tpu.vector_load %arg7[%swap3A_580, %swap3A_581, %swap3A_582] {strides = array<i32>} : memref<8x32x128xf32, #tpu.memory_space<vmem>>, vector<1x1x16xf32>,
        %swap3A_584 = vector.shape_cast %swap3A_583 : vector<1x1x16xf32> to vector<16xf32>
        %swap3A_585 = vector.shape_cast %mul3A_579 : vector<16xf32> to vector<1x1x16xf32>
        tpu.vector_store %arg7[%swap3A_580, %swap3A_581, %swap3A_582], %swap3A_585 {strides = array<i32>} : memref<8x32x128xf32, #tpu.memory_space<vmem>>, vector<1x1x16xf32>,
        %get3A_586 = arith.constant 1 : i32
        %get3A_587 = arith.index_cast %get3A_586 : i32 to index
        %get3A_588 = arith.index_cast %scan3A_571 : i32 to index
        %get3A_589 = arith.constant 16 : index
        %get3A_590 = tpu.vector_load %arg6[%get3A_587, %get3A_588, %get3A_589] {strides = array<i32>} : memref<8x32x128xf32, #tpu.memory_space<vmem>>, vector<1x1x16xf32>,
        %get3A_591 = vector.shape_cast %get3A_590 : vector<1x1x16xf32> to vector<16xf32>
        %mul3A_592 = arith.constant 11.3137083 : f32
        %mul3A_593 = vector.broadcast %mul3A_592 : f32 to vector<16xf32>
        %mul3A_594 = arith.mulf %get3A_591, %mul3A_593 : vector<16xf32>
        %swap3A_595 = arith.constant 1 : i32
        %swap3A_596 = arith.index_cast %swap3A_595 : i32 to index
        %swap3A_597 = arith.index_cast %scan3A_571 : i32 to index
        %swap3A_598 = arith.constant 16 : index
        %swap3A_599 = tpu.vector_load %arg7[%swap3A_596, %swap3A_597, %swap3A_598] {strides = array<i32>} : memref<8x32x128xf32, #tpu.memory_space<vmem>>, vector<1x1x16xf32>,
        %swap3A_600 = vector.shape_cast %swap3A_599 : vector<1x1x16xf32> to vector<16xf32>
        %swap3A_601 = vector.shape_cast %mul3A_594 : vector<16xf32> to vector<1x1x16xf32>
        tpu.vector_store %arg7[%swap3A_596, %swap3A_597, %swap3A_598], %swap3A_601 {strides = array<i32>} : memref<8x32x128xf32, #tpu.memory_space<vmem>>, vector<1x1x16xf32>,
        %get3A_602 = arith.constant 1 : i32
        %get3A_603 = arith.index_cast %get3A_602 : i32 to index
        %get3A_604 = arith.index_cast %scan3A_571 : i32 to index
        %get3A_605 = arith.constant 32 : index
        %get3A_606 = tpu.vector_load %arg6[%get3A_603, %get3A_604, %get3A_605] {strides = array<i32>} : memref<8x32x128xf32, #tpu.memory_space<vmem>>, vector<1x1x16xf32>,
        %get3A_607 = vector.shape_cast %get3A_606 : vector<1x1x16xf32> to vector<16xf32>
        %mul3A_608 = arith.constant 11.3137083 : f32
        %mul3A_609 = vector.broadcast %mul3A_608 : f32 to vector<16xf32>
        %mul3A_610 = arith.mulf %get3A_607, %mul3A_609 : vector<16xf32>
        %swap3A_611 = arith.constant 1 : i32
        %swap3A_612 = arith.index_cast %swap3A_611 : i32 to index
        %swap3A_613 = arith.index_cast %scan3A_571 : i32 to index
        %swap3A_614 = arith.constant 32 : index
        %swap3A_615 = tpu.vector_load %arg7[%swap3A_612, %swap3A_613, %swap3A_614] {strides = array<i32>} : memref<8x32x128xf32, #tpu.memory_space<vmem>>, vector<1x1x16xf32>,
        %swap3A_616 = vector.shape_cast %swap3A_615 : vector<1x1x16xf32> to vector<16xf32>
        %swap3A_617 = vector.shape_cast %mul3A_610 : vector<16xf32> to vector<1x1x16xf32>
        tpu.vector_store %arg7[%swap3A_612, %swap3A_613, %swap3A_614], %swap3A_617 {strides = array<i32>} : memref<8x32x128xf32, #tpu.memory_space<vmem>>, vector<1x1x16xf32>,
        %get3A_618 = arith.constant 1 : i32
        %get3A_619 = arith.index_cast %get3A_618 : i32 to index
        %get3A_620 = arith.index_cast %scan3A_571 : i32 to index
        %get3A_621 = arith.constant 48 : index
        %get3A_622 = tpu.vector_load %arg6[%get3A_619, %get3A_620, %get3A_621] {strides = array<i32>} : memref<8x32x128xf32, #tpu.memory_space<vmem>>, vector<1x1x16xf32>,
        %get3A_623 = vector.shape_cast %get3A_622 : vector<1x1x16xf32> to vector<16xf32>
        %mul3A_624 = arith.constant 11.3137083 : f32
        %mul3A_625 = vector.broadcast %mul3A_624 : f32 to vector<16xf32>
        %mul3A_626 = arith.mulf %get3A_623, %mul3A_625 : vector<16xf32>
        %swap3A_627 = arith.constant 1 : i32
        %swap3A_628 = arith.index_cast %swap3A_627 : i32 to index
        %swap3A_629 = arith.index_cast %scan3A_571 : i32 to index
        %swap3A_630 = arith.constant 48 : index
        %swap3A_631 = tpu.vector_load %arg7[%swap3A_628, %swap3A_629, %swap3A_630] {strides = array<i32>} : memref<8x32x128xf32, #tpu.memory_space<vmem>>, vector<1x1x16xf32>,
        %swap3A_632 = vector.shape_cast %swap3A_631 : vector<1x1x16xf32> to vector<16xf32>
        %swap3A_633 = vector.shape_cast %mul3A_626 : vector<16xf32> to vector<1x1x16xf32>
        tpu.vector_store %arg7[%swap3A_628, %swap3A_629, %swap3A_630], %swap3A_633 {strides = array<i32>} : memref<8x32x128xf32, #tpu.memory_space<vmem>>, vector<1x1x16xf32>,
        %get3A_634 = arith.constant 1 : i32
        %get3A_635 = arith.index_cast %get3A_634 : i32 to index
        %get3A_636 = arith.index_cast %scan3A_571 : i32 to index
        %get3A_637 = arith.constant 64 : index
        %get3A_638 = tpu.vector_load %arg6[%get3A_635, %get3A_636, %get3A_637] {strides = array<i32>} : memref<8x32x128xf32, #tpu.memory_space<vmem>>, vector<1x1x16xf32>,
        %get3A_639 = vector.shape_cast %get3A_638 : vector<1x1x16xf32> to vector<16xf32>
        %mul3A_640 = arith.constant 11.3137083 : f32
        %mul3A_641 = vector.broadcast %mul3A_640 : f32 to vector<16xf32>
        %mul3A_642 = arith.mulf %get3A_639, %mul3A_641 : vector<16xf32>
        %swap3A_643 = arith.constant 1 : i32
        %swap3A_644 = arith.index_cast %swap3A_643 : i32 to index
        %swap3A_645 = arith.index_cast %scan3A_571 : i32 to index
        %swap3A_646 = arith.constant 64 : index
        %swap3A_647 = tpu.vector_load %arg7[%swap3A_644, %swap3A_645, %swap3A_646] {strides = array<i32>} : memref<8x32x128xf32, #tpu.memory_space<vmem>>, vector<1x1x16xf32>,
        %swap3A_648 = vector.shape_cast %swap3A_647 : vector<1x1x16xf32> to vector<16xf32>
        %swap3A_649 = vector.shape_cast %mul3A_642 : vector<16xf32> to vector<1x1x16xf32>
        tpu.vector_store %arg7[%swap3A_644, %swap3A_645, %swap3A_646], %swap3A_649 {strides = array<i32>} : memref<8x32x128xf32, #tpu.memory_space<vmem>>, vector<1x1x16xf32>,
        %get3A_650 = arith.constant 1 : i32
        %get3A_651 = arith.index_cast %get3A_650 : i32 to index
        %get3A_652 = arith.index_cast %scan3A_571 : i32 to index
        %get3A_653 = arith.constant 80 : index
        %get3A_654 = tpu.vector_load %arg6[%get3A_651, %get3A_652, %get3A_653] {strides = array<i32>} : memref<8x32x128xf32, #tpu.memory_space<vmem>>, vector<1x1x16xf32>,
        %get3A_655 = vector.shape_cast %get3A_654 : vector<1x1x16xf32> to vector<16xf32>
        %mul3A_656 = arith.constant 11.3137083 : f32
        %mul3A_657 = vector.broadcast %mul3A_656 : f32 to vector<16xf32>
        %mul3A_658 = arith.mulf %get3A_655, %mul3A_657 : vector<16xf32>
        %swap3A_659 = arith.constant 1 : i32
        %swap3A_660 = arith.index_cast %swap3A_659 : i32 to index
        %swap3A_661 = arith.index_cast %scan3A_571 : i32 to index
        %swap3A_662 = arith.constant 80 : index
        %swap3A_663 = tpu.vector_load %arg7[%swap3A_660, %swap3A_661, %swap3A_662] {strides = array<i32>} : memref<8x32x128xf32, #tpu.memory_space<vmem>>, vector<1x1x16xf32>,
        %swap3A_664 = vector.shape_cast %swap3A_663 : vector<1x1x16xf32> to vector<16xf32>
        %swap3A_665 = vector.shape_cast %mul3A_658 : vector<16xf32> to vector<1x1x16xf32>
        tpu.vector_store %arg7[%swap3A_660, %swap3A_661, %swap3A_662], %swap3A_665 {strides = array<i32>} : memref<8x32x128xf32, #tpu.memory_space<vmem>>, vector<1x1x16xf32>,
        %get3A_666 = arith.constant 1 : i32
        %get3A_667 = arith.index_cast %get3A_666 : i32 to index
        %get3A_668 = arith.index_cast %scan3A_571 : i32 to index
        %get3A_669 = arith.constant 96 : index
        %get3A_670 = tpu.vector_load %arg6[%get3A_667, %get3A_668, %get3A_669] {strides = array<i32>} : memref<8x32x128xf32, #tpu.memory_space<vmem>>, vector<1x1x16xf32>,
        %get3A_671 = vector.shape_cast %get3A_670 : vector<1x1x16xf32> to vector<16xf32>
        %mul3A_672 = arith.constant 11.3137083 : f32
        %mul3A_673 = vector.broadcast %mul3A_672 : f32 to vector<16xf32>
        %mul3A_674 = arith.mulf %get3A_671, %mul3A_673 : vector<16xf32>
        %swap3A_675 = arith.constant 1 : i32
        %swap3A_676 = arith.index_cast %swap3A_675 : i32 to index
        %swap3A_677 = arith.index_cast %scan3A_571 : i32 to index
        %swap3A_678 = arith.constant 96 : index
        %swap3A_679 = tpu.vector_load %arg7[%swap3A_676, %swap3A_677, %swap3A_678] {strides = array<i32>} : memref<8x32x128xf32, #tpu.memory_space<vmem>>, vector<1x1x16xf32>,
        %swap3A_680 = vector.shape_cast %swap3A_679 : vector<1x1x16xf32> to vector<16xf32>
        %swap3A_681 = vector.shape_cast %mul3A_674 : vector<16xf32> to vector<1x1x16xf32>
        tpu.vector_store %arg7[%swap3A_676, %swap3A_677, %swap3A_678], %swap3A_681 {strides = array<i32>} : memref<8x32x128xf32, #tpu.memory_space<vmem>>, vector<1x1x16xf32>,
        %get3A_682 = arith.constant 1 : i32
        %get3A_683 = arith.index_cast %get3A_682 : i32 to index
        %get3A_684 = arith.index_cast %scan3A_571 : i32 to index
        %get3A_685 = arith.constant 112 : index
        %get3A_686 = tpu.vector_load %arg6[%get3A_683, %get3A_684, %get3A_685] {strides = array<i32>} : memref<8x32x128xf32, #tpu.memory_space<vmem>>, vector<1x1x16xf32>,
        %get3A_687 = vector.shape_cast %get3A_686 : vector<1x1x16xf32> to vector<16xf32>
        %mul3A_688 = arith.constant 11.3137083 : f32
        %mul3A_689 = vector.broadcast %mul3A_688 : f32 to vector<16xf32>
        %mul3A_690 = arith.mulf %get3A_687, %mul3A_689 : vector<16xf32>
        %swap3A_691 = arith.constant 1 : i32
        %swap3A_692 = arith.index_cast %swap3A_691 : i32 to index
        %swap3A_693 = arith.index_cast %scan3A_571 : i32 to index
        %swap3A_694 = arith.constant 112 : index
        %swap3A_695 = tpu.vector_load %arg7[%swap3A_692, %swap3A_693, %swap3A_694] {strides = array<i32>} : memref<8x32x128xf32, #tpu.memory_space<vmem>>, vector<1x1x16xf32>,
        %swap3A_696 = vector.shape_cast %swap3A_695 : vector<1x1x16xf32> to vector<16xf32>
        %swap3A_697 = vector.shape_cast %mul3A_690 : vector<16xf32> to vector<1x1x16xf32>
        tpu.vector_store %arg7[%swap3A_692, %swap3A_693, %swap3A_694], %swap3A_697 {strides = array<i32>} : memref<8x32x128xf32, #tpu.memory_space<vmem>>, vector<1x1x16xf32>,
      }
      %scan3A_261 = arith.constant 32 : i32
      %add3A_262 = arith.addi %mul3A_2, %mul3A_240 : i32
      %dma_start3A_263 = arith.constant 1 : i32
      %dma_start3A_264 = arith.constant 0 : i32
      %dma_start3A_265 = arith.constant 0 : i32
      %dma_start3A_266 = tpu.memref_slice %arg7[%dma_start3A_263, %dma_start3A_264, %dma_start3A_265] : memref<8x32x128xf32, #tpu.memory_space<vmem>> -> memref<1x32x128xf32, #tpu.memory_space<vmem>>
      %dma_start3A_267 = tpu.memref_squeeze %dma_start3A_266 : memref<1x32x128xf32, #tpu.memory_space<vmem>> -> memref<32x128xf32, #tpu.memory_space<vmem>>
      %dma_start3A_268 = arith.constant 0 : i32
      %dma_start3A_269 = tpu.memref_slice %arg4[%add3A_262, %dma_start3A_268] : memref<204800x128xf32, #tpu.memory_space<hbm>> -> memref<32x128xf32, #tpu.memory_space<hbm>>
      %dma_start3A_270 = arith.constant 0 : i32
      %dma_start3A_271 = tpu.memref_slice %arg4[%add3A_262, %dma_start3A_270] : memref<204800x128xf32, #tpu.memory_space<hbm>> -> memref<32x128xf32, #tpu.memory_space<hbm>>
      %dma_start3A_272 = arith.constant 0 : i32
      %dma_start3A_273 = arith.constant 0 : i32
      %dma_start3A_274 = tpu.memref_slice %arg7[%dma_start3A_263, %dma_start3A_272, %dma_start3A_273] : memref<8x32x128xf32, #tpu.memory_space<vmem>> -> memref<1x32x128xf32, #tpu.memory_space<vmem>>
      %dma_start3A_275 = tpu.memref_squeeze %dma_start3A_274 : memref<1x32x128xf32, #tpu.memory_space<vmem>> -> memref<32x128xf32, #tpu.memory_space<vmem>>
      tpu.enqueue_dma source(%dma_start3A_275 : memref<32x128xf32, #tpu.memory_space<vmem>>) target(%dma_start3A_271 : memref<32x128xf32, #tpu.memory_space<hbm>>) target_semaphore(%arg17 : memref<!tpu.dma_semaphore, #tpu.memory_space<semaphore_mem>>)
      %add3A_276 = arith.constant 8 : i32
      %add3A_277 = arith.addi %add3A_238, %add3A_276 : i32
      %lt3A_278 = arith.constant 200 : i32
      %lt3A_279 = arith.cmpi slt, %add3A_277, %lt3A_278 : i32
      %convert_element_type3A_280 = arith.extui %lt3A_279 : i1 to i32
      %cond3A_281 = arith.constant 0 : i32
      %cond3A_282 = arith.cmpi ne, %convert_element_type3A_280, %cond3A_281 : i32
      scf.if %cond3A_282 {
        %add3A_571 = arith.constant 256 : i32
        %add3A_572 = arith.addi %mul3A_240, %add3A_571 : i32
        %dma_start3A_573 = arith.constant 1 : i32
        %dma_start3A_574 = arith.constant 0 : i32
        %dma_start3A_575 = arith.constant 0 : i32
        %dma_start3A_576 = tpu.memref_slice %arg6[%dma_start3A_573, %dma_start3A_574, %dma_start3A_575] : memref<8x32x128xf32, #tpu.memory_space<vmem>> -> memref<1x32x128xf32, #tpu.memory_space<vmem>>
        %dma_start3A_577 = tpu.memref_squeeze %dma_start3A_576 : memref<1x32x128xf32, #tpu.memory_space<vmem>> -> memref<32x128xf32, #tpu.memory_space<vmem>>
        %dma_start3A_578 = tpu.memref_slice %arg5[%add3A_572] : memref<6400xi32, #tpu.memory_space<vmem>> -> memref<32xi32, #tpu.memory_space<vmem>>
        %dma_start3A_579 = arith.constant 0 : i32
        %dma_start3A_580 = arith.constant 0 : i32
        %dma_start3A_581 = tpu.memref_slice %arg3[%dma_start3A_579, %dma_start3A_580] : memref<100000x128xf32, #tpu.memory_space<hbm>> -> memref<100000x128xf32, #tpu.memory_space<hbm>>
        tpu.enqueue_indirect_dma source(%dma_start3A_581 : memref<100000x128xf32, #tpu.memory_space<hbm>>) target(%dma_start3A_577 : memref<32x128xf32, #tpu.memory_space<vmem>>) offsets(%dma_start3A_578 : memref<32xi32, #tpu.memory_space<vmem>>) semaphore(%arg9 : memref<!tpu.dma_semaphore, #tpu.memory_space<semaphore_mem>>)
      } else {
      }
      %mul3A_283 = arith.constant 8 : i32
      %mul3A_284 = arith.muli %scan3A_190, %mul3A_283 : i32
      %add3A_285 = arith.constant 2 : i32
      %add3A_286 = arith.addi %mul3A_284, %add3A_285 : i32
      %mul3A_287 = arith.constant 32 : i32
      %mul3A_288 = arith.muli %add3A_286, %mul3A_287 : i32
      %dma_wait3A_289 = arith.constant 2 : i32
      %dma_wait3A_290 = arith.constant 0 : i32
      %dma_wait3A_291 = arith.constant 0 : i32
      %dma_wait3A_292 = tpu.memref_slice %arg6[%dma_wait3A_289, %dma_wait3A_290, %dma_wait3A_291] : memref<8x32x128xf32, #tpu.memory_space<vmem>> -> memref<1x32x128xf32, #tpu.memory_space<vmem>>
      %dma_wait3A_293 = tpu.memref_squeeze %dma_wait3A_292 : memref<1x32x128xf32, #tpu.memory_space<vmem>> -> memref<32x128xf32, #tpu.memory_space<vmem>>
      %dma_wait3A_294 = arith.constant 0 : i32
      %dma_wait3A_295 = tpu.memref_slice %arg5[%dma_wait3A_294] : memref<6400xi32, #tpu.memory_space<vmem>> -> memref<32xi32, #tpu.memory_space<vmem>>
      %dma_wait3A_296 = arith.constant 0 : i32
      %dma_wait3A_297 = arith.constant 0 : i32
      %dma_wait3A_298 = tpu.memref_slice %arg3[%dma_wait3A_296, %dma_wait3A_297] : memref<100000x128xf32, #tpu.memory_space<hbm>> -> memref<100000x128xf32, #tpu.memory_space<hbm>>
      tpu.wait_indirect_dma semaphore(%arg10 : memref<!tpu.dma_semaphore, #tpu.memory_space<semaphore_mem>>) src(%dma_wait3A_298 : memref<100000x128xf32, #tpu.memory_space<hbm>>) dst(%dma_wait3A_293 : memref<32x128xf32, #tpu.memory_space<vmem>>)
      %ge3A_299 = arith.constant 8 : i32
      %ge3A_300 = arith.cmpi sge, %add3A_286, %ge3A_299 : i32
      %convert_element_type3A_301 = arith.extui %ge3A_300 : i1 to i32
      %cond3A_302 = arith.constant 0 : i32
      %cond3A_303 = arith.cmpi ne, %convert_element_type3A_301, %cond3A_302 : i32
      scf.if %cond3A_303 {
        %dma_wait3A_571 = arith.constant 2 : i32
        %dma_wait3A_572 = arith.constant 0 : i32
        %dma_wait3A_573 = arith.constant 0 : i32
        %dma_wait3A_574 = tpu.memref_slice %arg7[%dma_wait3A_571, %dma_wait3A_572, %dma_wait3A_573] : memref<8x32x128xf32, #tpu.memory_space<vmem>> -> memref<1x32x128xf32, #tpu.memory_space<vmem>>
        %dma_wait3A_575 = tpu.memref_squeeze %dma_wait3A_574 : memref<1x32x128xf32, #tpu.memory_space<vmem>> -> memref<32x128xf32, #tpu.memory_space<vmem>>
        %dma_wait3A_576 = arith.constant 0 : i32
        %dma_wait3A_577 = tpu.memref_slice %arg4[%mul3A_2, %dma_wait3A_576] : memref<204800x128xf32, #tpu.memory_space<hbm>> -> memref<32x128xf32, #tpu.memory_space<hbm>>
        %dma_wait3A_578 = arith.constant 0 : i32
        %dma_wait3A_579 = tpu.memref_slice %arg4[%mul3A_2, %dma_wait3A_578] : memref<204800x128xf32, #tpu.memory_space<hbm>> -> memref<32x128xf32, #tpu.memory_space<hbm>>
        %dma_wait3A_580 = arith.constant 0 : i32
        %dma_wait3A_581 = arith.constant 0 : i32
        %dma_wait3A_582 = tpu.memref_slice %arg7[%dma_wait3A_571, %dma_wait3A_580, %dma_wait3A_581] : memref<8x32x128xf32, #tpu.memory_space<vmem>> -> memref<1x32x128xf32, #tpu.memory_space<vmem>>
        %dma_wait3A_583 = tpu.memref_squeeze %dma_wait3A_582 : memref<1x32x128xf32, #tpu.memory_space<vmem>> -> memref<32x128xf32, #tpu.memory_space<vmem>>
        tpu.wait_dma2 semaphore(%arg18 : memref<!tpu.dma_semaphore, #tpu.memory_space<semaphore_mem>>) src(%dma_wait3A_583 : memref<32x128xf32, #tpu.memory_space<vmem>>) dst(%dma_wait3A_579 : memref<32x128xf32, #tpu.memory_space<hbm>>)
      } else {
      }
      %scan3A_304 = arith.constant 0 : i32
      %scan3A_305 = arith.constant 0 : i32
      %scan3A_306 = arith.constant 32 : i32
      %scan3A_307 = arith.addi %scan3A_305, %scan3A_306 : i32
      %scan3A_308 = arith.constant 1 : i32
      scf.for %scan3A_571 = %scan3A_305 to %scan3A_307 step %scan3A_308  : i32 {
        %get3A = arith.constant 2 : i32
        %get3A_572 = arith.index_cast %get3A : i32 to index
        %get3A_573 = arith.index_cast %scan3A_571 : i32 to index
        %get3A_574 = arith.constant 0 : index
        %get3A_575 = tpu.vector_load %arg6[%get3A_572, %get3A_573, %get3A_574] {strides = array<i32>} : memref<8x32x128xf32, #tpu.memory_space<vmem>>, vector<1x1x16xf32>,
        %get3A_576 = vector.shape_cast %get3A_575 : vector<1x1x16xf32> to vector<16xf32>
        %mul3A_577 = arith.constant 11.3137083 : f32
        %mul3A_578 = vector.broadcast %mul3A_577 : f32 to vector<16xf32>
        %mul3A_579 = arith.mulf %get3A_576, %mul3A_578 : vector<16xf32>
        %swap3A = arith.constant 2 : i32
        %swap3A_580 = arith.index_cast %swap3A : i32 to index
        %swap3A_581 = arith.index_cast %scan3A_571 : i32 to index
        %swap3A_582 = arith.constant 0 : index
        %swap3A_583 = tpu.vector_load %arg7[%swap3A_580, %swap3A_581, %swap3A_582] {strides = array<i32>} : memref<8x32x128xf32, #tpu.memory_space<vmem>>, vector<1x1x16xf32>,
        %swap3A_584 = vector.shape_cast %swap3A_583 : vector<1x1x16xf32> to vector<16xf32>
        %swap3A_585 = vector.shape_cast %mul3A_579 : vector<16xf32> to vector<1x1x16xf32>
        tpu.vector_store %arg7[%swap3A_580, %swap3A_581, %swap3A_582], %swap3A_585 {strides = array<i32>} : memref<8x32x128xf32, #tpu.memory_space<vmem>>, vector<1x1x16xf32>,
        %get3A_586 = arith.constant 2 : i32
        %get3A_587 = arith.index_cast %get3A_586 : i32 to index
        %get3A_588 = arith.index_cast %scan3A_571 : i32 to index
        %get3A_589 = arith.constant 16 : index
        %get3A_590 = tpu.vector_load %arg6[%get3A_587, %get3A_588, %get3A_589] {strides = array<i32>} : memref<8x32x128xf32, #tpu.memory_space<vmem>>, vector<1x1x16xf32>,
        %get3A_591 = vector.shape_cast %get3A_590 : vector<1x1x16xf32> to vector<16xf32>
        %mul3A_592 = arith.constant 11.3137083 : f32
        %mul3A_593 = vector.broadcast %mul3A_592 : f32 to vector<16xf32>
        %mul3A_594 = arith.mulf %get3A_591, %mul3A_593 : vector<16xf32>
        %swap3A_595 = arith.constant 2 : i32
        %swap3A_596 = arith.index_cast %swap3A_595 : i32 to index
        %swap3A_597 = arith.index_cast %scan3A_571 : i32 to index
        %swap3A_598 = arith.constant 16 : index
        %swap3A_599 = tpu.vector_load %arg7[%swap3A_596, %swap3A_597, %swap3A_598] {strides = array<i32>} : memref<8x32x128xf32, #tpu.memory_space<vmem>>, vector<1x1x16xf32>,
        %swap3A_600 = vector.shape_cast %swap3A_599 : vector<1x1x16xf32> to vector<16xf32>
        %swap3A_601 = vector.shape_cast %mul3A_594 : vector<16xf32> to vector<1x1x16xf32>
        tpu.vector_store %arg7[%swap3A_596, %swap3A_597, %swap3A_598], %swap3A_601 {strides = array<i32>} : memref<8x32x128xf32, #tpu.memory_space<vmem>>, vector<1x1x16xf32>,
        %get3A_602 = arith.constant 2 : i32
        %get3A_603 = arith.index_cast %get3A_602 : i32 to index
        %get3A_604 = arith.index_cast %scan3A_571 : i32 to index
        %get3A_605 = arith.constant 32 : index
        %get3A_606 = tpu.vector_load %arg6[%get3A_603, %get3A_604, %get3A_605] {strides = array<i32>} : memref<8x32x128xf32, #tpu.memory_space<vmem>>, vector<1x1x16xf32>,
        %get3A_607 = vector.shape_cast %get3A_606 : vector<1x1x16xf32> to vector<16xf32>
        %mul3A_608 = arith.constant 11.3137083 : f32
        %mul3A_609 = vector.broadcast %mul3A_608 : f32 to vector<16xf32>
        %mul3A_610 = arith.mulf %get3A_607, %mul3A_609 : vector<16xf32>
        %swap3A_611 = arith.constant 2 : i32
        %swap3A_612 = arith.index_cast %swap3A_611 : i32 to index
        %swap3A_613 = arith.index_cast %scan3A_571 : i32 to index
        %swap3A_614 = arith.constant 32 : index
        %swap3A_615 = tpu.vector_load %arg7[%swap3A_612, %swap3A_613, %swap3A_614] {strides = array<i32>} : memref<8x32x128xf32, #tpu.memory_space<vmem>>, vector<1x1x16xf32>,
        %swap3A_616 = vector.shape_cast %swap3A_615 : vector<1x1x16xf32> to vector<16xf32>
        %swap3A_617 = vector.shape_cast %mul3A_610 : vector<16xf32> to vector<1x1x16xf32>
        tpu.vector_store %arg7[%swap3A_612, %swap3A_613, %swap3A_614], %swap3A_617 {strides = array<i32>} : memref<8x32x128xf32, #tpu.memory_space<vmem>>, vector<1x1x16xf32>,
        %get3A_618 = arith.constant 2 : i32
        %get3A_619 = arith.index_cast %get3A_618 : i32 to index
        %get3A_620 = arith.index_cast %scan3A_571 : i32 to index
        %get3A_621 = arith.constant 48 : index
        %get3A_622 = tpu.vector_load %arg6[%get3A_619, %get3A_620, %get3A_621] {strides = array<i32>} : memref<8x32x128xf32, #tpu.memory_space<vmem>>, vector<1x1x16xf32>,
        %get3A_623 = vector.shape_cast %get3A_622 : vector<1x1x16xf32> to vector<16xf32>
        %mul3A_624 = arith.constant 11.3137083 : f32
        %mul3A_625 = vector.broadcast %mul3A_624 : f32 to vector<16xf32>
        %mul3A_626 = arith.mulf %get3A_623, %mul3A_625 : vector<16xf32>
        %swap3A_627 = arith.constant 2 : i32
        %swap3A_628 = arith.index_cast %swap3A_627 : i32 to index
        %swap3A_629 = arith.index_cast %scan3A_571 : i32 to index
        %swap3A_630 = arith.constant 48 : index
        %swap3A_631 = tpu.vector_load %arg7[%swap3A_628, %swap3A_629, %swap3A_630] {strides = array<i32>} : memref<8x32x128xf32, #tpu.memory_space<vmem>>, vector<1x1x16xf32>,
        %swap3A_632 = vector.shape_cast %swap3A_631 : vector<1x1x16xf32> to vector<16xf32>
        %swap3A_633 = vector.shape_cast %mul3A_626 : vector<16xf32> to vector<1x1x16xf32>
        tpu.vector_store %arg7[%swap3A_628, %swap3A_629, %swap3A_630], %swap3A_633 {strides = array<i32>} : memref<8x32x128xf32, #tpu.memory_space<vmem>>, vector<1x1x16xf32>,
        %get3A_634 = arith.constant 2 : i32
        %get3A_635 = arith.index_cast %get3A_634 : i32 to index
        %get3A_636 = arith.index_cast %scan3A_571 : i32 to index
        %get3A_637 = arith.constant 64 : index
        %get3A_638 = tpu.vector_load %arg6[%get3A_635, %get3A_636, %get3A_637] {strides = array<i32>} : memref<8x32x128xf32, #tpu.memory_space<vmem>>, vector<1x1x16xf32>,
        %get3A_639 = vector.shape_cast %get3A_638 : vector<1x1x16xf32> to vector<16xf32>
        %mul3A_640 = arith.constant 11.3137083 : f32
        %mul3A_641 = vector.broadcast %mul3A_640 : f32 to vector<16xf32>
        %mul3A_642 = arith.mulf %get3A_639, %mul3A_641 : vector<16xf32>
        %swap3A_643 = arith.constant 2 : i32
        %swap3A_644 = arith.index_cast %swap3A_643 : i32 to index
        %swap3A_645 = arith.index_cast %scan3A_571 : i32 to index
        %swap3A_646 = arith.constant 64 : index
        %swap3A_647 = tpu.vector_load %arg7[%swap3A_644, %swap3A_645, %swap3A_646] {strides = array<i32>} : memref<8x32x128xf32, #tpu.memory_space<vmem>>, vector<1x1x16xf32>,
        %swap3A_648 = vector.shape_cast %swap3A_647 : vector<1x1x16xf32> to vector<16xf32>
        %swap3A_649 = vector.shape_cast %mul3A_642 : vector<16xf32> to vector<1x1x16xf32>
        tpu.vector_store %arg7[%swap3A_644, %swap3A_645, %swap3A_646], %swap3A_649 {strides = array<i32>} : memref<8x32x128xf32, #tpu.memory_space<vmem>>, vector<1x1x16xf32>,
        %get3A_650 = arith.constant 2 : i32
        %get3A_651 = arith.index_cast %get3A_650 : i32 to index
        %get3A_652 = arith.index_cast %scan3A_571 : i32 to index
        %get3A_653 = arith.constant 80 : index
        %get3A_654 = tpu.vector_load %arg6[%get3A_651, %get3A_652, %get3A_653] {strides = array<i32>} : memref<8x32x128xf32, #tpu.memory_space<vmem>>, vector<1x1x16xf32>,
        %get3A_655 = vector.shape_cast %get3A_654 : vector<1x1x16xf32> to vector<16xf32>
        %mul3A_656 = arith.constant 11.3137083 : f32
        %mul3A_657 = vector.broadcast %mul3A_656 : f32 to vector<16xf32>
        %mul3A_658 = arith.mulf %get3A_655, %mul3A_657 : vector<16xf32>
        %swap3A_659 = arith.constant 2 : i32
        %swap3A_660 = arith.index_cast %swap3A_659 : i32 to index
        %swap3A_661 = arith.index_cast %scan3A_571 : i32 to index
        %swap3A_662 = arith.constant 80 : index
        %swap3A_663 = tpu.vector_load %arg7[%swap3A_660, %swap3A_661, %swap3A_662] {strides = array<i32>} : memref<8x32x128xf32, #tpu.memory_space<vmem>>, vector<1x1x16xf32>,
        %swap3A_664 = vector.shape_cast %swap3A_663 : vector<1x1x16xf32> to vector<16xf32>
        %swap3A_665 = vector.shape_cast %mul3A_658 : vector<16xf32> to vector<1x1x16xf32>
        tpu.vector_store %arg7[%swap3A_660, %swap3A_661, %swap3A_662], %swap3A_665 {strides = array<i32>} : memref<8x32x128xf32, #tpu.memory_space<vmem>>, vector<1x1x16xf32>,
        %get3A_666 = arith.constant 2 : i32
        %get3A_667 = arith.index_cast %get3A_666 : i32 to index
        %get3A_668 = arith.index_cast %scan3A_571 : i32 to index
        %get3A_669 = arith.constant 96 : index
        %get3A_670 = tpu.vector_load %arg6[%get3A_667, %get3A_668, %get3A_669] {strides = array<i32>} : memref<8x32x128xf32, #tpu.memory_space<vmem>>, vector<1x1x16xf32>,
        %get3A_671 = vector.shape_cast %get3A_670 : vector<1x1x16xf32> to vector<16xf32>
        %mul3A_672 = arith.constant 11.3137083 : f32
        %mul3A_673 = vector.broadcast %mul3A_672 : f32 to vector<16xf32>
        %mul3A_674 = arith.mulf %get3A_671, %mul3A_673 : vector<16xf32>
        %swap3A_675 = arith.constant 2 : i32
        %swap3A_676 = arith.index_cast %swap3A_675 : i32 to index
        %swap3A_677 = arith.index_cast %scan3A_571 : i32 to index
        %swap3A_678 = arith.constant 96 : index
        %swap3A_679 = tpu.vector_load %arg7[%swap3A_676, %swap3A_677, %swap3A_678] {strides = array<i32>} : memref<8x32x128xf32, #tpu.memory_space<vmem>>, vector<1x1x16xf32>,
        %swap3A_680 = vector.shape_cast %swap3A_679 : vector<1x1x16xf32> to vector<16xf32>
        %swap3A_681 = vector.shape_cast %mul3A_674 : vector<16xf32> to vector<1x1x16xf32>
        tpu.vector_store %arg7[%swap3A_676, %swap3A_677, %swap3A_678], %swap3A_681 {strides = array<i32>} : memref<8x32x128xf32, #tpu.memory_space<vmem>>, vector<1x1x16xf32>,
        %get3A_682 = arith.constant 2 : i32
        %get3A_683 = arith.index_cast %get3A_682 : i32 to index
        %get3A_684 = arith.index_cast %scan3A_571 : i32 to index
        %get3A_685 = arith.constant 112 : index
        %get3A_686 = tpu.vector_load %arg6[%get3A_683, %get3A_684, %get3A_685] {strides = array<i32>} : memref<8x32x128xf32, #tpu.memory_space<vmem>>, vector<1x1x16xf32>,
        %get3A_687 = vector.shape_cast %get3A_686 : vector<1x1x16xf32> to vector<16xf32>
        %mul3A_688 = arith.constant 11.3137083 : f32
        %mul3A_689 = vector.broadcast %mul3A_688 : f32 to vector<16xf32>
        %mul3A_690 = arith.mulf %get3A_687, %mul3A_689 : vector<16xf32>
        %swap3A_691 = arith.constant 2 : i32
        %swap3A_692 = arith.index_cast %swap3A_691 : i32 to index
        %swap3A_693 = arith.index_cast %scan3A_571 : i32 to index
        %swap3A_694 = arith.constant 112 : index
        %swap3A_695 = tpu.vector_load %arg7[%swap3A_692, %swap3A_693, %swap3A_694] {strides = array<i32>} : memref<8x32x128xf32, #tpu.memory_space<vmem>>, vector<1x1x16xf32>,
        %swap3A_696 = vector.shape_cast %swap3A_695 : vector<1x1x16xf32> to vector<16xf32>
        %swap3A_697 = vector.shape_cast %mul3A_690 : vector<16xf32> to vector<1x1x16xf32>
        tpu.vector_store %arg7[%swap3A_692, %swap3A_693, %swap3A_694], %swap3A_697 {strides = array<i32>} : memref<8x32x128xf32, #tpu.memory_space<vmem>>, vector<1x1x16xf32>,
      }
      %scan3A_309 = arith.constant 32 : i32
      %add3A_310 = arith.addi %mul3A_2, %mul3A_288 : i32
      %dma_start3A_311 = arith.constant 2 : i32
      %dma_start3A_312 = arith.constant 0 : i32
      %dma_start3A_313 = arith.constant 0 : i32
      %dma_start3A_314 = tpu.memref_slice %arg7[%dma_start3A_311, %dma_start3A_312, %dma_start3A_313] : memref<8x32x128xf32, #tpu.memory_space<vmem>> -> memref<1x32x128xf32, #tpu.memory_space<vmem>>
      %dma_start3A_315 = tpu.memref_squeeze %dma_start3A_314 : memref<1x32x128xf32, #tpu.memory_space<vmem>> -> memref<32x128xf32, #tpu.memory_space<vmem>>
      %dma_start3A_316 = arith.constant 0 : i32
      %dma_start3A_317 = tpu.memref_slice %arg4[%add3A_310, %dma_start3A_316] : memref<204800x128xf32, #tpu.memory_space<hbm>> -> memref<32x128xf32, #tpu.memory_space<hbm>>
      %dma_start3A_318 = arith.constant 0 : i32
      %dma_start3A_319 = tpu.memref_slice %arg4[%add3A_310, %dma_start3A_318] : memref<204800x128xf32, #tpu.memory_space<hbm>> -> memref<32x128xf32, #tpu.memory_space<hbm>>
      %dma_start3A_320 = arith.constant 0 : i32
      %dma_start3A_321 = arith.constant 0 : i32
      %dma_start3A_322 = tpu.memref_slice %arg7[%dma_start3A_311, %dma_start3A_320, %dma_start3A_321] : memref<8x32x128xf32, #tpu.memory_space<vmem>> -> memref<1x32x128xf32, #tpu.memory_space<vmem>>
      %dma_start3A_323 = tpu.memref_squeeze %dma_start3A_322 : memref<1x32x128xf32, #tpu.memory_space<vmem>> -> memref<32x128xf32, #tpu.memory_space<vmem>>
      tpu.enqueue_dma source(%dma_start3A_323 : memref<32x128xf32, #tpu.memory_space<vmem>>) target(%dma_start3A_319 : memref<32x128xf32, #tpu.memory_space<hbm>>) target_semaphore(%arg18 : memref<!tpu.dma_semaphore, #tpu.memory_space<semaphore_mem>>)
      %add3A_324 = arith.constant 8 : i32
      %add3A_325 = arith.addi %add3A_286, %add3A_324 : i32
      %lt3A_326 = arith.constant 200 : i32
      %lt3A_327 = arith.cmpi slt, %add3A_325, %lt3A_326 : i32
      %convert_element_type3A_328 = arith.extui %lt3A_327 : i1 to i32
      %cond3A_329 = arith.constant 0 : i32
      %cond3A_330 = arith.cmpi ne, %convert_element_type3A_328, %cond3A_329 : i32
      scf.if %cond3A_330 {
        %add3A_571 = arith.constant 256 : i32
        %add3A_572 = arith.addi %mul3A_288, %add3A_571 : i32
        %dma_start3A_573 = arith.constant 2 : i32
        %dma_start3A_574 = arith.constant 0 : i32
        %dma_start3A_575 = arith.constant 0 : i32
        %dma_start3A_576 = tpu.memref_slice %arg6[%dma_start3A_573, %dma_start3A_574, %dma_start3A_575] : memref<8x32x128xf32, #tpu.memory_space<vmem>> -> memref<1x32x128xf32, #tpu.memory_space<vmem>>
        %dma_start3A_577 = tpu.memref_squeeze %dma_start3A_576 : memref<1x32x128xf32, #tpu.memory_space<vmem>> -> memref<32x128xf32, #tpu.memory_space<vmem>>
        %dma_start3A_578 = tpu.memref_slice %arg5[%add3A_572] : memref<6400xi32, #tpu.memory_space<vmem>> -> memref<32xi32, #tpu.memory_space<vmem>>
        %dma_start3A_579 = arith.constant 0 : i32
        %dma_start3A_580 = arith.constant 0 : i32
        %dma_start3A_581 = tpu.memref_slice %arg3[%dma_start3A_579, %dma_start3A_580] : memref<100000x128xf32, #tpu.memory_space<hbm>> -> memref<100000x128xf32, #tpu.memory_space<hbm>>
        tpu.enqueue_indirect_dma source(%dma_start3A_581 : memref<100000x128xf32, #tpu.memory_space<hbm>>) target(%dma_start3A_577 : memref<32x128xf32, #tpu.memory_space<vmem>>) offsets(%dma_start3A_578 : memref<32xi32, #tpu.memory_space<vmem>>) semaphore(%arg10 : memref<!tpu.dma_semaphore, #tpu.memory_space<semaphore_mem>>)
      } else {
      }
      %mul3A_331 = arith.constant 8 : i32
      %mul3A_332 = arith.muli %scan3A_190, %mul3A_331 : i32
      %add3A_333 = arith.constant 3 : i32
      %add3A_334 = arith.addi %mul3A_332, %add3A_333 : i32
      %mul3A_335 = arith.constant 32 : i32
      %mul3A_336 = arith.muli %add3A_334, %mul3A_335 : i32
      %dma_wait3A_337 = arith.constant 3 : i32
      %dma_wait3A_338 = arith.constant 0 : i32
      %dma_wait3A_339 = arith.constant 0 : i32
      %dma_wait3A_340 = tpu.memref_slice %arg6[%dma_wait3A_337, %dma_wait3A_338, %dma_wait3A_339] : memref<8x32x128xf32, #tpu.memory_space<vmem>> -> memref<1x32x128xf32, #tpu.memory_space<vmem>>
      %dma_wait3A_341 = tpu.memref_squeeze %dma_wait3A_340 : memref<1x32x128xf32, #tpu.memory_space<vmem>> -> memref<32x128xf32, #tpu.memory_space<vmem>>
      %dma_wait3A_342 = arith.constant 0 : i32
      %dma_wait3A_343 = tpu.memref_slice %arg5[%dma_wait3A_342] : memref<6400xi32, #tpu.memory_space<vmem>> -> memref<32xi32, #tpu.memory_space<vmem>>
      %dma_wait3A_344 = arith.constant 0 : i32
      %dma_wait3A_345 = arith.constant 0 : i32
      %dma_wait3A_346 = tpu.memref_slice %arg3[%dma_wait3A_344, %dma_wait3A_345] : memref<100000x128xf32, #tpu.memory_space<hbm>> -> memref<100000x128xf32, #tpu.memory_space<hbm>>
      tpu.wait_indirect_dma semaphore(%arg11 : memref<!tpu.dma_semaphore, #tpu.memory_space<semaphore_mem>>) src(%dma_wait3A_346 : memref<100000x128xf32, #tpu.memory_space<hbm>>) dst(%dma_wait3A_341 : memref<32x128xf32, #tpu.memory_space<vmem>>)
      %ge3A_347 = arith.constant 8 : i32
      %ge3A_348 = arith.cmpi sge, %add3A_334, %ge3A_347 : i32
      %convert_element_type3A_349 = arith.extui %ge3A_348 : i1 to i32
      %cond3A_350 = arith.constant 0 : i32
      %cond3A_351 = arith.cmpi ne, %convert_element_type3A_349, %cond3A_350 : i32
      scf.if %cond3A_351 {
        %dma_wait3A_571 = arith.constant 3 : i32
        %dma_wait3A_572 = arith.constant 0 : i32
        %dma_wait3A_573 = arith.constant 0 : i32
        %dma_wait3A_574 = tpu.memref_slice %arg7[%dma_wait3A_571, %dma_wait3A_572, %dma_wait3A_573] : memref<8x32x128xf32, #tpu.memory_space<vmem>> -> memref<1x32x128xf32, #tpu.memory_space<vmem>>
        %dma_wait3A_575 = tpu.memref_squeeze %dma_wait3A_574 : memref<1x32x128xf32, #tpu.memory_space<vmem>> -> memref<32x128xf32, #tpu.memory_space<vmem>>
        %dma_wait3A_576 = arith.constant 0 : i32
        %dma_wait3A_577 = tpu.memref_slice %arg4[%mul3A_2, %dma_wait3A_576] : memref<204800x128xf32, #tpu.memory_space<hbm>> -> memref<32x128xf32, #tpu.memory_space<hbm>>
        %dma_wait3A_578 = arith.constant 0 : i32
        %dma_wait3A_579 = tpu.memref_slice %arg4[%mul3A_2, %dma_wait3A_578] : memref<204800x128xf32, #tpu.memory_space<hbm>> -> memref<32x128xf32, #tpu.memory_space<hbm>>
        %dma_wait3A_580 = arith.constant 0 : i32
        %dma_wait3A_581 = arith.constant 0 : i32
        %dma_wait3A_582 = tpu.memref_slice %arg7[%dma_wait3A_571, %dma_wait3A_580, %dma_wait3A_581] : memref<8x32x128xf32, #tpu.memory_space<vmem>> -> memref<1x32x128xf32, #tpu.memory_space<vmem>>
        %dma_wait3A_583 = tpu.memref_squeeze %dma_wait3A_582 : memref<1x32x128xf32, #tpu.memory_space<vmem>> -> memref<32x128xf32, #tpu.memory_space<vmem>>
        tpu.wait_dma2 semaphore(%arg19 : memref<!tpu.dma_semaphore, #tpu.memory_space<semaphore_mem>>) src(%dma_wait3A_583 : memref<32x128xf32, #tpu.memory_space<vmem>>) dst(%dma_wait3A_579 : memref<32x128xf32, #tpu.memory_space<hbm>>)
      } else {
      }
      %scan3A_352 = arith.constant 0 : i32
      %scan3A_353 = arith.constant 0 : i32
      %scan3A_354 = arith.constant 32 : i32
      %scan3A_355 = arith.addi %scan3A_353, %scan3A_354 : i32
      %scan3A_356 = arith.constant 1 : i32
      scf.for %scan3A_571 = %scan3A_353 to %scan3A_355 step %scan3A_356  : i32 {
        %get3A = arith.constant 3 : i32
        %get3A_572 = arith.index_cast %get3A : i32 to index
        %get3A_573 = arith.index_cast %scan3A_571 : i32 to index
        %get3A_574 = arith.constant 0 : index
        %get3A_575 = tpu.vector_load %arg6[%get3A_572, %get3A_573, %get3A_574] {strides = array<i32>} : memref<8x32x128xf32, #tpu.memory_space<vmem>>, vector<1x1x16xf32>,
        %get3A_576 = vector.shape_cast %get3A_575 : vector<1x1x16xf32> to vector<16xf32>
        %mul3A_577 = arith.constant 11.3137083 : f32
        %mul3A_578 = vector.broadcast %mul3A_577 : f32 to vector<16xf32>
        %mul3A_579 = arith.mulf %get3A_576, %mul3A_578 : vector<16xf32>
        %swap3A = arith.constant 3 : i32
        %swap3A_580 = arith.index_cast %swap3A : i32 to index
        %swap3A_581 = arith.index_cast %scan3A_571 : i32 to index
        %swap3A_582 = arith.constant 0 : index
        %swap3A_583 = tpu.vector_load %arg7[%swap3A_580, %swap3A_581, %swap3A_582] {strides = array<i32>} : memref<8x32x128xf32, #tpu.memory_space<vmem>>, vector<1x1x16xf32>,
        %swap3A_584 = vector.shape_cast %swap3A_583 : vector<1x1x16xf32> to vector<16xf32>
        %swap3A_585 = vector.shape_cast %mul3A_579 : vector<16xf32> to vector<1x1x16xf32>
        tpu.vector_store %arg7[%swap3A_580, %swap3A_581, %swap3A_582], %swap3A_585 {strides = array<i32>} : memref<8x32x128xf32, #tpu.memory_space<vmem>>, vector<1x1x16xf32>,
        %get3A_586 = arith.constant 3 : i32
        %get3A_587 = arith.index_cast %get3A_586 : i32 to index
        %get3A_588 = arith.index_cast %scan3A_571 : i32 to index
        %get3A_589 = arith.constant 16 : index
        %get3A_590 = tpu.vector_load %arg6[%get3A_587, %get3A_588, %get3A_589] {strides = array<i32>} : memref<8x32x128xf32, #tpu.memory_space<vmem>>, vector<1x1x16xf32>,
        %get3A_591 = vector.shape_cast %get3A_590 : vector<1x1x16xf32> to vector<16xf32>
        %mul3A_592 = arith.constant 11.3137083 : f32
        %mul3A_593 = vector.broadcast %mul3A_592 : f32 to vector<16xf32>
        %mul3A_594 = arith.mulf %get3A_591, %mul3A_593 : vector<16xf32>
        %swap3A_595 = arith.constant 3 : i32
        %swap3A_596 = arith.index_cast %swap3A_595 : i32 to index
        %swap3A_597 = arith.index_cast %scan3A_571 : i32 to index
        %swap3A_598 = arith.constant 16 : index
        %swap3A_599 = tpu.vector_load %arg7[%swap3A_596, %swap3A_597, %swap3A_598] {strides = array<i32>} : memref<8x32x128xf32, #tpu.memory_space<vmem>>, vector<1x1x16xf32>,
        %swap3A_600 = vector.shape_cast %swap3A_599 : vector<1x1x16xf32> to vector<16xf32>
        %swap3A_601 = vector.shape_cast %mul3A_594 : vector<16xf32> to vector<1x1x16xf32>
        tpu.vector_store %arg7[%swap3A_596, %swap3A_597, %swap3A_598], %swap3A_601 {strides = array<i32>} : memref<8x32x128xf32, #tpu.memory_space<vmem>>, vector<1x1x16xf32>,
        %get3A_602 = arith.constant 3 : i32
        %get3A_603 = arith.index_cast %get3A_602 : i32 to index
        %get3A_604 = arith.index_cast %scan3A_571 : i32 to index
        %get3A_605 = arith.constant 32 : index
        %get3A_606 = tpu.vector_load %arg6[%get3A_603, %get3A_604, %get3A_605] {strides = array<i32>} : memref<8x32x128xf32, #tpu.memory_space<vmem>>, vector<1x1x16xf32>,
        %get3A_607 = vector.shape_cast %get3A_606 : vector<1x1x16xf32> to vector<16xf32>
        %mul3A_608 = arith.constant 11.3137083 : f32
        %mul3A_609 = vector.broadcast %mul3A_608 : f32 to vector<16xf32>
        %mul3A_610 = arith.mulf %get3A_607, %mul3A_609 : vector<16xf32>
        %swap3A_611 = arith.constant 3 : i32
        %swap3A_612 = arith.index_cast %swap3A_611 : i32 to index
        %swap3A_613 = arith.index_cast %scan3A_571 : i32 to index
        %swap3A_614 = arith.constant 32 : index
        %swap3A_615 = tpu.vector_load %arg7[%swap3A_612, %swap3A_613, %swap3A_614] {strides = array<i32>} : memref<8x32x128xf32, #tpu.memory_space<vmem>>, vector<1x1x16xf32>,
        %swap3A_616 = vector.shape_cast %swap3A_615 : vector<1x1x16xf32> to vector<16xf32>
        %swap3A_617 = vector.shape_cast %mul3A_610 : vector<16xf32> to vector<1x1x16xf32>
        tpu.vector_store %arg7[%swap3A_612, %swap3A_613, %swap3A_614], %swap3A_617 {strides = array<i32>} : memref<8x32x128xf32, #tpu.memory_space<vmem>>, vector<1x1x16xf32>,
        %get3A_618 = arith.constant 3 : i32
        %get3A_619 = arith.index_cast %get3A_618 : i32 to index
        %get3A_620 = arith.index_cast %scan3A_571 : i32 to index
        %get3A_621 = arith.constant 48 : index
        %get3A_622 = tpu.vector_load %arg6[%get3A_619, %get3A_620, %get3A_621] {strides = array<i32>} : memref<8x32x128xf32, #tpu.memory_space<vmem>>, vector<1x1x16xf32>,
        %get3A_623 = vector.shape_cast %get3A_622 : vector<1x1x16xf32> to vector<16xf32>
        %mul3A_624 = arith.constant 11.3137083 : f32
        %mul3A_625 = vector.broadcast %mul3A_624 : f32 to vector<16xf32>
        %mul3A_626 = arith.mulf %get3A_623, %mul3A_625 : vector<16xf32>
        %swap3A_627 = arith.constant 3 : i32
        %swap3A_628 = arith.index_cast %swap3A_627 : i32 to index
        %swap3A_629 = arith.index_cast %scan3A_571 : i32 to index
        %swap3A_630 = arith.constant 48 : index
        %swap3A_631 = tpu.vector_load %arg7[%swap3A_628, %swap3A_629, %swap3A_630] {strides = array<i32>} : memref<8x32x128xf32, #tpu.memory_space<vmem>>, vector<1x1x16xf32>,
        %swap3A_632 = vector.shape_cast %swap3A_631 : vector<1x1x16xf32> to vector<16xf32>
        %swap3A_633 = vector.shape_cast %mul3A_626 : vector<16xf32> to vector<1x1x16xf32>
        tpu.vector_store %arg7[%swap3A_628, %swap3A_629, %swap3A_630], %swap3A_633 {strides = array<i32>} : memref<8x32x128xf32, #tpu.memory_space<vmem>>, vector<1x1x16xf32>,
        %get3A_634 = arith.constant 3 : i32
        %get3A_635 = arith.index_cast %get3A_634 : i32 to index
        %get3A_636 = arith.index_cast %scan3A_571 : i32 to index
        %get3A_637 = arith.constant 64 : index
        %get3A_638 = tpu.vector_load %arg6[%get3A_635, %get3A_636, %get3A_637] {strides = array<i32>} : memref<8x32x128xf32, #tpu.memory_space<vmem>>, vector<1x1x16xf32>,
        %get3A_639 = vector.shape_cast %get3A_638 : vector<1x1x16xf32> to vector<16xf32>
        %mul3A_640 = arith.constant 11.3137083 : f32
        %mul3A_641 = vector.broadcast %mul3A_640 : f32 to vector<16xf32>
        %mul3A_642 = arith.mulf %get3A_639, %mul3A_641 : vector<16xf32>
        %swap3A_643 = arith.constant 3 : i32
        %swap3A_644 = arith.index_cast %swap3A_643 : i32 to index
        %swap3A_645 = arith.index_cast %scan3A_571 : i32 to index
        %swap3A_646 = arith.constant 64 : index
        %swap3A_647 = tpu.vector_load %arg7[%swap3A_644, %swap3A_645, %swap3A_646] {strides = array<i32>} : memref<8x32x128xf32, #tpu.memory_space<vmem>>, vector<1x1x16xf32>,
        %swap3A_648 = vector.shape_cast %swap3A_647 : vector<1x1x16xf32> to vector<16xf32>
        %swap3A_649 = vector.shape_cast %mul3A_642 : vector<16xf32> to vector<1x1x16xf32>
        tpu.vector_store %arg7[%swap3A_644, %swap3A_645, %swap3A_646], %swap3A_649 {strides = array<i32>} : memref<8x32x128xf32, #tpu.memory_space<vmem>>, vector<1x1x16xf32>,
        %get3A_650 = arith.constant 3 : i32
        %get3A_651 = arith.index_cast %get3A_650 : i32 to index
        %get3A_652 = arith.index_cast %scan3A_571 : i32 to index
        %get3A_653 = arith.constant 80 : index
        %get3A_654 = tpu.vector_load %arg6[%get3A_651, %get3A_652, %get3A_653] {strides = array<i32>} : memref<8x32x128xf32, #tpu.memory_space<vmem>>, vector<1x1x16xf32>,
        %get3A_655 = vector.shape_cast %get3A_654 : vector<1x1x16xf32> to vector<16xf32>
        %mul3A_656 = arith.constant 11.3137083 : f32
        %mul3A_657 = vector.broadcast %mul3A_656 : f32 to vector<16xf32>
        %mul3A_658 = arith.mulf %get3A_655, %mul3A_657 : vector<16xf32>
        %swap3A_659 = arith.constant 3 : i32
        %swap3A_660 = arith.index_cast %swap3A_659 : i32 to index
        %swap3A_661 = arith.index_cast %scan3A_571 : i32 to index
        %swap3A_662 = arith.constant 80 : index
        %swap3A_663 = tpu.vector_load %arg7[%swap3A_660, %swap3A_661, %swap3A_662] {strides = array<i32>} : memref<8x32x128xf32, #tpu.memory_space<vmem>>, vector<1x1x16xf32>,
        %swap3A_664 = vector.shape_cast %swap3A_663 : vector<1x1x16xf32> to vector<16xf32>
        %swap3A_665 = vector.shape_cast %mul3A_658 : vector<16xf32> to vector<1x1x16xf32>
        tpu.vector_store %arg7[%swap3A_660, %swap3A_661, %swap3A_662], %swap3A_665 {strides = array<i32>} : memref<8x32x128xf32, #tpu.memory_space<vmem>>, vector<1x1x16xf32>,
        %get3A_666 = arith.constant 3 : i32
        %get3A_667 = arith.index_cast %get3A_666 : i32 to index
        %get3A_668 = arith.index_cast %scan3A_571 : i32 to index
        %get3A_669 = arith.constant 96 : index
        %get3A_670 = tpu.vector_load %arg6[%get3A_667, %get3A_668, %get3A_669] {strides = array<i32>} : memref<8x32x128xf32, #tpu.memory_space<vmem>>, vector<1x1x16xf32>,
        %get3A_671 = vector.shape_cast %get3A_670 : vector<1x1x16xf32> to vector<16xf32>
        %mul3A_672 = arith.constant 11.3137083 : f32
        %mul3A_673 = vector.broadcast %mul3A_672 : f32 to vector<16xf32>
        %mul3A_674 = arith.mulf %get3A_671, %mul3A_673 : vector<16xf32>
        %swap3A_675 = arith.constant 3 : i32
        %swap3A_676 = arith.index_cast %swap3A_675 : i32 to index
        %swap3A_677 = arith.index_cast %scan3A_571 : i32 to index
        %swap3A_678 = arith.constant 96 : index
        %swap3A_679 = tpu.vector_load %arg7[%swap3A_676, %swap3A_677, %swap3A_678] {strides = array<i32>} : memref<8x32x128xf32, #tpu.memory_space<vmem>>, vector<1x1x16xf32>,
        %swap3A_680 = vector.shape_cast %swap3A_679 : vector<1x1x16xf32> to vector<16xf32>
        %swap3A_681 = vector.shape_cast %mul3A_674 : vector<16xf32> to vector<1x1x16xf32>
        tpu.vector_store %arg7[%swap3A_676, %swap3A_677, %swap3A_678], %swap3A_681 {strides = array<i32>} : memref<8x32x128xf32, #tpu.memory_space<vmem>>, vector<1x1x16xf32>,
        %get3A_682 = arith.constant 3 : i32
        %get3A_683 = arith.index_cast %get3A_682 : i32 to index
        %get3A_684 = arith.index_cast %scan3A_571 : i32 to index
        %get3A_685 = arith.constant 112 : index
        %get3A_686 = tpu.vector_load %arg6[%get3A_683, %get3A_684, %get3A_685] {strides = array<i32>} : memref<8x32x128xf32, #tpu.memory_space<vmem>>, vector<1x1x16xf32>,
        %get3A_687 = vector.shape_cast %get3A_686 : vector<1x1x16xf32> to vector<16xf32>
        %mul3A_688 = arith.constant 11.3137083 : f32
        %mul3A_689 = vector.broadcast %mul3A_688 : f32 to vector<16xf32>
        %mul3A_690 = arith.mulf %get3A_687, %mul3A_689 : vector<16xf32>
        %swap3A_691 = arith.constant 3 : i32
        %swap3A_692 = arith.index_cast %swap3A_691 : i32 to index
        %swap3A_693 = arith.index_cast %scan3A_571 : i32 to index
        %swap3A_694 = arith.constant 112 : index
        %swap3A_695 = tpu.vector_load %arg7[%swap3A_692, %swap3A_693, %swap3A_694] {strides = array<i32>} : memref<8x32x128xf32, #tpu.memory_space<vmem>>, vector<1x1x16xf32>,
        %swap3A_696 = vector.shape_cast %swap3A_695 : vector<1x1x16xf32> to vector<16xf32>
        %swap3A_697 = vector.shape_cast %mul3A_690 : vector<16xf32> to vector<1x1x16xf32>
        tpu.vector_store %arg7[%swap3A_692, %swap3A_693, %swap3A_694], %swap3A_697 {strides = array<i32>} : memref<8x32x128xf32, #tpu.memory_space<vmem>>, vector<1x1x16xf32>,
      }
      %scan3A_357 = arith.constant 32 : i32
      %add3A_358 = arith.addi %mul3A_2, %mul3A_336 : i32
      %dma_start3A_359 = arith.constant 3 : i32
      %dma_start3A_360 = arith.constant 0 : i32
      %dma_start3A_361 = arith.constant 0 : i32
      %dma_start3A_362 = tpu.memref_slice %arg7[%dma_start3A_359, %dma_start3A_360, %dma_start3A_361] : memref<8x32x128xf32, #tpu.memory_space<vmem>> -> memref<1x32x128xf32, #tpu.memory_space<vmem>>
      %dma_start3A_363 = tpu.memref_squeeze %dma_start3A_362 : memref<1x32x128xf32, #tpu.memory_space<vmem>> -> memref<32x128xf32, #tpu.memory_space<vmem>>
      %dma_start3A_364 = arith.constant 0 : i32
      %dma_start3A_365 = tpu.memref_slice %arg4[%add3A_358, %dma_start3A_364] : memref<204800x128xf32, #tpu.memory_space<hbm>> -> memref<32x128xf32, #tpu.memory_space<hbm>>
      %dma_start3A_366 = arith.constant 0 : i32
      %dma_start3A_367 = tpu.memref_slice %arg4[%add3A_358, %dma_start3A_366] : memref<204800x128xf32, #tpu.memory_space<hbm>> -> memref<32x128xf32, #tpu.memory_space<hbm>>
      %dma_start3A_368 = arith.constant 0 : i32
      %dma_start3A_369 = arith.constant 0 : i32
      %dma_start3A_370 = tpu.memref_slice %arg7[%dma_start3A_359, %dma_start3A_368, %dma_start3A_369] : memref<8x32x128xf32, #tpu.memory_space<vmem>> -> memref<1x32x128xf32, #tpu.memory_space<vmem>>
      %dma_start3A_371 = tpu.memref_squeeze %dma_start3A_370 : memref<1x32x128xf32, #tpu.memory_space<vmem>> -> memref<32x128xf32, #tpu.memory_space<vmem>>
      tpu.enqueue_dma source(%dma_start3A_371 : memref<32x128xf32, #tpu.memory_space<vmem>>) target(%dma_start3A_367 : memref<32x128xf32, #tpu.memory_space<hbm>>) target_semaphore(%arg19 : memref<!tpu.dma_semaphore, #tpu.memory_space<semaphore_mem>>)
      %add3A_372 = arith.constant 8 : i32
      %add3A_373 = arith.addi %add3A_334, %add3A_372 : i32
      %lt3A_374 = arith.constant 200 : i32
      %lt3A_375 = arith.cmpi slt, %add3A_373, %lt3A_374 : i32
      %convert_element_type3A_376 = arith.extui %lt3A_375 : i1 to i32
      %cond3A_377 = arith.constant 0 : i32
      %cond3A_378 = arith.cmpi ne, %convert_element_type3A_376, %cond3A_377 : i32
      scf.if %cond3A_378 {
        %add3A_571 = arith.constant 256 : i32
        %add3A_572 = arith.addi %mul3A_336, %add3A_571 : i32
        %dma_start3A_573 = arith.constant 3 : i32
        %dma_start3A_574 = arith.constant 0 : i32
        %dma_start3A_575 = arith.constant 0 : i32
        %dma_start3A_576 = tpu.memref_slice %arg6[%dma_start3A_573, %dma_start3A_574, %dma_start3A_575] : memref<8x32x128xf32, #tpu.memory_space<vmem>> -> memref<1x32x128xf32, #tpu.memory_space<vmem>>
        %dma_start3A_577 = tpu.memref_squeeze %dma_start3A_576 : memref<1x32x128xf32, #tpu.memory_space<vmem>> -> memref<32x128xf32, #tpu.memory_space<vmem>>
        %dma_start3A_578 = tpu.memref_slice %arg5[%add3A_572] : memref<6400xi32, #tpu.memory_space<vmem>> -> memref<32xi32, #tpu.memory_space<vmem>>
        %dma_start3A_579 = arith.constant 0 : i32
        %dma_start3A_580 = arith.constant 0 : i32
        %dma_start3A_581 = tpu.memref_slice %arg3[%dma_start3A_579, %dma_start3A_580] : memref<100000x128xf32, #tpu.memory_space<hbm>> -> memref<100000x128xf32, #tpu.memory_space<hbm>>
        tpu.enqueue_indirect_dma source(%dma_start3A_581 : memref<100000x128xf32, #tpu.memory_space<hbm>>) target(%dma_start3A_577 : memref<32x128xf32, #tpu.memory_space<vmem>>) offsets(%dma_start3A_578 : memref<32xi32, #tpu.memory_space<vmem>>) semaphore(%arg11 : memref<!tpu.dma_semaphore, #tpu.memory_space<semaphore_mem>>)
      } else {
      }
      %mul3A_379 = arith.constant 8 : i32
      %mul3A_380 = arith.muli %scan3A_190, %mul3A_379 : i32
      %add3A_381 = arith.constant 4 : i32
      %add3A_382 = arith.addi %mul3A_380, %add3A_381 : i32
      %mul3A_383 = arith.constant 32 : i32
      %mul3A_384 = arith.muli %add3A_382, %mul3A_383 : i32
      %dma_wait3A_385 = arith.constant 4 : i32
      %dma_wait3A_386 = arith.constant 0 : i32
      %dma_wait3A_387 = arith.constant 0 : i32
      %dma_wait3A_388 = tpu.memref_slice %arg6[%dma_wait3A_385, %dma_wait3A_386, %dma_wait3A_387] : memref<8x32x128xf32, #tpu.memory_space<vmem>> -> memref<1x32x128xf32, #tpu.memory_space<vmem>>
      %dma_wait3A_389 = tpu.memref_squeeze %dma_wait3A_388 : memref<1x32x128xf32, #tpu.memory_space<vmem>> -> memref<32x128xf32, #tpu.memory_space<vmem>>
      %dma_wait3A_390 = arith.constant 0 : i32
      %dma_wait3A_391 = tpu.memref_slice %arg5[%dma_wait3A_390] : memref<6400xi32, #tpu.memory_space<vmem>> -> memref<32xi32, #tpu.memory_space<vmem>>
      %dma_wait3A_392 = arith.constant 0 : i32
      %dma_wait3A_393 = arith.constant 0 : i32
      %dma_wait3A_394 = tpu.memref_slice %arg3[%dma_wait3A_392, %dma_wait3A_393] : memref<100000x128xf32, #tpu.memory_space<hbm>> -> memref<100000x128xf32, #tpu.memory_space<hbm>>
      tpu.wait_indirect_dma semaphore(%arg12 : memref<!tpu.dma_semaphore, #tpu.memory_space<semaphore_mem>>) src(%dma_wait3A_394 : memref<100000x128xf32, #tpu.memory_space<hbm>>) dst(%dma_wait3A_389 : memref<32x128xf32, #tpu.memory_space<vmem>>)
      %ge3A_395 = arith.constant 8 : i32
      %ge3A_396 = arith.cmpi sge, %add3A_382, %ge3A_395 : i32
      %convert_element_type3A_397 = arith.extui %ge3A_396 : i1 to i32
      %cond3A_398 = arith.constant 0 : i32
      %cond3A_399 = arith.cmpi ne, %convert_element_type3A_397, %cond3A_398 : i32
      scf.if %cond3A_399 {
        %dma_wait3A_571 = arith.constant 4 : i32
        %dma_wait3A_572 = arith.constant 0 : i32
        %dma_wait3A_573 = arith.constant 0 : i32
        %dma_wait3A_574 = tpu.memref_slice %arg7[%dma_wait3A_571, %dma_wait3A_572, %dma_wait3A_573] : memref<8x32x128xf32, #tpu.memory_space<vmem>> -> memref<1x32x128xf32, #tpu.memory_space<vmem>>
        %dma_wait3A_575 = tpu.memref_squeeze %dma_wait3A_574 : memref<1x32x128xf32, #tpu.memory_space<vmem>> -> memref<32x128xf32, #tpu.memory_space<vmem>>
        %dma_wait3A_576 = arith.constant 0 : i32
        %dma_wait3A_577 = tpu.memref_slice %arg4[%mul3A_2, %dma_wait3A_576] : memref<204800x128xf32, #tpu.memory_space<hbm>> -> memref<32x128xf32, #tpu.memory_space<hbm>>
        %dma_wait3A_578 = arith.constant 0 : i32
        %dma_wait3A_579 = tpu.memref_slice %arg4[%mul3A_2, %dma_wait3A_578] : memref<204800x128xf32, #tpu.memory_space<hbm>> -> memref<32x128xf32, #tpu.memory_space<hbm>>
        %dma_wait3A_580 = arith.constant 0 : i32
        %dma_wait3A_581 = arith.constant 0 : i32
        %dma_wait3A_582 = tpu.memref_slice %arg7[%dma_wait3A_571, %dma_wait3A_580, %dma_wait3A_581] : memref<8x32x128xf32, #tpu.memory_space<vmem>> -> memref<1x32x128xf32, #tpu.memory_space<vmem>>
        %dma_wait3A_583 = tpu.memref_squeeze %dma_wait3A_582 : memref<1x32x128xf32, #tpu.memory_space<vmem>> -> memref<32x128xf32, #tpu.memory_space<vmem>>
        tpu.wait_dma2 semaphore(%arg20 : memref<!tpu.dma_semaphore, #tpu.memory_space<semaphore_mem>>) src(%dma_wait3A_583 : memref<32x128xf32, #tpu.memory_space<vmem>>) dst(%dma_wait3A_579 : memref<32x128xf32, #tpu.memory_space<hbm>>)
      } else {
      }
      %scan3A_400 = arith.constant 0 : i32
      %scan3A_401 = arith.constant 0 : i32
      %scan3A_402 = arith.constant 32 : i32
      %scan3A_403 = arith.addi %scan3A_401, %scan3A_402 : i32
      %scan3A_404 = arith.constant 1 : i32
      scf.for %scan3A_571 = %scan3A_401 to %scan3A_403 step %scan3A_404  : i32 {
        %get3A = arith.constant 4 : i32
        %get3A_572 = arith.index_cast %get3A : i32 to index
        %get3A_573 = arith.index_cast %scan3A_571 : i32 to index
        %get3A_574 = arith.constant 0 : index
        %get3A_575 = tpu.vector_load %arg6[%get3A_572, %get3A_573, %get3A_574] {strides = array<i32>} : memref<8x32x128xf32, #tpu.memory_space<vmem>>, vector<1x1x16xf32>,
        %get3A_576 = vector.shape_cast %get3A_575 : vector<1x1x16xf32> to vector<16xf32>
        %mul3A_577 = arith.constant 11.3137083 : f32
        %mul3A_578 = vector.broadcast %mul3A_577 : f32 to vector<16xf32>
        %mul3A_579 = arith.mulf %get3A_576, %mul3A_578 : vector<16xf32>
        %swap3A = arith.constant 4 : i32
        %swap3A_580 = arith.index_cast %swap3A : i32 to index
        %swap3A_581 = arith.index_cast %scan3A_571 : i32 to index
        %swap3A_582 = arith.constant 0 : index
        %swap3A_583 = tpu.vector_load %arg7[%swap3A_580, %swap3A_581, %swap3A_582] {strides = array<i32>} : memref<8x32x128xf32, #tpu.memory_space<vmem>>, vector<1x1x16xf32>,
        %swap3A_584 = vector.shape_cast %swap3A_583 : vector<1x1x16xf32> to vector<16xf32>
        %swap3A_585 = vector.shape_cast %mul3A_579 : vector<16xf32> to vector<1x1x16xf32>
        tpu.vector_store %arg7[%swap3A_580, %swap3A_581, %swap3A_582], %swap3A_585 {strides = array<i32>} : memref<8x32x128xf32, #tpu.memory_space<vmem>>, vector<1x1x16xf32>,
        %get3A_586 = arith.constant 4 : i32
        %get3A_587 = arith.index_cast %get3A_586 : i32 to index
        %get3A_588 = arith.index_cast %scan3A_571 : i32 to index
        %get3A_589 = arith.constant 16 : index
        %get3A_590 = tpu.vector_load %arg6[%get3A_587, %get3A_588, %get3A_589] {strides = array<i32>} : memref<8x32x128xf32, #tpu.memory_space<vmem>>, vector<1x1x16xf32>,
        %get3A_591 = vector.shape_cast %get3A_590 : vector<1x1x16xf32> to vector<16xf32>
        %mul3A_592 = arith.constant 11.3137083 : f32
        %mul3A_593 = vector.broadcast %mul3A_592 : f32 to vector<16xf32>
        %mul3A_594 = arith.mulf %get3A_591, %mul3A_593 : vector<16xf32>
        %swap3A_595 = arith.constant 4 : i32
        %swap3A_596 = arith.index_cast %swap3A_595 : i32 to index
        %swap3A_597 = arith.index_cast %scan3A_571 : i32 to index
        %swap3A_598 = arith.constant 16 : index
        %swap3A_599 = tpu.vector_load %arg7[%swap3A_596, %swap3A_597, %swap3A_598] {strides = array<i32>} : memref<8x32x128xf32, #tpu.memory_space<vmem>>, vector<1x1x16xf32>,
        %swap3A_600 = vector.shape_cast %swap3A_599 : vector<1x1x16xf32> to vector<16xf32>
        %swap3A_601 = vector.shape_cast %mul3A_594 : vector<16xf32> to vector<1x1x16xf32>
        tpu.vector_store %arg7[%swap3A_596, %swap3A_597, %swap3A_598], %swap3A_601 {strides = array<i32>} : memref<8x32x128xf32, #tpu.memory_space<vmem>>, vector<1x1x16xf32>,
        %get3A_602 = arith.constant 4 : i32
        %get3A_603 = arith.index_cast %get3A_602 : i32 to index
        %get3A_604 = arith.index_cast %scan3A_571 : i32 to index
        %get3A_605 = arith.constant 32 : index
        %get3A_606 = tpu.vector_load %arg6[%get3A_603, %get3A_604, %get3A_605] {strides = array<i32>} : memref<8x32x128xf32, #tpu.memory_space<vmem>>, vector<1x1x16xf32>,
        %get3A_607 = vector.shape_cast %get3A_606 : vector<1x1x16xf32> to vector<16xf32>
        %mul3A_608 = arith.constant 11.3137083 : f32
        %mul3A_609 = vector.broadcast %mul3A_608 : f32 to vector<16xf32>
        %mul3A_610 = arith.mulf %get3A_607, %mul3A_609 : vector<16xf32>
        %swap3A_611 = arith.constant 4 : i32
        %swap3A_612 = arith.index_cast %swap3A_611 : i32 to index
        %swap3A_613 = arith.index_cast %scan3A_571 : i32 to index
        %swap3A_614 = arith.constant 32 : index
        %swap3A_615 = tpu.vector_load %arg7[%swap3A_612, %swap3A_613, %swap3A_614] {strides = array<i32>} : memref<8x32x128xf32, #tpu.memory_space<vmem>>, vector<1x1x16xf32>,
        %swap3A_616 = vector.shape_cast %swap3A_615 : vector<1x1x16xf32> to vector<16xf32>
        %swap3A_617 = vector.shape_cast %mul3A_610 : vector<16xf32> to vector<1x1x16xf32>
        tpu.vector_store %arg7[%swap3A_612, %swap3A_613, %swap3A_614], %swap3A_617 {strides = array<i32>} : memref<8x32x128xf32, #tpu.memory_space<vmem>>, vector<1x1x16xf32>,
        %get3A_618 = arith.constant 4 : i32
        %get3A_619 = arith.index_cast %get3A_618 : i32 to index
        %get3A_620 = arith.index_cast %scan3A_571 : i32 to index
        %get3A_621 = arith.constant 48 : index
        %get3A_622 = tpu.vector_load %arg6[%get3A_619, %get3A_620, %get3A_621] {strides = array<i32>} : memref<8x32x128xf32, #tpu.memory_space<vmem>>, vector<1x1x16xf32>,
        %get3A_623 = vector.shape_cast %get3A_622 : vector<1x1x16xf32> to vector<16xf32>
        %mul3A_624 = arith.constant 11.3137083 : f32
        %mul3A_625 = vector.broadcast %mul3A_624 : f32 to vector<16xf32>
        %mul3A_626 = arith.mulf %get3A_623, %mul3A_625 : vector<16xf32>
        %swap3A_627 = arith.constant 4 : i32
        %swap3A_628 = arith.index_cast %swap3A_627 : i32 to index
        %swap3A_629 = arith.index_cast %scan3A_571 : i32 to index
        %swap3A_630 = arith.constant 48 : index
        %swap3A_631 = tpu.vector_load %arg7[%swap3A_628, %swap3A_629, %swap3A_630] {strides = array<i32>} : memref<8x32x128xf32, #tpu.memory_space<vmem>>, vector<1x1x16xf32>,
        %swap3A_632 = vector.shape_cast %swap3A_631 : vector<1x1x16xf32> to vector<16xf32>
        %swap3A_633 = vector.shape_cast %mul3A_626 : vector<16xf32> to vector<1x1x16xf32>
        tpu.vector_store %arg7[%swap3A_628, %swap3A_629, %swap3A_630], %swap3A_633 {strides = array<i32>} : memref<8x32x128xf32, #tpu.memory_space<vmem>>, vector<1x1x16xf32>,
        %get3A_634 = arith.constant 4 : i32
        %get3A_635 = arith.index_cast %get3A_634 : i32 to index
        %get3A_636 = arith.index_cast %scan3A_571 : i32 to index
        %get3A_637 = arith.constant 64 : index
        %get3A_638 = tpu.vector_load %arg6[%get3A_635, %get3A_636, %get3A_637] {strides = array<i32>} : memref<8x32x128xf32, #tpu.memory_space<vmem>>, vector<1x1x16xf32>,
        %get3A_639 = vector.shape_cast %get3A_638 : vector<1x1x16xf32> to vector<16xf32>
        %mul3A_640 = arith.constant 11.3137083 : f32
        %mul3A_641 = vector.broadcast %mul3A_640 : f32 to vector<16xf32>
        %mul3A_642 = arith.mulf %get3A_639, %mul3A_641 : vector<16xf32>
        %swap3A_643 = arith.constant 4 : i32
        %swap3A_644 = arith.index_cast %swap3A_643 : i32 to index
        %swap3A_645 = arith.index_cast %scan3A_571 : i32 to index
        %swap3A_646 = arith.constant 64 : index
        %swap3A_647 = tpu.vector_load %arg7[%swap3A_644, %swap3A_645, %swap3A_646] {strides = array<i32>} : memref<8x32x128xf32, #tpu.memory_space<vmem>>, vector<1x1x16xf32>,
        %swap3A_648 = vector.shape_cast %swap3A_647 : vector<1x1x16xf32> to vector<16xf32>
        %swap3A_649 = vector.shape_cast %mul3A_642 : vector<16xf32> to vector<1x1x16xf32>
        tpu.vector_store %arg7[%swap3A_644, %swap3A_645, %swap3A_646], %swap3A_649 {strides = array<i32>} : memref<8x32x128xf32, #tpu.memory_space<vmem>>, vector<1x1x16xf32>,
        %get3A_650 = arith.constant 4 : i32
        %get3A_651 = arith.index_cast %get3A_650 : i32 to index
        %get3A_652 = arith.index_cast %scan3A_571 : i32 to index
        %get3A_653 = arith.constant 80 : index
        %get3A_654 = tpu.vector_load %arg6[%get3A_651, %get3A_652, %get3A_653] {strides = array<i32>} : memref<8x32x128xf32, #tpu.memory_space<vmem>>, vector<1x1x16xf32>,
        %get3A_655 = vector.shape_cast %get3A_654 : vector<1x1x16xf32> to vector<16xf32>
        %mul3A_656 = arith.constant 11.3137083 : f32
        %mul3A_657 = vector.broadcast %mul3A_656 : f32 to vector<16xf32>
        %mul3A_658 = arith.mulf %get3A_655, %mul3A_657 : vector<16xf32>
        %swap3A_659 = arith.constant 4 : i32
        %swap3A_660 = arith.index_cast %swap3A_659 : i32 to index
        %swap3A_661 = arith.index_cast %scan3A_571 : i32 to index
        %swap3A_662 = arith.constant 80 : index
        %swap3A_663 = tpu.vector_load %arg7[%swap3A_660, %swap3A_661, %swap3A_662] {strides = array<i32>} : memref<8x32x128xf32, #tpu.memory_space<vmem>>, vector<1x1x16xf32>,
        %swap3A_664 = vector.shape_cast %swap3A_663 : vector<1x1x16xf32> to vector<16xf32>
        %swap3A_665 = vector.shape_cast %mul3A_658 : vector<16xf32> to vector<1x1x16xf32>
        tpu.vector_store %arg7[%swap3A_660, %swap3A_661, %swap3A_662], %swap3A_665 {strides = array<i32>} : memref<8x32x128xf32, #tpu.memory_space<vmem>>, vector<1x1x16xf32>,
        %get3A_666 = arith.constant 4 : i32
        %get3A_667 = arith.index_cast %get3A_666 : i32 to index
        %get3A_668 = arith.index_cast %scan3A_571 : i32 to index
        %get3A_669 = arith.constant 96 : index
        %get3A_670 = tpu.vector_load %arg6[%get3A_667, %get3A_668, %get3A_669] {strides = array<i32>} : memref<8x32x128xf32, #tpu.memory_space<vmem>>, vector<1x1x16xf32>,
        %get3A_671 = vector.shape_cast %get3A_670 : vector<1x1x16xf32> to vector<16xf32>
        %mul3A_672 = arith.constant 11.3137083 : f32
        %mul3A_673 = vector.broadcast %mul3A_672 : f32 to vector<16xf32>
        %mul3A_674 = arith.mulf %get3A_671, %mul3A_673 : vector<16xf32>
        %swap3A_675 = arith.constant 4 : i32
        %swap3A_676 = arith.index_cast %swap3A_675 : i32 to index
        %swap3A_677 = arith.index_cast %scan3A_571 : i32 to index
        %swap3A_678 = arith.constant 96 : index
        %swap3A_679 = tpu.vector_load %arg7[%swap3A_676, %swap3A_677, %swap3A_678] {strides = array<i32>} : memref<8x32x128xf32, #tpu.memory_space<vmem>>, vector<1x1x16xf32>,
        %swap3A_680 = vector.shape_cast %swap3A_679 : vector<1x1x16xf32> to vector<16xf32>
        %swap3A_681 = vector.shape_cast %mul3A_674 : vector<16xf32> to vector<1x1x16xf32>
        tpu.vector_store %arg7[%swap3A_676, %swap3A_677, %swap3A_678], %swap3A_681 {strides = array<i32>} : memref<8x32x128xf32, #tpu.memory_space<vmem>>, vector<1x1x16xf32>,
        %get3A_682 = arith.constant 4 : i32
        %get3A_683 = arith.index_cast %get3A_682 : i32 to index
        %get3A_684 = arith.index_cast %scan3A_571 : i32 to index
        %get3A_685 = arith.constant 112 : index
        %get3A_686 = tpu.vector_load %arg6[%get3A_683, %get3A_684, %get3A_685] {strides = array<i32>} : memref<8x32x128xf32, #tpu.memory_space<vmem>>, vector<1x1x16xf32>,
        %get3A_687 = vector.shape_cast %get3A_686 : vector<1x1x16xf32> to vector<16xf32>
        %mul3A_688 = arith.constant 11.3137083 : f32
        %mul3A_689 = vector.broadcast %mul3A_688 : f32 to vector<16xf32>
        %mul3A_690 = arith.mulf %get3A_687, %mul3A_689 : vector<16xf32>
        %swap3A_691 = arith.constant 4 : i32
        %swap3A_692 = arith.index_cast %swap3A_691 : i32 to index
        %swap3A_693 = arith.index_cast %scan3A_571 : i32 to index
        %swap3A_694 = arith.constant 112 : index
        %swap3A_695 = tpu.vector_load %arg7[%swap3A_692, %swap3A_693, %swap3A_694] {strides = array<i32>} : memref<8x32x128xf32, #tpu.memory_space<vmem>>, vector<1x1x16xf32>,
        %swap3A_696 = vector.shape_cast %swap3A_695 : vector<1x1x16xf32> to vector<16xf32>
        %swap3A_697 = vector.shape_cast %mul3A_690 : vector<16xf32> to vector<1x1x16xf32>
        tpu.vector_store %arg7[%swap3A_692, %swap3A_693, %swap3A_694], %swap3A_697 {strides = array<i32>} : memref<8x32x128xf32, #tpu.memory_space<vmem>>, vector<1x1x16xf32>,
      }
      %scan3A_405 = arith.constant 32 : i32
      %add3A_406 = arith.addi %mul3A_2, %mul3A_384 : i32
      %dma_start3A_407 = arith.constant 4 : i32
      %dma_start3A_408 = arith.constant 0 : i32
      %dma_start3A_409 = arith.constant 0 : i32
      %dma_start3A_410 = tpu.memref_slice %arg7[%dma_start3A_407, %dma_start3A_408, %dma_start3A_409] : memref<8x32x128xf32, #tpu.memory_space<vmem>> -> memref<1x32x128xf32, #tpu.memory_space<vmem>>
      %dma_start3A_411 = tpu.memref_squeeze %dma_start3A_410 : memref<1x32x128xf32, #tpu.memory_space<vmem>> -> memref<32x128xf32, #tpu.memory_space<vmem>>
      %dma_start3A_412 = arith.constant 0 : i32
      %dma_start3A_413 = tpu.memref_slice %arg4[%add3A_406, %dma_start3A_412] : memref<204800x128xf32, #tpu.memory_space<hbm>> -> memref<32x128xf32, #tpu.memory_space<hbm>>
      %dma_start3A_414 = arith.constant 0 : i32
      %dma_start3A_415 = tpu.memref_slice %arg4[%add3A_406, %dma_start3A_414] : memref<204800x128xf32, #tpu.memory_space<hbm>> -> memref<32x128xf32, #tpu.memory_space<hbm>>
      %dma_start3A_416 = arith.constant 0 : i32
      %dma_start3A_417 = arith.constant 0 : i32
      %dma_start3A_418 = tpu.memref_slice %arg7[%dma_start3A_407, %dma_start3A_416, %dma_start3A_417] : memref<8x32x128xf32, #tpu.memory_space<vmem>> -> memref<1x32x128xf32, #tpu.memory_space<vmem>>
      %dma_start3A_419 = tpu.memref_squeeze %dma_start3A_418 : memref<1x32x128xf32, #tpu.memory_space<vmem>> -> memref<32x128xf32, #tpu.memory_space<vmem>>
      tpu.enqueue_dma source(%dma_start3A_419 : memref<32x128xf32, #tpu.memory_space<vmem>>) target(%dma_start3A_415 : memref<32x128xf32, #tpu.memory_space<hbm>>) target_semaphore(%arg20 : memref<!tpu.dma_semaphore, #tpu.memory_space<semaphore_mem>>)
      %add3A_420 = arith.constant 8 : i32
      %add3A_421 = arith.addi %add3A_382, %add3A_420 : i32
      %lt3A_422 = arith.constant 200 : i32
      %lt3A_423 = arith.cmpi slt, %add3A_421, %lt3A_422 : i32
      %convert_element_type3A_424 = arith.extui %lt3A_423 : i1 to i32
      %cond3A_425 = arith.constant 0 : i32
      %cond3A_426 = arith.cmpi ne, %convert_element_type3A_424, %cond3A_425 : i32
      scf.if %cond3A_426 {
        %add3A_571 = arith.constant 256 : i32
        %add3A_572 = arith.addi %mul3A_384, %add3A_571 : i32
        %dma_start3A_573 = arith.constant 4 : i32
        %dma_start3A_574 = arith.constant 0 : i32
        %dma_start3A_575 = arith.constant 0 : i32
        %dma_start3A_576 = tpu.memref_slice %arg6[%dma_start3A_573, %dma_start3A_574, %dma_start3A_575] : memref<8x32x128xf32, #tpu.memory_space<vmem>> -> memref<1x32x128xf32, #tpu.memory_space<vmem>>
        %dma_start3A_577 = tpu.memref_squeeze %dma_start3A_576 : memref<1x32x128xf32, #tpu.memory_space<vmem>> -> memref<32x128xf32, #tpu.memory_space<vmem>>
        %dma_start3A_578 = tpu.memref_slice %arg5[%add3A_572] : memref<6400xi32, #tpu.memory_space<vmem>> -> memref<32xi32, #tpu.memory_space<vmem>>
        %dma_start3A_579 = arith.constant 0 : i32
        %dma_start3A_580 = arith.constant 0 : i32
        %dma_start3A_581 = tpu.memref_slice %arg3[%dma_start3A_579, %dma_start3A_580] : memref<100000x128xf32, #tpu.memory_space<hbm>> -> memref<100000x128xf32, #tpu.memory_space<hbm>>
        tpu.enqueue_indirect_dma source(%dma_start3A_581 : memref<100000x128xf32, #tpu.memory_space<hbm>>) target(%dma_start3A_577 : memref<32x128xf32, #tpu.memory_space<vmem>>) offsets(%dma_start3A_578 : memref<32xi32, #tpu.memory_space<vmem>>) semaphore(%arg12 : memref<!tpu.dma_semaphore, #tpu.memory_space<semaphore_mem>>)
      } else {
      }
      %mul3A_427 = arith.constant 8 : i32
      %mul3A_428 = arith.muli %scan3A_190, %mul3A_427 : i32
      %add3A_429 = arith.constant 5 : i32
      %add3A_430 = arith.addi %mul3A_428, %add3A_429 : i32
      %mul3A_431 = arith.constant 32 : i32
      %mul3A_432 = arith.muli %add3A_430, %mul3A_431 : i32
      %dma_wait3A_433 = arith.constant 5 : i32
      %dma_wait3A_434 = arith.constant 0 : i32
      %dma_wait3A_435 = arith.constant 0 : i32
      %dma_wait3A_436 = tpu.memref_slice %arg6[%dma_wait3A_433, %dma_wait3A_434, %dma_wait3A_435] : memref<8x32x128xf32, #tpu.memory_space<vmem>> -> memref<1x32x128xf32, #tpu.memory_space<vmem>>
      %dma_wait3A_437 = tpu.memref_squeeze %dma_wait3A_436 : memref<1x32x128xf32, #tpu.memory_space<vmem>> -> memref<32x128xf32, #tpu.memory_space<vmem>>
      %dma_wait3A_438 = arith.constant 0 : i32
      %dma_wait3A_439 = tpu.memref_slice %arg5[%dma_wait3A_438] : memref<6400xi32, #tpu.memory_space<vmem>> -> memref<32xi32, #tpu.memory_space<vmem>>
      %dma_wait3A_440 = arith.constant 0 : i32
      %dma_wait3A_441 = arith.constant 0 : i32
      %dma_wait3A_442 = tpu.memref_slice %arg3[%dma_wait3A_440, %dma_wait3A_441] : memref<100000x128xf32, #tpu.memory_space<hbm>> -> memref<100000x128xf32, #tpu.memory_space<hbm>>
      tpu.wait_indirect_dma semaphore(%arg13 : memref<!tpu.dma_semaphore, #tpu.memory_space<semaphore_mem>>) src(%dma_wait3A_442 : memref<100000x128xf32, #tpu.memory_space<hbm>>) dst(%dma_wait3A_437 : memref<32x128xf32, #tpu.memory_space<vmem>>)
      %ge3A_443 = arith.constant 8 : i32
      %ge3A_444 = arith.cmpi sge, %add3A_430, %ge3A_443 : i32
      %convert_element_type3A_445 = arith.extui %ge3A_444 : i1 to i32
      %cond3A_446 = arith.constant 0 : i32
      %cond3A_447 = arith.cmpi ne, %convert_element_type3A_445, %cond3A_446 : i32
      scf.if %cond3A_447 {
        %dma_wait3A_571 = arith.constant 5 : i32
        %dma_wait3A_572 = arith.constant 0 : i32
        %dma_wait3A_573 = arith.constant 0 : i32
        %dma_wait3A_574 = tpu.memref_slice %arg7[%dma_wait3A_571, %dma_wait3A_572, %dma_wait3A_573] : memref<8x32x128xf32, #tpu.memory_space<vmem>> -> memref<1x32x128xf32, #tpu.memory_space<vmem>>
        %dma_wait3A_575 = tpu.memref_squeeze %dma_wait3A_574 : memref<1x32x128xf32, #tpu.memory_space<vmem>> -> memref<32x128xf32, #tpu.memory_space<vmem>>
        %dma_wait3A_576 = arith.constant 0 : i32
        %dma_wait3A_577 = tpu.memref_slice %arg4[%mul3A_2, %dma_wait3A_576] : memref<204800x128xf32, #tpu.memory_space<hbm>> -> memref<32x128xf32, #tpu.memory_space<hbm>>
        %dma_wait3A_578 = arith.constant 0 : i32
        %dma_wait3A_579 = tpu.memref_slice %arg4[%mul3A_2, %dma_wait3A_578] : memref<204800x128xf32, #tpu.memory_space<hbm>> -> memref<32x128xf32, #tpu.memory_space<hbm>>
        %dma_wait3A_580 = arith.constant 0 : i32
        %dma_wait3A_581 = arith.constant 0 : i32
        %dma_wait3A_582 = tpu.memref_slice %arg7[%dma_wait3A_571, %dma_wait3A_580, %dma_wait3A_581] : memref<8x32x128xf32, #tpu.memory_space<vmem>> -> memref<1x32x128xf32, #tpu.memory_space<vmem>>
        %dma_wait3A_583 = tpu.memref_squeeze %dma_wait3A_582 : memref<1x32x128xf32, #tpu.memory_space<vmem>> -> memref<32x128xf32, #tpu.memory_space<vmem>>
        tpu.wait_dma2 semaphore(%arg21 : memref<!tpu.dma_semaphore, #tpu.memory_space<semaphore_mem>>) src(%dma_wait3A_583 : memref<32x128xf32, #tpu.memory_space<vmem>>) dst(%dma_wait3A_579 : memref<32x128xf32, #tpu.memory_space<hbm>>)
      } else {
      }
      %scan3A_448 = arith.constant 0 : i32
      %scan3A_449 = arith.constant 0 : i32
      %scan3A_450 = arith.constant 32 : i32
      %scan3A_451 = arith.addi %scan3A_449, %scan3A_450 : i32
      %scan3A_452 = arith.constant 1 : i32
      scf.for %scan3A_571 = %scan3A_449 to %scan3A_451 step %scan3A_452  : i32 {
        %get3A = arith.constant 5 : i32
        %get3A_572 = arith.index_cast %get3A : i32 to index
        %get3A_573 = arith.index_cast %scan3A_571 : i32 to index
        %get3A_574 = arith.constant 0 : index
        %get3A_575 = tpu.vector_load %arg6[%get3A_572, %get3A_573, %get3A_574] {strides = array<i32>} : memref<8x32x128xf32, #tpu.memory_space<vmem>>, vector<1x1x16xf32>,
        %get3A_576 = vector.shape_cast %get3A_575 : vector<1x1x16xf32> to vector<16xf32>
        %mul3A_577 = arith.constant 11.3137083 : f32
        %mul3A_578 = vector.broadcast %mul3A_577 : f32 to vector<16xf32>
        %mul3A_579 = arith.mulf %get3A_576, %mul3A_578 : vector<16xf32>
        %swap3A = arith.constant 5 : i32
        %swap3A_580 = arith.index_cast %swap3A : i32 to index
        %swap3A_581 = arith.index_cast %scan3A_571 : i32 to index
        %swap3A_582 = arith.constant 0 : index
        %swap3A_583 = tpu.vector_load %arg7[%swap3A_580, %swap3A_581, %swap3A_582] {strides = array<i32>} : memref<8x32x128xf32, #tpu.memory_space<vmem>>, vector<1x1x16xf32>,
        %swap3A_584 = vector.shape_cast %swap3A_583 : vector<1x1x16xf32> to vector<16xf32>
        %swap3A_585 = vector.shape_cast %mul3A_579 : vector<16xf32> to vector<1x1x16xf32>
        tpu.vector_store %arg7[%swap3A_580, %swap3A_581, %swap3A_582], %swap3A_585 {strides = array<i32>} : memref<8x32x128xf32, #tpu.memory_space<vmem>>, vector<1x1x16xf32>,
        %get3A_586 = arith.constant 5 : i32
        %get3A_587 = arith.index_cast %get3A_586 : i32 to index
        %get3A_588 = arith.index_cast %scan3A_571 : i32 to index
        %get3A_589 = arith.constant 16 : index
        %get3A_590 = tpu.vector_load %arg6[%get3A_587, %get3A_588, %get3A_589] {strides = array<i32>} : memref<8x32x128xf32, #tpu.memory_space<vmem>>, vector<1x1x16xf32>,
        %get3A_591 = vector.shape_cast %get3A_590 : vector<1x1x16xf32> to vector<16xf32>
        %mul3A_592 = arith.constant 11.3137083 : f32
        %mul3A_593 = vector.broadcast %mul3A_592 : f32 to vector<16xf32>
        %mul3A_594 = arith.mulf %get3A_591, %mul3A_593 : vector<16xf32>
        %swap3A_595 = arith.constant 5 : i32
        %swap3A_596 = arith.index_cast %swap3A_595 : i32 to index
        %swap3A_597 = arith.index_cast %scan3A_571 : i32 to index
        %swap3A_598 = arith.constant 16 : index
        %swap3A_599 = tpu.vector_load %arg7[%swap3A_596, %swap3A_597, %swap3A_598] {strides = array<i32>} : memref<8x32x128xf32, #tpu.memory_space<vmem>>, vector<1x1x16xf32>,
        %swap3A_600 = vector.shape_cast %swap3A_599 : vector<1x1x16xf32> to vector<16xf32>
        %swap3A_601 = vector.shape_cast %mul3A_594 : vector<16xf32> to vector<1x1x16xf32>
        tpu.vector_store %arg7[%swap3A_596, %swap3A_597, %swap3A_598], %swap3A_601 {strides = array<i32>} : memref<8x32x128xf32, #tpu.memory_space<vmem>>, vector<1x1x16xf32>,
        %get3A_602 = arith.constant 5 : i32
        %get3A_603 = arith.index_cast %get3A_602 : i32 to index
        %get3A_604 = arith.index_cast %scan3A_571 : i32 to index
        %get3A_605 = arith.constant 32 : index
        %get3A_606 = tpu.vector_load %arg6[%get3A_603, %get3A_604, %get3A_605] {strides = array<i32>} : memref<8x32x128xf32, #tpu.memory_space<vmem>>, vector<1x1x16xf32>,
        %get3A_607 = vector.shape_cast %get3A_606 : vector<1x1x16xf32> to vector<16xf32>
        %mul3A_608 = arith.constant 11.3137083 : f32
        %mul3A_609 = vector.broadcast %mul3A_608 : f32 to vector<16xf32>
        %mul3A_610 = arith.mulf %get3A_607, %mul3A_609 : vector<16xf32>
        %swap3A_611 = arith.constant 5 : i32
        %swap3A_612 = arith.index_cast %swap3A_611 : i32 to index
        %swap3A_613 = arith.index_cast %scan3A_571 : i32 to index
        %swap3A_614 = arith.constant 32 : index
        %swap3A_615 = tpu.vector_load %arg7[%swap3A_612, %swap3A_613, %swap3A_614] {strides = array<i32>} : memref<8x32x128xf32, #tpu.memory_space<vmem>>, vector<1x1x16xf32>,
        %swap3A_616 = vector.shape_cast %swap3A_615 : vector<1x1x16xf32> to vector<16xf32>
        %swap3A_617 = vector.shape_cast %mul3A_610 : vector<16xf32> to vector<1x1x16xf32>
        tpu.vector_store %arg7[%swap3A_612, %swap3A_613, %swap3A_614], %swap3A_617 {strides = array<i32>} : memref<8x32x128xf32, #tpu.memory_space<vmem>>, vector<1x1x16xf32>,
        %get3A_618 = arith.constant 5 : i32
        %get3A_619 = arith.index_cast %get3A_618 : i32 to index
        %get3A_620 = arith.index_cast %scan3A_571 : i32 to index
        %get3A_621 = arith.constant 48 : index
        %get3A_622 = tpu.vector_load %arg6[%get3A_619, %get3A_620, %get3A_621] {strides = array<i32>} : memref<8x32x128xf32, #tpu.memory_space<vmem>>, vector<1x1x16xf32>,
        %get3A_623 = vector.shape_cast %get3A_622 : vector<1x1x16xf32> to vector<16xf32>
        %mul3A_624 = arith.constant 11.3137083 : f32
        %mul3A_625 = vector.broadcast %mul3A_624 : f32 to vector<16xf32>
        %mul3A_626 = arith.mulf %get3A_623, %mul3A_625 : vector<16xf32>
        %swap3A_627 = arith.constant 5 : i32
        %swap3A_628 = arith.index_cast %swap3A_627 : i32 to index
        %swap3A_629 = arith.index_cast %scan3A_571 : i32 to index
        %swap3A_630 = arith.constant 48 : index
        %swap3A_631 = tpu.vector_load %arg7[%swap3A_628, %swap3A_629, %swap3A_630] {strides = array<i32>} : memref<8x32x128xf32, #tpu.memory_space<vmem>>, vector<1x1x16xf32>,
        %swap3A_632 = vector.shape_cast %swap3A_631 : vector<1x1x16xf32> to vector<16xf32>
        %swap3A_633 = vector.shape_cast %mul3A_626 : vector<16xf32> to vector<1x1x16xf32>
        tpu.vector_store %arg7[%swap3A_628, %swap3A_629, %swap3A_630], %swap3A_633 {strides = array<i32>} : memref<8x32x128xf32, #tpu.memory_space<vmem>>, vector<1x1x16xf32>,
        %get3A_634 = arith.constant 5 : i32
        %get3A_635 = arith.index_cast %get3A_634 : i32 to index
        %get3A_636 = arith.index_cast %scan3A_571 : i32 to index
        %get3A_637 = arith.constant 64 : index
        %get3A_638 = tpu.vector_load %arg6[%get3A_635, %get3A_636, %get3A_637] {strides = array<i32>} : memref<8x32x128xf32, #tpu.memory_space<vmem>>, vector<1x1x16xf32>,
        %get3A_639 = vector.shape_cast %get3A_638 : vector<1x1x16xf32> to vector<16xf32>
        %mul3A_640 = arith.constant 11.3137083 : f32
        %mul3A_641 = vector.broadcast %mul3A_640 : f32 to vector<16xf32>
        %mul3A_642 = arith.mulf %get3A_639, %mul3A_641 : vector<16xf32>
        %swap3A_643 = arith.constant 5 : i32
        %swap3A_644 = arith.index_cast %swap3A_643 : i32 to index
        %swap3A_645 = arith.index_cast %scan3A_571 : i32 to index
        %swap3A_646 = arith.constant 64 : index
        %swap3A_647 = tpu.vector_load %arg7[%swap3A_644, %swap3A_645, %swap3A_646] {strides = array<i32>} : memref<8x32x128xf32, #tpu.memory_space<vmem>>, vector<1x1x16xf32>,
        %swap3A_648 = vector.shape_cast %swap3A_647 : vector<1x1x16xf32> to vector<16xf32>
        %swap3A_649 = vector.shape_cast %mul3A_642 : vector<16xf32> to vector<1x1x16xf32>
        tpu.vector_store %arg7[%swap3A_644, %swap3A_645, %swap3A_646], %swap3A_649 {strides = array<i32>} : memref<8x32x128xf32, #tpu.memory_space<vmem>>, vector<1x1x16xf32>,
        %get3A_650 = arith.constant 5 : i32
        %get3A_651 = arith.index_cast %get3A_650 : i32 to index
        %get3A_652 = arith.index_cast %scan3A_571 : i32 to index
        %get3A_653 = arith.constant 80 : index
        %get3A_654 = tpu.vector_load %arg6[%get3A_651, %get3A_652, %get3A_653] {strides = array<i32>} : memref<8x32x128xf32, #tpu.memory_space<vmem>>, vector<1x1x16xf32>,
        %get3A_655 = vector.shape_cast %get3A_654 : vector<1x1x16xf32> to vector<16xf32>
        %mul3A_656 = arith.constant 11.3137083 : f32
        %mul3A_657 = vector.broadcast %mul3A_656 : f32 to vector<16xf32>
        %mul3A_658 = arith.mulf %get3A_655, %mul3A_657 : vector<16xf32>
        %swap3A_659 = arith.constant 5 : i32
        %swap3A_660 = arith.index_cast %swap3A_659 : i32 to index
        %swap3A_661 = arith.index_cast %scan3A_571 : i32 to index
        %swap3A_662 = arith.constant 80 : index
        %swap3A_663 = tpu.vector_load %arg7[%swap3A_660, %swap3A_661, %swap3A_662] {strides = array<i32>} : memref<8x32x128xf32, #tpu.memory_space<vmem>>, vector<1x1x16xf32>,
        %swap3A_664 = vector.shape_cast %swap3A_663 : vector<1x1x16xf32> to vector<16xf32>
        %swap3A_665 = vector.shape_cast %mul3A_658 : vector<16xf32> to vector<1x1x16xf32>
        tpu.vector_store %arg7[%swap3A_660, %swap3A_661, %swap3A_662], %swap3A_665 {strides = array<i32>} : memref<8x32x128xf32, #tpu.memory_space<vmem>>, vector<1x1x16xf32>,
        %get3A_666 = arith.constant 5 : i32
        %get3A_667 = arith.index_cast %get3A_666 : i32 to index
        %get3A_668 = arith.index_cast %scan3A_571 : i32 to index
        %get3A_669 = arith.constant 96 : index
        %get3A_670 = tpu.vector_load %arg6[%get3A_667, %get3A_668, %get3A_669] {strides = array<i32>} : memref<8x32x128xf32, #tpu.memory_space<vmem>>, vector<1x1x16xf32>,
        %get3A_671 = vector.shape_cast %get3A_670 : vector<1x1x16xf32> to vector<16xf32>
        %mul3A_672 = arith.constant 11.3137083 : f32
        %mul3A_673 = vector.broadcast %mul3A_672 : f32 to vector<16xf32>
        %mul3A_674 = arith.mulf %get3A_671, %mul3A_673 : vector<16xf32>
        %swap3A_675 = arith.constant 5 : i32
        %swap3A_676 = arith.index_cast %swap3A_675 : i32 to index
        %swap3A_677 = arith.index_cast %scan3A_571 : i32 to index
        %swap3A_678 = arith.constant 96 : index
        %swap3A_679 = tpu.vector_load %arg7[%swap3A_676, %swap3A_677, %swap3A_678] {strides = array<i32>} : memref<8x32x128xf32, #tpu.memory_space<vmem>>, vector<1x1x16xf32>,
        %swap3A_680 = vector.shape_cast %swap3A_679 : vector<1x1x16xf32> to vector<16xf32>
        %swap3A_681 = vector.shape_cast %mul3A_674 : vector<16xf32> to vector<1x1x16xf32>
        tpu.vector_store %arg7[%swap3A_676, %swap3A_677, %swap3A_678], %swap3A_681 {strides = array<i32>} : memref<8x32x128xf32, #tpu.memory_space<vmem>>, vector<1x1x16xf32>,
        %get3A_682 = arith.constant 5 : i32
        %get3A_683 = arith.index_cast %get3A_682 : i32 to index
        %get3A_684 = arith.index_cast %scan3A_571 : i32 to index
        %get3A_685 = arith.constant 112 : index
        %get3A_686 = tpu.vector_load %arg6[%get3A_683, %get3A_684, %get3A_685] {strides = array<i32>} : memref<8x32x128xf32, #tpu.memory_space<vmem>>, vector<1x1x16xf32>,
        %get3A_687 = vector.shape_cast %get3A_686 : vector<1x1x16xf32> to vector<16xf32>
        %mul3A_688 = arith.constant 11.3137083 : f32
        %mul3A_689 = vector.broadcast %mul3A_688 : f32 to vector<16xf32>
        %mul3A_690 = arith.mulf %get3A_687, %mul3A_689 : vector<16xf32>
        %swap3A_691 = arith.constant 5 : i32
        %swap3A_692 = arith.index_cast %swap3A_691 : i32 to index
        %swap3A_693 = arith.index_cast %scan3A_571 : i32 to index
        %swap3A_694 = arith.constant 112 : index
        %swap3A_695 = tpu.vector_load %arg7[%swap3A_692, %swap3A_693, %swap3A_694] {strides = array<i32>} : memref<8x32x128xf32, #tpu.memory_space<vmem>>, vector<1x1x16xf32>,
        %swap3A_696 = vector.shape_cast %swap3A_695 : vector<1x1x16xf32> to vector<16xf32>
        %swap3A_697 = vector.shape_cast %mul3A_690 : vector<16xf32> to vector<1x1x16xf32>
        tpu.vector_store %arg7[%swap3A_692, %swap3A_693, %swap3A_694], %swap3A_697 {strides = array<i32>} : memref<8x32x128xf32, #tpu.memory_space<vmem>>, vector<1x1x16xf32>,
      }
      %scan3A_453 = arith.constant 32 : i32
      %add3A_454 = arith.addi %mul3A_2, %mul3A_432 : i32
      %dma_start3A_455 = arith.constant 5 : i32
      %dma_start3A_456 = arith.constant 0 : i32
      %dma_start3A_457 = arith.constant 0 : i32
      %dma_start3A_458 = tpu.memref_slice %arg7[%dma_start3A_455, %dma_start3A_456, %dma_start3A_457] : memref<8x32x128xf32, #tpu.memory_space<vmem>> -> memref<1x32x128xf32, #tpu.memory_space<vmem>>
      %dma_start3A_459 = tpu.memref_squeeze %dma_start3A_458 : memref<1x32x128xf32, #tpu.memory_space<vmem>> -> memref<32x128xf32, #tpu.memory_space<vmem>>
      %dma_start3A_460 = arith.constant 0 : i32
      %dma_start3A_461 = tpu.memref_slice %arg4[%add3A_454, %dma_start3A_460] : memref<204800x128xf32, #tpu.memory_space<hbm>> -> memref<32x128xf32, #tpu.memory_space<hbm>>
      %dma_start3A_462 = arith.constant 0 : i32
      %dma_start3A_463 = tpu.memref_slice %arg4[%add3A_454, %dma_start3A_462] : memref<204800x128xf32, #tpu.memory_space<hbm>> -> memref<32x128xf32, #tpu.memory_space<hbm>>
      %dma_start3A_464 = arith.constant 0 : i32
      %dma_start3A_465 = arith.constant 0 : i32
      %dma_start3A_466 = tpu.memref_slice %arg7[%dma_start3A_455, %dma_start3A_464, %dma_start3A_465] : memref<8x32x128xf32, #tpu.memory_space<vmem>> -> memref<1x32x128xf32, #tpu.memory_space<vmem>>
      %dma_start3A_467 = tpu.memref_squeeze %dma_start3A_466 : memref<1x32x128xf32, #tpu.memory_space<vmem>> -> memref<32x128xf32, #tpu.memory_space<vmem>>
      tpu.enqueue_dma source(%dma_start3A_467 : memref<32x128xf32, #tpu.memory_space<vmem>>) target(%dma_start3A_463 : memref<32x128xf32, #tpu.memory_space<hbm>>) target_semaphore(%arg21 : memref<!tpu.dma_semaphore, #tpu.memory_space<semaphore_mem>>)
      %add3A_468 = arith.constant 8 : i32
      %add3A_469 = arith.addi %add3A_430, %add3A_468 : i32
      %lt3A_470 = arith.constant 200 : i32
      %lt3A_471 = arith.cmpi slt, %add3A_469, %lt3A_470 : i32
      %convert_element_type3A_472 = arith.extui %lt3A_471 : i1 to i32
      %cond3A_473 = arith.constant 0 : i32
      %cond3A_474 = arith.cmpi ne, %convert_element_type3A_472, %cond3A_473 : i32
      scf.if %cond3A_474 {
        %add3A_571 = arith.constant 256 : i32
        %add3A_572 = arith.addi %mul3A_432, %add3A_571 : i32
        %dma_start3A_573 = arith.constant 5 : i32
        %dma_start3A_574 = arith.constant 0 : i32
        %dma_start3A_575 = arith.constant 0 : i32
        %dma_start3A_576 = tpu.memref_slice %arg6[%dma_start3A_573, %dma_start3A_574, %dma_start3A_575] : memref<8x32x128xf32, #tpu.memory_space<vmem>> -> memref<1x32x128xf32, #tpu.memory_space<vmem>>
        %dma_start3A_577 = tpu.memref_squeeze %dma_start3A_576 : memref<1x32x128xf32, #tpu.memory_space<vmem>> -> memref<32x128xf32, #tpu.memory_space<vmem>>
        %dma_start3A_578 = tpu.memref_slice %arg5[%add3A_572] : memref<6400xi32, #tpu.memory_space<vmem>> -> memref<32xi32, #tpu.memory_space<vmem>>
        %dma_start3A_579 = arith.constant 0 : i32
        %dma_start3A_580 = arith.constant 0 : i32
        %dma_start3A_581 = tpu.memref_slice %arg3[%dma_start3A_579, %dma_start3A_580] : memref<100000x128xf32, #tpu.memory_space<hbm>> -> memref<100000x128xf32, #tpu.memory_space<hbm>>
        tpu.enqueue_indirect_dma source(%dma_start3A_581 : memref<100000x128xf32, #tpu.memory_space<hbm>>) target(%dma_start3A_577 : memref<32x128xf32, #tpu.memory_space<vmem>>) offsets(%dma_start3A_578 : memref<32xi32, #tpu.memory_space<vmem>>) semaphore(%arg13 : memref<!tpu.dma_semaphore, #tpu.memory_space<semaphore_mem>>)
      } else {
      }
      %mul3A_475 = arith.constant 8 : i32
      %mul3A_476 = arith.muli %scan3A_190, %mul3A_475 : i32
      %add3A_477 = arith.constant 6 : i32
      %add3A_478 = arith.addi %mul3A_476, %add3A_477 : i32
      %mul3A_479 = arith.constant 32 : i32
      %mul3A_480 = arith.muli %add3A_478, %mul3A_479 : i32
      %dma_wait3A_481 = arith.constant 6 : i32
      %dma_wait3A_482 = arith.constant 0 : i32
      %dma_wait3A_483 = arith.constant 0 : i32
      %dma_wait3A_484 = tpu.memref_slice %arg6[%dma_wait3A_481, %dma_wait3A_482, %dma_wait3A_483] : memref<8x32x128xf32, #tpu.memory_space<vmem>> -> memref<1x32x128xf32, #tpu.memory_space<vmem>>
      %dma_wait3A_485 = tpu.memref_squeeze %dma_wait3A_484 : memref<1x32x128xf32, #tpu.memory_space<vmem>> -> memref<32x128xf32, #tpu.memory_space<vmem>>
      %dma_wait3A_486 = arith.constant 0 : i32
      %dma_wait3A_487 = tpu.memref_slice %arg5[%dma_wait3A_486] : memref<6400xi32, #tpu.memory_space<vmem>> -> memref<32xi32, #tpu.memory_space<vmem>>
      %dma_wait3A_488 = arith.constant 0 : i32
      %dma_wait3A_489 = arith.constant 0 : i32
      %dma_wait3A_490 = tpu.memref_slice %arg3[%dma_wait3A_488, %dma_wait3A_489] : memref<100000x128xf32, #tpu.memory_space<hbm>> -> memref<100000x128xf32, #tpu.memory_space<hbm>>
      tpu.wait_indirect_dma semaphore(%arg14 : memref<!tpu.dma_semaphore, #tpu.memory_space<semaphore_mem>>) src(%dma_wait3A_490 : memref<100000x128xf32, #tpu.memory_space<hbm>>) dst(%dma_wait3A_485 : memref<32x128xf32, #tpu.memory_space<vmem>>)
      %ge3A_491 = arith.constant 8 : i32
      %ge3A_492 = arith.cmpi sge, %add3A_478, %ge3A_491 : i32
      %convert_element_type3A_493 = arith.extui %ge3A_492 : i1 to i32
      %cond3A_494 = arith.constant 0 : i32
      %cond3A_495 = arith.cmpi ne, %convert_element_type3A_493, %cond3A_494 : i32
      scf.if %cond3A_495 {
        %dma_wait3A_571 = arith.constant 6 : i32
        %dma_wait3A_572 = arith.constant 0 : i32
        %dma_wait3A_573 = arith.constant 0 : i32
        %dma_wait3A_574 = tpu.memref_slice %arg7[%dma_wait3A_571, %dma_wait3A_572, %dma_wait3A_573] : memref<8x32x128xf32, #tpu.memory_space<vmem>> -> memref<1x32x128xf32, #tpu.memory_space<vmem>>
        %dma_wait3A_575 = tpu.memref_squeeze %dma_wait3A_574 : memref<1x32x128xf32, #tpu.memory_space<vmem>> -> memref<32x128xf32, #tpu.memory_space<vmem>>
        %dma_wait3A_576 = arith.constant 0 : i32
        %dma_wait3A_577 = tpu.memref_slice %arg4[%mul3A_2, %dma_wait3A_576] : memref<204800x128xf32, #tpu.memory_space<hbm>> -> memref<32x128xf32, #tpu.memory_space<hbm>>
        %dma_wait3A_578 = arith.constant 0 : i32
        %dma_wait3A_579 = tpu.memref_slice %arg4[%mul3A_2, %dma_wait3A_578] : memref<204800x128xf32, #tpu.memory_space<hbm>> -> memref<32x128xf32, #tpu.memory_space<hbm>>
        %dma_wait3A_580 = arith.constant 0 : i32
        %dma_wait3A_581 = arith.constant 0 : i32
        %dma_wait3A_582 = tpu.memref_slice %arg7[%dma_wait3A_571, %dma_wait3A_580, %dma_wait3A_581] : memref<8x32x128xf32, #tpu.memory_space<vmem>> -> memref<1x32x128xf32, #tpu.memory_space<vmem>>
        %dma_wait3A_583 = tpu.memref_squeeze %dma_wait3A_582 : memref<1x32x128xf32, #tpu.memory_space<vmem>> -> memref<32x128xf32, #tpu.memory_space<vmem>>
        tpu.wait_dma2 semaphore(%arg22 : memref<!tpu.dma_semaphore, #tpu.memory_space<semaphore_mem>>) src(%dma_wait3A_583 : memref<32x128xf32, #tpu.memory_space<vmem>>) dst(%dma_wait3A_579 : memref<32x128xf32, #tpu.memory_space<hbm>>)
      } else {
      }
      %scan3A_496 = arith.constant 0 : i32
      %scan3A_497 = arith.constant 0 : i32
      %scan3A_498 = arith.constant 32 : i32
      %scan3A_499 = arith.addi %scan3A_497, %scan3A_498 : i32
      %scan3A_500 = arith.constant 1 : i32
      scf.for %scan3A_571 = %scan3A_497 to %scan3A_499 step %scan3A_500  : i32 {
        %get3A = arith.constant 6 : i32
        %get3A_572 = arith.index_cast %get3A : i32 to index
        %get3A_573 = arith.index_cast %scan3A_571 : i32 to index
        %get3A_574 = arith.constant 0 : index
        %get3A_575 = tpu.vector_load %arg6[%get3A_572, %get3A_573, %get3A_574] {strides = array<i32>} : memref<8x32x128xf32, #tpu.memory_space<vmem>>, vector<1x1x16xf32>,
        %get3A_576 = vector.shape_cast %get3A_575 : vector<1x1x16xf32> to vector<16xf32>
        %mul3A_577 = arith.constant 11.3137083 : f32
        %mul3A_578 = vector.broadcast %mul3A_577 : f32 to vector<16xf32>
        %mul3A_579 = arith.mulf %get3A_576, %mul3A_578 : vector<16xf32>
        %swap3A = arith.constant 6 : i32
        %swap3A_580 = arith.index_cast %swap3A : i32 to index
        %swap3A_581 = arith.index_cast %scan3A_571 : i32 to index
        %swap3A_582 = arith.constant 0 : index
        %swap3A_583 = tpu.vector_load %arg7[%swap3A_580, %swap3A_581, %swap3A_582] {strides = array<i32>} : memref<8x32x128xf32, #tpu.memory_space<vmem>>, vector<1x1x16xf32>,
        %swap3A_584 = vector.shape_cast %swap3A_583 : vector<1x1x16xf32> to vector<16xf32>
        %swap3A_585 = vector.shape_cast %mul3A_579 : vector<16xf32> to vector<1x1x16xf32>
        tpu.vector_store %arg7[%swap3A_580, %swap3A_581, %swap3A_582], %swap3A_585 {strides = array<i32>} : memref<8x32x128xf32, #tpu.memory_space<vmem>>, vector<1x1x16xf32>,
        %get3A_586 = arith.constant 6 : i32
        %get3A_587 = arith.index_cast %get3A_586 : i32 to index
        %get3A_588 = arith.index_cast %scan3A_571 : i32 to index
        %get3A_589 = arith.constant 16 : index
        %get3A_590 = tpu.vector_load %arg6[%get3A_587, %get3A_588, %get3A_589] {strides = array<i32>} : memref<8x32x128xf32, #tpu.memory_space<vmem>>, vector<1x1x16xf32>,
        %get3A_591 = vector.shape_cast %get3A_590 : vector<1x1x16xf32> to vector<16xf32>
        %mul3A_592 = arith.constant 11.3137083 : f32
        %mul3A_593 = vector.broadcast %mul3A_592 : f32 to vector<16xf32>
        %mul3A_594 = arith.mulf %get3A_591, %mul3A_593 : vector<16xf32>
        %swap3A_595 = arith.constant 6 : i32
        %swap3A_596 = arith.index_cast %swap3A_595 : i32 to index
        %swap3A_597 = arith.index_cast %scan3A_571 : i32 to index
        %swap3A_598 = arith.constant 16 : index
        %swap3A_599 = tpu.vector_load %arg7[%swap3A_596, %swap3A_597, %swap3A_598] {strides = array<i32>} : memref<8x32x128xf32, #tpu.memory_space<vmem>>, vector<1x1x16xf32>,
        %swap3A_600 = vector.shape_cast %swap3A_599 : vector<1x1x16xf32> to vector<16xf32>
        %swap3A_601 = vector.shape_cast %mul3A_594 : vector<16xf32> to vector<1x1x16xf32>
        tpu.vector_store %arg7[%swap3A_596, %swap3A_597, %swap3A_598], %swap3A_601 {strides = array<i32>} : memref<8x32x128xf32, #tpu.memory_space<vmem>>, vector<1x1x16xf32>,
        %get3A_602 = arith.constant 6 : i32
        %get3A_603 = arith.index_cast %get3A_602 : i32 to index
        %get3A_604 = arith.index_cast %scan3A_571 : i32 to index
        %get3A_605 = arith.constant 32 : index
        %get3A_606 = tpu.vector_load %arg6[%get3A_603, %get3A_604, %get3A_605] {strides = array<i32>} : memref<8x32x128xf32, #tpu.memory_space<vmem>>, vector<1x1x16xf32>,
        %get3A_607 = vector.shape_cast %get3A_606 : vector<1x1x16xf32> to vector<16xf32>
        %mul3A_608 = arith.constant 11.3137083 : f32
        %mul3A_609 = vector.broadcast %mul3A_608 : f32 to vector<16xf32>
        %mul3A_610 = arith.mulf %get3A_607, %mul3A_609 : vector<16xf32>
        %swap3A_611 = arith.constant 6 : i32
        %swap3A_612 = arith.index_cast %swap3A_611 : i32 to index
        %swap3A_613 = arith.index_cast %scan3A_571 : i32 to index
        %swap3A_614 = arith.constant 32 : index
        %swap3A_615 = tpu.vector_load %arg7[%swap3A_612, %swap3A_613, %swap3A_614] {strides = array<i32>} : memref<8x32x128xf32, #tpu.memory_space<vmem>>, vector<1x1x16xf32>,
        %swap3A_616 = vector.shape_cast %swap3A_615 : vector<1x1x16xf32> to vector<16xf32>
        %swap3A_617 = vector.shape_cast %mul3A_610 : vector<16xf32> to vector<1x1x16xf32>
        tpu.vector_store %arg7[%swap3A_612, %swap3A_613, %swap3A_614], %swap3A_617 {strides = array<i32>} : memref<8x32x128xf32, #tpu.memory_space<vmem>>, vector<1x1x16xf32>,
        %get3A_618 = arith.constant 6 : i32
        %get3A_619 = arith.index_cast %get3A_618 : i32 to index
        %get3A_620 = arith.index_cast %scan3A_571 : i32 to index
        %get3A_621 = arith.constant 48 : index
        %get3A_622 = tpu.vector_load %arg6[%get3A_619, %get3A_620, %get3A_621] {strides = array<i32>} : memref<8x32x128xf32, #tpu.memory_space<vmem>>, vector<1x1x16xf32>,
        %get3A_623 = vector.shape_cast %get3A_622 : vector<1x1x16xf32> to vector<16xf32>
        %mul3A_624 = arith.constant 11.3137083 : f32
        %mul3A_625 = vector.broadcast %mul3A_624 : f32 to vector<16xf32>
        %mul3A_626 = arith.mulf %get3A_623, %mul3A_625 : vector<16xf32>
        %swap3A_627 = arith.constant 6 : i32
        %swap3A_628 = arith.index_cast %swap3A_627 : i32 to index
        %swap3A_629 = arith.index_cast %scan3A_571 : i32 to index
        %swap3A_630 = arith.constant 48 : index
        %swap3A_631 = tpu.vector_load %arg7[%swap3A_628, %swap3A_629, %swap3A_630] {strides = array<i32>} : memref<8x32x128xf32, #tpu.memory_space<vmem>>, vector<1x1x16xf32>,
        %swap3A_632 = vector.shape_cast %swap3A_631 : vector<1x1x16xf32> to vector<16xf32>
        %swap3A_633 = vector.shape_cast %mul3A_626 : vector<16xf32> to vector<1x1x16xf32>
        tpu.vector_store %arg7[%swap3A_628, %swap3A_629, %swap3A_630], %swap3A_633 {strides = array<i32>} : memref<8x32x128xf32, #tpu.memory_space<vmem>>, vector<1x1x16xf32>,
        %get3A_634 = arith.constant 6 : i32
        %get3A_635 = arith.index_cast %get3A_634 : i32 to index
        %get3A_636 = arith.index_cast %scan3A_571 : i32 to index
        %get3A_637 = arith.constant 64 : index
        %get3A_638 = tpu.vector_load %arg6[%get3A_635, %get3A_636, %get3A_637] {strides = array<i32>} : memref<8x32x128xf32, #tpu.memory_space<vmem>>, vector<1x1x16xf32>,
        %get3A_639 = vector.shape_cast %get3A_638 : vector<1x1x16xf32> to vector<16xf32>
        %mul3A_640 = arith.constant 11.3137083 : f32
        %mul3A_641 = vector.broadcast %mul3A_640 : f32 to vector<16xf32>
        %mul3A_642 = arith.mulf %get3A_639, %mul3A_641 : vector<16xf32>
        %swap3A_643 = arith.constant 6 : i32
        %swap3A_644 = arith.index_cast %swap3A_643 : i32 to index
        %swap3A_645 = arith.index_cast %scan3A_571 : i32 to index
        %swap3A_646 = arith.constant 64 : index
        %swap3A_647 = tpu.vector_load %arg7[%swap3A_644, %swap3A_645, %swap3A_646] {strides = array<i32>} : memref<8x32x128xf32, #tpu.memory_space<vmem>>, vector<1x1x16xf32>,
        %swap3A_648 = vector.shape_cast %swap3A_647 : vector<1x1x16xf32> to vector<16xf32>
        %swap3A_649 = vector.shape_cast %mul3A_642 : vector<16xf32> to vector<1x1x16xf32>
        tpu.vector_store %arg7[%swap3A_644, %swap3A_645, %swap3A_646], %swap3A_649 {strides = array<i32>} : memref<8x32x128xf32, #tpu.memory_space<vmem>>, vector<1x1x16xf32>,
        %get3A_650 = arith.constant 6 : i32
        %get3A_651 = arith.index_cast %get3A_650 : i32 to index
        %get3A_652 = arith.index_cast %scan3A_571 : i32 to index
        %get3A_653 = arith.constant 80 : index
        %get3A_654 = tpu.vector_load %arg6[%get3A_651, %get3A_652, %get3A_653] {strides = array<i32>} : memref<8x32x128xf32, #tpu.memory_space<vmem>>, vector<1x1x16xf32>,
        %get3A_655 = vector.shape_cast %get3A_654 : vector<1x1x16xf32> to vector<16xf32>
        %mul3A_656 = arith.constant 11.3137083 : f32
        %mul3A_657 = vector.broadcast %mul3A_656 : f32 to vector<16xf32>
        %mul3A_658 = arith.mulf %get3A_655, %mul3A_657 : vector<16xf32>
        %swap3A_659 = arith.constant 6 : i32
        %swap3A_660 = arith.index_cast %swap3A_659 : i32 to index
        %swap3A_661 = arith.index_cast %scan3A_571 : i32 to index
        %swap3A_662 = arith.constant 80 : index
        %swap3A_663 = tpu.vector_load %arg7[%swap3A_660, %swap3A_661, %swap3A_662] {strides = array<i32>} : memref<8x32x128xf32, #tpu.memory_space<vmem>>, vector<1x1x16xf32>,
        %swap3A_664 = vector.shape_cast %swap3A_663 : vector<1x1x16xf32> to vector<16xf32>
        %swap3A_665 = vector.shape_cast %mul3A_658 : vector<16xf32> to vector<1x1x16xf32>
        tpu.vector_store %arg7[%swap3A_660, %swap3A_661, %swap3A_662], %swap3A_665 {strides = array<i32>} : memref<8x32x128xf32, #tpu.memory_space<vmem>>, vector<1x1x16xf32>,
        %get3A_666 = arith.constant 6 : i32
        %get3A_667 = arith.index_cast %get3A_666 : i32 to index
        %get3A_668 = arith.index_cast %scan3A_571 : i32 to index
        %get3A_669 = arith.constant 96 : index
        %get3A_670 = tpu.vector_load %arg6[%get3A_667, %get3A_668, %get3A_669] {strides = array<i32>} : memref<8x32x128xf32, #tpu.memory_space<vmem>>, vector<1x1x16xf32>,
        %get3A_671 = vector.shape_cast %get3A_670 : vector<1x1x16xf32> to vector<16xf32>
        %mul3A_672 = arith.constant 11.3137083 : f32
        %mul3A_673 = vector.broadcast %mul3A_672 : f32 to vector<16xf32>
        %mul3A_674 = arith.mulf %get3A_671, %mul3A_673 : vector<16xf32>
        %swap3A_675 = arith.constant 6 : i32
        %swap3A_676 = arith.index_cast %swap3A_675 : i32 to index
        %swap3A_677 = arith.index_cast %scan3A_571 : i32 to index
        %swap3A_678 = arith.constant 96 : index
        %swap3A_679 = tpu.vector_load %arg7[%swap3A_676, %swap3A_677, %swap3A_678] {strides = array<i32>} : memref<8x32x128xf32, #tpu.memory_space<vmem>>, vector<1x1x16xf32>,
        %swap3A_680 = vector.shape_cast %swap3A_679 : vector<1x1x16xf32> to vector<16xf32>
        %swap3A_681 = vector.shape_cast %mul3A_674 : vector<16xf32> to vector<1x1x16xf32>
        tpu.vector_store %arg7[%swap3A_676, %swap3A_677, %swap3A_678], %swap3A_681 {strides = array<i32>} : memref<8x32x128xf32, #tpu.memory_space<vmem>>, vector<1x1x16xf32>,
        %get3A_682 = arith.constant 6 : i32
        %get3A_683 = arith.index_cast %get3A_682 : i32 to index
        %get3A_684 = arith.index_cast %scan3A_571 : i32 to index
        %get3A_685 = arith.constant 112 : index
        %get3A_686 = tpu.vector_load %arg6[%get3A_683, %get3A_684, %get3A_685] {strides = array<i32>} : memref<8x32x128xf32, #tpu.memory_space<vmem>>, vector<1x1x16xf32>,
        %get3A_687 = vector.shape_cast %get3A_686 : vector<1x1x16xf32> to vector<16xf32>
        %mul3A_688 = arith.constant 11.3137083 : f32
        %mul3A_689 = vector.broadcast %mul3A_688 : f32 to vector<16xf32>
        %mul3A_690 = arith.mulf %get3A_687, %mul3A_689 : vector<16xf32>
        %swap3A_691 = arith.constant 6 : i32
        %swap3A_692 = arith.index_cast %swap3A_691 : i32 to index
        %swap3A_693 = arith.index_cast %scan3A_571 : i32 to index
        %swap3A_694 = arith.constant 112 : index
        %swap3A_695 = tpu.vector_load %arg7[%swap3A_692, %swap3A_693, %swap3A_694] {strides = array<i32>} : memref<8x32x128xf32, #tpu.memory_space<vmem>>, vector<1x1x16xf32>,
        %swap3A_696 = vector.shape_cast %swap3A_695 : vector<1x1x16xf32> to vector<16xf32>
        %swap3A_697 = vector.shape_cast %mul3A_690 : vector<16xf32> to vector<1x1x16xf32>
        tpu.vector_store %arg7[%swap3A_692, %swap3A_693, %swap3A_694], %swap3A_697 {strides = array<i32>} : memref<8x32x128xf32, #tpu.memory_space<vmem>>, vector<1x1x16xf32>,
      }
      %scan3A_501 = arith.constant 32 : i32
      %add3A_502 = arith.addi %mul3A_2, %mul3A_480 : i32
      %dma_start3A_503 = arith.constant 6 : i32
      %dma_start3A_504 = arith.constant 0 : i32
      %dma_start3A_505 = arith.constant 0 : i32
      %dma_start3A_506 = tpu.memref_slice %arg7[%dma_start3A_503, %dma_start3A_504, %dma_start3A_505] : memref<8x32x128xf32, #tpu.memory_space<vmem>> -> memref<1x32x128xf32, #tpu.memory_space<vmem>>
      %dma_start3A_507 = tpu.memref_squeeze %dma_start3A_506 : memref<1x32x128xf32, #tpu.memory_space<vmem>> -> memref<32x128xf32, #tpu.memory_space<vmem>>
      %dma_start3A_508 = arith.constant 0 : i32
      %dma_start3A_509 = tpu.memref_slice %arg4[%add3A_502, %dma_start3A_508] : memref<204800x128xf32, #tpu.memory_space<hbm>> -> memref<32x128xf32, #tpu.memory_space<hbm>>
      %dma_start3A_510 = arith.constant 0 : i32
      %dma_start3A_511 = tpu.memref_slice %arg4[%add3A_502, %dma_start3A_510] : memref<204800x128xf32, #tpu.memory_space<hbm>> -> memref<32x128xf32, #tpu.memory_space<hbm>>
      %dma_start3A_512 = arith.constant 0 : i32
      %dma_start3A_513 = arith.constant 0 : i32
      %dma_start3A_514 = tpu.memref_slice %arg7[%dma_start3A_503, %dma_start3A_512, %dma_start3A_513] : memref<8x32x128xf32, #tpu.memory_space<vmem>> -> memref<1x32x128xf32, #tpu.memory_space<vmem>>
      %dma_start3A_515 = tpu.memref_squeeze %dma_start3A_514 : memref<1x32x128xf32, #tpu.memory_space<vmem>> -> memref<32x128xf32, #tpu.memory_space<vmem>>
      tpu.enqueue_dma source(%dma_start3A_515 : memref<32x128xf32, #tpu.memory_space<vmem>>) target(%dma_start3A_511 : memref<32x128xf32, #tpu.memory_space<hbm>>) target_semaphore(%arg22 : memref<!tpu.dma_semaphore, #tpu.memory_space<semaphore_mem>>)
      %add3A_516 = arith.constant 8 : i32
      %add3A_517 = arith.addi %add3A_478, %add3A_516 : i32
      %lt3A_518 = arith.constant 200 : i32
      %lt3A_519 = arith.cmpi slt, %add3A_517, %lt3A_518 : i32
      %convert_element_type3A_520 = arith.extui %lt3A_519 : i1 to i32
      %cond3A_521 = arith.constant 0 : i32
      %cond3A_522 = arith.cmpi ne, %convert_element_type3A_520, %cond3A_521 : i32
      scf.if %cond3A_522 {
        %add3A_571 = arith.constant 256 : i32
        %add3A_572 = arith.addi %mul3A_480, %add3A_571 : i32
        %dma_start3A_573 = arith.constant 6 : i32
        %dma_start3A_574 = arith.constant 0 : i32
        %dma_start3A_575 = arith.constant 0 : i32
        %dma_start3A_576 = tpu.memref_slice %arg6[%dma_start3A_573, %dma_start3A_574, %dma_start3A_575] : memref<8x32x128xf32, #tpu.memory_space<vmem>> -> memref<1x32x128xf32, #tpu.memory_space<vmem>>
        %dma_start3A_577 = tpu.memref_squeeze %dma_start3A_576 : memref<1x32x128xf32, #tpu.memory_space<vmem>> -> memref<32x128xf32, #tpu.memory_space<vmem>>
        %dma_start3A_578 = tpu.memref_slice %arg5[%add3A_572] : memref<6400xi32, #tpu.memory_space<vmem>> -> memref<32xi32, #tpu.memory_space<vmem>>
        %dma_start3A_579 = arith.constant 0 : i32
        %dma_start3A_580 = arith.constant 0 : i32
        %dma_start3A_581 = tpu.memref_slice %arg3[%dma_start3A_579, %dma_start3A_580] : memref<100000x128xf32, #tpu.memory_space<hbm>> -> memref<100000x128xf32, #tpu.memory_space<hbm>>
        tpu.enqueue_indirect_dma source(%dma_start3A_581 : memref<100000x128xf32, #tpu.memory_space<hbm>>) target(%dma_start3A_577 : memref<32x128xf32, #tpu.memory_space<vmem>>) offsets(%dma_start3A_578 : memref<32xi32, #tpu.memory_space<vmem>>) semaphore(%arg14 : memref<!tpu.dma_semaphore, #tpu.memory_space<semaphore_mem>>)
      } else {
      }
      %mul3A_523 = arith.constant 8 : i32
      %mul3A_524 = arith.muli %scan3A_190, %mul3A_523 : i32
      %add3A_525 = arith.constant 7 : i32
      %add3A_526 = arith.addi %mul3A_524, %add3A_525 : i32
      %mul3A_527 = arith.constant 32 : i32
      %mul3A_528 = arith.muli %add3A_526, %mul3A_527 : i32
      %dma_wait3A_529 = arith.constant 7 : i32
      %dma_wait3A_530 = arith.constant 0 : i32
      %dma_wait3A_531 = arith.constant 0 : i32
      %dma_wait3A_532 = tpu.memref_slice %arg6[%dma_wait3A_529, %dma_wait3A_530, %dma_wait3A_531] : memref<8x32x128xf32, #tpu.memory_space<vmem>> -> memref<1x32x128xf32, #tpu.memory_space<vmem>>
      %dma_wait3A_533 = tpu.memref_squeeze %dma_wait3A_532 : memref<1x32x128xf32, #tpu.memory_space<vmem>> -> memref<32x128xf32, #tpu.memory_space<vmem>>
      %dma_wait3A_534 = arith.constant 0 : i32
      %dma_wait3A_535 = tpu.memref_slice %arg5[%dma_wait3A_534] : memref<6400xi32, #tpu.memory_space<vmem>> -> memref<32xi32, #tpu.memory_space<vmem>>
      %dma_wait3A_536 = arith.constant 0 : i32
      %dma_wait3A_537 = arith.constant 0 : i32
      %dma_wait3A_538 = tpu.memref_slice %arg3[%dma_wait3A_536, %dma_wait3A_537] : memref<100000x128xf32, #tpu.memory_space<hbm>> -> memref<100000x128xf32, #tpu.memory_space<hbm>>
      tpu.wait_indirect_dma semaphore(%arg15 : memref<!tpu.dma_semaphore, #tpu.memory_space<semaphore_mem>>) src(%dma_wait3A_538 : memref<100000x128xf32, #tpu.memory_space<hbm>>) dst(%dma_wait3A_533 : memref<32x128xf32, #tpu.memory_space<vmem>>)
      %ge3A_539 = arith.constant 8 : i32
      %ge3A_540 = arith.cmpi sge, %add3A_526, %ge3A_539 : i32
      %convert_element_type3A_541 = arith.extui %ge3A_540 : i1 to i32
      %cond3A_542 = arith.constant 0 : i32
      %cond3A_543 = arith.cmpi ne, %convert_element_type3A_541, %cond3A_542 : i32
      scf.if %cond3A_543 {
        %dma_wait3A_571 = arith.constant 7 : i32
        %dma_wait3A_572 = arith.constant 0 : i32
        %dma_wait3A_573 = arith.constant 0 : i32
        %dma_wait3A_574 = tpu.memref_slice %arg7[%dma_wait3A_571, %dma_wait3A_572, %dma_wait3A_573] : memref<8x32x128xf32, #tpu.memory_space<vmem>> -> memref<1x32x128xf32, #tpu.memory_space<vmem>>
        %dma_wait3A_575 = tpu.memref_squeeze %dma_wait3A_574 : memref<1x32x128xf32, #tpu.memory_space<vmem>> -> memref<32x128xf32, #tpu.memory_space<vmem>>
        %dma_wait3A_576 = arith.constant 0 : i32
        %dma_wait3A_577 = tpu.memref_slice %arg4[%mul3A_2, %dma_wait3A_576] : memref<204800x128xf32, #tpu.memory_space<hbm>> -> memref<32x128xf32, #tpu.memory_space<hbm>>
        %dma_wait3A_578 = arith.constant 0 : i32
        %dma_wait3A_579 = tpu.memref_slice %arg4[%mul3A_2, %dma_wait3A_578] : memref<204800x128xf32, #tpu.memory_space<hbm>> -> memref<32x128xf32, #tpu.memory_space<hbm>>
        %dma_wait3A_580 = arith.constant 0 : i32
        %dma_wait3A_581 = arith.constant 0 : i32
        %dma_wait3A_582 = tpu.memref_slice %arg7[%dma_wait3A_571, %dma_wait3A_580, %dma_wait3A_581] : memref<8x32x128xf32, #tpu.memory_space<vmem>> -> memref<1x32x128xf32, #tpu.memory_space<vmem>>
        %dma_wait3A_583 = tpu.memref_squeeze %dma_wait3A_582 : memref<1x32x128xf32, #tpu.memory_space<vmem>> -> memref<32x128xf32, #tpu.memory_space<vmem>>
        tpu.wait_dma2 semaphore(%arg23 : memref<!tpu.dma_semaphore, #tpu.memory_space<semaphore_mem>>) src(%dma_wait3A_583 : memref<32x128xf32, #tpu.memory_space<vmem>>) dst(%dma_wait3A_579 : memref<32x128xf32, #tpu.memory_space<hbm>>)
      } else {
      }
      %scan3A_544 = arith.constant 0 : i32
      %scan3A_545 = arith.constant 0 : i32
      %scan3A_546 = arith.constant 32 : i32
      %scan3A_547 = arith.addi %scan3A_545, %scan3A_546 : i32
      %scan3A_548 = arith.constant 1 : i32
      scf.for %scan3A_571 = %scan3A_545 to %scan3A_547 step %scan3A_548  : i32 {
        %get3A = arith.constant 7 : i32
        %get3A_572 = arith.index_cast %get3A : i32 to index
        %get3A_573 = arith.index_cast %scan3A_571 : i32 to index
        %get3A_574 = arith.constant 0 : index
        %get3A_575 = tpu.vector_load %arg6[%get3A_572, %get3A_573, %get3A_574] {strides = array<i32>} : memref<8x32x128xf32, #tpu.memory_space<vmem>>, vector<1x1x16xf32>,
        %get3A_576 = vector.shape_cast %get3A_575 : vector<1x1x16xf32> to vector<16xf32>
        %mul3A_577 = arith.constant 11.3137083 : f32
        %mul3A_578 = vector.broadcast %mul3A_577 : f32 to vector<16xf32>
        %mul3A_579 = arith.mulf %get3A_576, %mul3A_578 : vector<16xf32>
        %swap3A = arith.constant 7 : i32
        %swap3A_580 = arith.index_cast %swap3A : i32 to index
        %swap3A_581 = arith.index_cast %scan3A_571 : i32 to index
        %swap3A_582 = arith.constant 0 : index
        %swap3A_583 = tpu.vector_load %arg7[%swap3A_580, %swap3A_581, %swap3A_582] {strides = array<i32>} : memref<8x32x128xf32, #tpu.memory_space<vmem>>, vector<1x1x16xf32>,
        %swap3A_584 = vector.shape_cast %swap3A_583 : vector<1x1x16xf32> to vector<16xf32>
        %swap3A_585 = vector.shape_cast %mul3A_579 : vector<16xf32> to vector<1x1x16xf32>
        tpu.vector_store %arg7[%swap3A_580, %swap3A_581, %swap3A_582], %swap3A_585 {strides = array<i32>} : memref<8x32x128xf32, #tpu.memory_space<vmem>>, vector<1x1x16xf32>,
        %get3A_586 = arith.constant 7 : i32
        %get3A_587 = arith.index_cast %get3A_586 : i32 to index
        %get3A_588 = arith.index_cast %scan3A_571 : i32 to index
        %get3A_589 = arith.constant 16 : index
        %get3A_590 = tpu.vector_load %arg6[%get3A_587, %get3A_588, %get3A_589] {strides = array<i32>} : memref<8x32x128xf32, #tpu.memory_space<vmem>>, vector<1x1x16xf32>,
        %get3A_591 = vector.shape_cast %get3A_590 : vector<1x1x16xf32> to vector<16xf32>
        %mul3A_592 = arith.constant 11.3137083 : f32
        %mul3A_593 = vector.broadcast %mul3A_592 : f32 to vector<16xf32>
        %mul3A_594 = arith.mulf %get3A_591, %mul3A_593 : vector<16xf32>
        %swap3A_595 = arith.constant 7 : i32
        %swap3A_596 = arith.index_cast %swap3A_595 : i32 to index
        %swap3A_597 = arith.index_cast %scan3A_571 : i32 to index
        %swap3A_598 = arith.constant 16 : index
        %swap3A_599 = tpu.vector_load %arg7[%swap3A_596, %swap3A_597, %swap3A_598] {strides = array<i32>} : memref<8x32x128xf32, #tpu.memory_space<vmem>>, vector<1x1x16xf32>,
        %swap3A_600 = vector.shape_cast %swap3A_599 : vector<1x1x16xf32> to vector<16xf32>
        %swap3A_601 = vector.shape_cast %mul3A_594 : vector<16xf32> to vector<1x1x16xf32>
        tpu.vector_store %arg7[%swap3A_596, %swap3A_597, %swap3A_598], %swap3A_601 {strides = array<i32>} : memref<8x32x128xf32, #tpu.memory_space<vmem>>, vector<1x1x16xf32>,
        %get3A_602 = arith.constant 7 : i32
        %get3A_603 = arith.index_cast %get3A_602 : i32 to index
        %get3A_604 = arith.index_cast %scan3A_571 : i32 to index
        %get3A_605 = arith.constant 32 : index
        %get3A_606 = tpu.vector_load %arg6[%get3A_603, %get3A_604, %get3A_605] {strides = array<i32>} : memref<8x32x128xf32, #tpu.memory_space<vmem>>, vector<1x1x16xf32>,
        %get3A_607 = vector.shape_cast %get3A_606 : vector<1x1x16xf32> to vector<16xf32>
        %mul3A_608 = arith.constant 11.3137083 : f32
        %mul3A_609 = vector.broadcast %mul3A_608 : f32 to vector<16xf32>
        %mul3A_610 = arith.mulf %get3A_607, %mul3A_609 : vector<16xf32>
        %swap3A_611 = arith.constant 7 : i32
        %swap3A_612 = arith.index_cast %swap3A_611 : i32 to index
        %swap3A_613 = arith.index_cast %scan3A_571 : i32 to index
        %swap3A_614 = arith.constant 32 : index
        %swap3A_615 = tpu.vector_load %arg7[%swap3A_612, %swap3A_613, %swap3A_614] {strides = array<i32>} : memref<8x32x128xf32, #tpu.memory_space<vmem>>, vector<1x1x16xf32>,
        %swap3A_616 = vector.shape_cast %swap3A_615 : vector<1x1x16xf32> to vector<16xf32>
        %swap3A_617 = vector.shape_cast %mul3A_610 : vector<16xf32> to vector<1x1x16xf32>
        tpu.vector_store %arg7[%swap3A_612, %swap3A_613, %swap3A_614], %swap3A_617 {strides = array<i32>} : memref<8x32x128xf32, #tpu.memory_space<vmem>>, vector<1x1x16xf32>,
        %get3A_618 = arith.constant 7 : i32
        %get3A_619 = arith.index_cast %get3A_618 : i32 to index
        %get3A_620 = arith.index_cast %scan3A_571 : i32 to index
        %get3A_621 = arith.constant 48 : index
        %get3A_622 = tpu.vector_load %arg6[%get3A_619, %get3A_620, %get3A_621] {strides = array<i32>} : memref<8x32x128xf32, #tpu.memory_space<vmem>>, vector<1x1x16xf32>,
        %get3A_623 = vector.shape_cast %get3A_622 : vector<1x1x16xf32> to vector<16xf32>
        %mul3A_624 = arith.constant 11.3137083 : f32
        %mul3A_625 = vector.broadcast %mul3A_624 : f32 to vector<16xf32>
        %mul3A_626 = arith.mulf %get3A_623, %mul3A_625 : vector<16xf32>
        %swap3A_627 = arith.constant 7 : i32
        %swap3A_628 = arith.index_cast %swap3A_627 : i32 to index
        %swap3A_629 = arith.index_cast %scan3A_571 : i32 to index
        %swap3A_630 = arith.constant 48 : index
        %swap3A_631 = tpu.vector_load %arg7[%swap3A_628, %swap3A_629, %swap3A_630] {strides = array<i32>} : memref<8x32x128xf32, #tpu.memory_space<vmem>>, vector<1x1x16xf32>,
        %swap3A_632 = vector.shape_cast %swap3A_631 : vector<1x1x16xf32> to vector<16xf32>
        %swap3A_633 = vector.shape_cast %mul3A_626 : vector<16xf32> to vector<1x1x16xf32>
        tpu.vector_store %arg7[%swap3A_628, %swap3A_629, %swap3A_630], %swap3A_633 {strides = array<i32>} : memref<8x32x128xf32, #tpu.memory_space<vmem>>, vector<1x1x16xf32>,
        %get3A_634 = arith.constant 7 : i32
        %get3A_635 = arith.index_cast %get3A_634 : i32 to index
        %get3A_636 = arith.index_cast %scan3A_571 : i32 to index
        %get3A_637 = arith.constant 64 : index
        %get3A_638 = tpu.vector_load %arg6[%get3A_635, %get3A_636, %get3A_637] {strides = array<i32>} : memref<8x32x128xf32, #tpu.memory_space<vmem>>, vector<1x1x16xf32>,
        %get3A_639 = vector.shape_cast %get3A_638 : vector<1x1x16xf32> to vector<16xf32>
        %mul3A_640 = arith.constant 11.3137083 : f32
        %mul3A_641 = vector.broadcast %mul3A_640 : f32 to vector<16xf32>
        %mul3A_642 = arith.mulf %get3A_639, %mul3A_641 : vector<16xf32>
        %swap3A_643 = arith.constant 7 : i32
        %swap3A_644 = arith.index_cast %swap3A_643 : i32 to index
        %swap3A_645 = arith.index_cast %scan3A_571 : i32 to index
        %swap3A_646 = arith.constant 64 : index
        %swap3A_647 = tpu.vector_load %arg7[%swap3A_644, %swap3A_645, %swap3A_646] {strides = array<i32>} : memref<8x32x128xf32, #tpu.memory_space<vmem>>, vector<1x1x16xf32>,
        %swap3A_648 = vector.shape_cast %swap3A_647 : vector<1x1x16xf32> to vector<16xf32>
        %swap3A_649 = vector.shape_cast %mul3A_642 : vector<16xf32> to vector<1x1x16xf32>
        tpu.vector_store %arg7[%swap3A_644, %swap3A_645, %swap3A_646], %swap3A_649 {strides = array<i32>} : memref<8x32x128xf32, #tpu.memory_space<vmem>>, vector<1x1x16xf32>,
        %get3A_650 = arith.constant 7 : i32
        %get3A_651 = arith.index_cast %get3A_650 : i32 to index
        %get3A_652 = arith.index_cast %scan3A_571 : i32 to index
        %get3A_653 = arith.constant 80 : index
        %get3A_654 = tpu.vector_load %arg6[%get3A_651, %get3A_652, %get3A_653] {strides = array<i32>} : memref<8x32x128xf32, #tpu.memory_space<vmem>>, vector<1x1x16xf32>,
        %get3A_655 = vector.shape_cast %get3A_654 : vector<1x1x16xf32> to vector<16xf32>
        %mul3A_656 = arith.constant 11.3137083 : f32
        %mul3A_657 = vector.broadcast %mul3A_656 : f32 to vector<16xf32>
        %mul3A_658 = arith.mulf %get3A_655, %mul3A_657 : vector<16xf32>
        %swap3A_659 = arith.constant 7 : i32
        %swap3A_660 = arith.index_cast %swap3A_659 : i32 to index
        %swap3A_661 = arith.index_cast %scan3A_571 : i32 to index
        %swap3A_662 = arith.constant 80 : index
        %swap3A_663 = tpu.vector_load %arg7[%swap3A_660, %swap3A_661, %swap3A_662] {strides = array<i32>} : memref<8x32x128xf32, #tpu.memory_space<vmem>>, vector<1x1x16xf32>,
        %swap3A_664 = vector.shape_cast %swap3A_663 : vector<1x1x16xf32> to vector<16xf32>
        %swap3A_665 = vector.shape_cast %mul3A_658 : vector<16xf32> to vector<1x1x16xf32>
        tpu.vector_store %arg7[%swap3A_660, %swap3A_661, %swap3A_662], %swap3A_665 {strides = array<i32>} : memref<8x32x128xf32, #tpu.memory_space<vmem>>, vector<1x1x16xf32>,
        %get3A_666 = arith.constant 7 : i32
        %get3A_667 = arith.index_cast %get3A_666 : i32 to index
        %get3A_668 = arith.index_cast %scan3A_571 : i32 to index
        %get3A_669 = arith.constant 96 : index
        %get3A_670 = tpu.vector_load %arg6[%get3A_667, %get3A_668, %get3A_669] {strides = array<i32>} : memref<8x32x128xf32, #tpu.memory_space<vmem>>, vector<1x1x16xf32>,
        %get3A_671 = vector.shape_cast %get3A_670 : vector<1x1x16xf32> to vector<16xf32>
        %mul3A_672 = arith.constant 11.3137083 : f32
        %mul3A_673 = vector.broadcast %mul3A_672 : f32 to vector<16xf32>
        %mul3A_674 = arith.mulf %get3A_671, %mul3A_673 : vector<16xf32>
        %swap3A_675 = arith.constant 7 : i32
        %swap3A_676 = arith.index_cast %swap3A_675 : i32 to index
        %swap3A_677 = arith.index_cast %scan3A_571 : i32 to index
        %swap3A_678 = arith.constant 96 : index
        %swap3A_679 = tpu.vector_load %arg7[%swap3A_676, %swap3A_677, %swap3A_678] {strides = array<i32>} : memref<8x32x128xf32, #tpu.memory_space<vmem>>, vector<1x1x16xf32>,
        %swap3A_680 = vector.shape_cast %swap3A_679 : vector<1x1x16xf32> to vector<16xf32>
        %swap3A_681 = vector.shape_cast %mul3A_674 : vector<16xf32> to vector<1x1x16xf32>
        tpu.vector_store %arg7[%swap3A_676, %swap3A_677, %swap3A_678], %swap3A_681 {strides = array<i32>} : memref<8x32x128xf32, #tpu.memory_space<vmem>>, vector<1x1x16xf32>,
        %get3A_682 = arith.constant 7 : i32
        %get3A_683 = arith.index_cast %get3A_682 : i32 to index
        %get3A_684 = arith.index_cast %scan3A_571 : i32 to index
        %get3A_685 = arith.constant 112 : index
        %get3A_686 = tpu.vector_load %arg6[%get3A_683, %get3A_684, %get3A_685] {strides = array<i32>} : memref<8x32x128xf32, #tpu.memory_space<vmem>>, vector<1x1x16xf32>,
        %get3A_687 = vector.shape_cast %get3A_686 : vector<1x1x16xf32> to vector<16xf32>
        %mul3A_688 = arith.constant 11.3137083 : f32
        %mul3A_689 = vector.broadcast %mul3A_688 : f32 to vector<16xf32>
        %mul3A_690 = arith.mulf %get3A_687, %mul3A_689 : vector<16xf32>
        %swap3A_691 = arith.constant 7 : i32
        %swap3A_692 = arith.index_cast %swap3A_691 : i32 to index
        %swap3A_693 = arith.index_cast %scan3A_571 : i32 to index
        %swap3A_694 = arith.constant 112 : index
        %swap3A_695 = tpu.vector_load %arg7[%swap3A_692, %swap3A_693, %swap3A_694] {strides = array<i32>} : memref<8x32x128xf32, #tpu.memory_space<vmem>>, vector<1x1x16xf32>,
        %swap3A_696 = vector.shape_cast %swap3A_695 : vector<1x1x16xf32> to vector<16xf32>
        %swap3A_697 = vector.shape_cast %mul3A_690 : vector<16xf32> to vector<1x1x16xf32>
        tpu.vector_store %arg7[%swap3A_692, %swap3A_693, %swap3A_694], %swap3A_697 {strides = array<i32>} : memref<8x32x128xf32, #tpu.memory_space<vmem>>, vector<1x1x16xf32>,
      }
      %scan3A_549 = arith.constant 32 : i32
      %add3A_550 = arith.addi %mul3A_2, %mul3A_528 : i32
      %dma_start3A_551 = arith.constant 7 : i32
      %dma_start3A_552 = arith.constant 0 : i32
      %dma_start3A_553 = arith.constant 0 : i32
      %dma_start3A_554 = tpu.memref_slice %arg7[%dma_start3A_551, %dma_start3A_552, %dma_start3A_553] : memref<8x32x128xf32, #tpu.memory_space<vmem>> -> memref<1x32x128xf32, #tpu.memory_space<vmem>>
      %dma_start3A_555 = tpu.memref_squeeze %dma_start3A_554 : memref<1x32x128xf32, #tpu.memory_space<vmem>> -> memref<32x128xf32, #tpu.memory_space<vmem>>
      %dma_start3A_556 = arith.constant 0 : i32
      %dma_start3A_557 = tpu.memref_slice %arg4[%add3A_550, %dma_start3A_556] : memref<204800x128xf32, #tpu.memory_space<hbm>> -> memref<32x128xf32, #tpu.memory_space<hbm>>
      %dma_start3A_558 = arith.constant 0 : i32
      %dma_start3A_559 = tpu.memref_slice %arg4[%add3A_550, %dma_start3A_558] : memref<204800x128xf32, #tpu.memory_space<hbm>> -> memref<32x128xf32, #tpu.memory_space<hbm>>
      %dma_start3A_560 = arith.constant 0 : i32
      %dma_start3A_561 = arith.constant 0 : i32
      %dma_start3A_562 = tpu.memref_slice %arg7[%dma_start3A_551, %dma_start3A_560, %dma_start3A_561] : memref<8x32x128xf32, #tpu.memory_space<vmem>> -> memref<1x32x128xf32, #tpu.memory_space<vmem>>
      %dma_start3A_563 = tpu.memref_squeeze %dma_start3A_562 : memref<1x32x128xf32, #tpu.memory_space<vmem>> -> memref<32x128xf32, #tpu.memory_space<vmem>>
      tpu.enqueue_dma source(%dma_start3A_563 : memref<32x128xf32, #tpu.memory_space<vmem>>) target(%dma_start3A_559 : memref<32x128xf32, #tpu.memory_space<hbm>>) target_semaphore(%arg23 : memref<!tpu.dma_semaphore, #tpu.memory_space<semaphore_mem>>)
      %add3A_564 = arith.constant 8 : i32
      %add3A_565 = arith.addi %add3A_526, %add3A_564 : i32
      %lt3A_566 = arith.constant 200 : i32
      %lt3A_567 = arith.cmpi slt, %add3A_565, %lt3A_566 : i32
      %convert_element_type3A_568 = arith.extui %lt3A_567 : i1 to i32
      %cond3A_569 = arith.constant 0 : i32
      %cond3A_570 = arith.cmpi ne, %convert_element_type3A_568, %cond3A_569 : i32
      scf.if %cond3A_570 {
        %add3A_571 = arith.constant 256 : i32
        %add3A_572 = arith.addi %mul3A_528, %add3A_571 : i32
        %dma_start3A_573 = arith.constant 7 : i32
        %dma_start3A_574 = arith.constant 0 : i32
        %dma_start3A_575 = arith.constant 0 : i32
        %dma_start3A_576 = tpu.memref_slice %arg6[%dma_start3A_573, %dma_start3A_574, %dma_start3A_575] : memref<8x32x128xf32, #tpu.memory_space<vmem>> -> memref<1x32x128xf32, #tpu.memory_space<vmem>>
        %dma_start3A_577 = tpu.memref_squeeze %dma_start3A_576 : memref<1x32x128xf32, #tpu.memory_space<vmem>> -> memref<32x128xf32, #tpu.memory_space<vmem>>
        %dma_start3A_578 = tpu.memref_slice %arg5[%add3A_572] : memref<6400xi32, #tpu.memory_space<vmem>> -> memref<32xi32, #tpu.memory_space<vmem>>
        %dma_start3A_579 = arith.constant 0 : i32
        %dma_start3A_580 = arith.constant 0 : i32
        %dma_start3A_581 = tpu.memref_slice %arg3[%dma_start3A_579, %dma_start3A_580] : memref<100000x128xf32, #tpu.memory_space<hbm>> -> memref<100000x128xf32, #tpu.memory_space<hbm>>
        tpu.enqueue_indirect_dma source(%dma_start3A_581 : memref<100000x128xf32, #tpu.memory_space<hbm>>) target(%dma_start3A_577 : memref<32x128xf32, #tpu.memory_space<vmem>>) offsets(%dma_start3A_578 : memref<32xi32, #tpu.memory_space<vmem>>) semaphore(%arg15 : memref<!tpu.dma_semaphore, #tpu.memory_space<semaphore_mem>>)
      } else {
      }
    }
    %scan3A_86 = arith.constant 25 : i32
    %dma_wait3A = arith.constant 0 : i32
    %dma_wait3A_87 = arith.constant 0 : i32
    %dma_wait3A_88 = arith.constant 0 : i32
    %dma_wait3A_89 = tpu.memref_slice %arg7[%dma_wait3A, %dma_wait3A_87, %dma_wait3A_88] : memref<8x32x128xf32, #tpu.memory_space<vmem>> -> memref<1x32x128xf32, #tpu.memory_space<vmem>>
    %dma_wait3A_90 = tpu.memref_squeeze %dma_wait3A_89 : memref<1x32x128xf32, #tpu.memory_space<vmem>> -> memref<32x128xf32, #tpu.memory_space<vmem>>
    %dma_wait3A_91 = arith.constant 0 : i32
    %dma_wait3A_92 = tpu.memref_slice %arg4[%mul3A_2, %dma_wait3A_91] : memref<204800x128xf32, #tpu.memory_space<hbm>> -> memref<32x128xf32, #tpu.memory_space<hbm>>
    %dma_wait3A_93 = arith.constant 0 : i32
    %dma_wait3A_94 = tpu.memref_slice %arg4[%mul3A_2, %dma_wait3A_93] : memref<204800x128xf32, #tpu.memory_space<hbm>> -> memref<32x128xf32, #tpu.memory_space<hbm>>
    %dma_wait3A_95 = arith.constant 0 : i32
    %dma_wait3A_96 = arith.constant 0 : i32
    %dma_wait3A_97 = tpu.memref_slice %arg7[%dma_wait3A, %dma_wait3A_95, %dma_wait3A_96] : memref<8x32x128xf32, #tpu.memory_space<vmem>> -> memref<1x32x128xf32, #tpu.memory_space<vmem>>
    %dma_wait3A_98 = tpu.memref_squeeze %dma_wait3A_97 : memref<1x32x128xf32, #tpu.memory_space<vmem>> -> memref<32x128xf32, #tpu.memory_space<vmem>>
    tpu.wait_dma2 semaphore(%arg16 : memref<!tpu.dma_semaphore, #tpu.memory_space<semaphore_mem>>) src(%dma_wait3A_98 : memref<32x128xf32, #tpu.memory_space<vmem>>) dst(%dma_wait3A_94 : memref<32x128xf32, #tpu.memory_space<hbm>>)
    %dma_wait3A_99 = arith.constant 1 : i32
    %dma_wait3A_100 = arith.constant 0 : i32
    %dma_wait3A_101 = arith.constant 0 : i32
    %dma_wait3A_102 = tpu.memref_slice %arg7[%dma_wait3A_99, %dma_wait3A_100, %dma_wait3A_101] : memref<8x32x128xf32, #tpu.memory_space<vmem>> -> memref<1x32x128xf32, #tpu.memory_space<vmem>>
    %dma_wait3A_103 = tpu.memref_squeeze %dma_wait3A_102 : memref<1x32x128xf32, #tpu.memory_space<vmem>> -> memref<32x128xf32, #tpu.memory_space<vmem>>
    %dma_wait3A_104 = arith.constant 0 : i32
    %dma_wait3A_105 = tpu.memref_slice %arg4[%mul3A_2, %dma_wait3A_104] : memref<204800x128xf32, #tpu.memory_space<hbm>> -> memref<32x128xf32, #tpu.memory_space<hbm>>
    %dma_wait3A_106 = arith.constant 0 : i32
    %dma_wait3A_107 = tpu.memref_slice %arg4[%mul3A_2, %dma_wait3A_106] : memref<204800x128xf32, #tpu.memory_space<hbm>> -> memref<32x128xf32, #tpu.memory_space<hbm>>
    %dma_wait3A_108 = arith.constant 0 : i32
    %dma_wait3A_109 = arith.constant 0 : i32
    %dma_wait3A_110 = tpu.memref_slice %arg7[%dma_wait3A_99, %dma_wait3A_108, %dma_wait3A_109] : memref<8x32x128xf32, #tpu.memory_space<vmem>> -> memref<1x32x128xf32, #tpu.memory_space<vmem>>
    %dma_wait3A_111 = tpu.memref_squeeze %dma_wait3A_110 : memref<1x32x128xf32, #tpu.memory_space<vmem>> -> memref<32x128xf32, #tpu.memory_space<vmem>>
    tpu.wait_dma2 semaphore(%arg17 : memref<!tpu.dma_semaphore, #tpu.memory_space<semaphore_mem>>) src(%dma_wait3A_111 : memref<32x128xf32, #tpu.memory_space<vmem>>) dst(%dma_wait3A_107 : memref<32x128xf32, #tpu.memory_space<hbm>>)
    %dma_wait3A_112 = arith.constant 2 : i32
    %dma_wait3A_113 = arith.constant 0 : i32
    %dma_wait3A_114 = arith.constant 0 : i32
    %dma_wait3A_115 = tpu.memref_slice %arg7[%dma_wait3A_112, %dma_wait3A_113, %dma_wait3A_114] : memref<8x32x128xf32, #tpu.memory_space<vmem>> -> memref<1x32x128xf32, #tpu.memory_space<vmem>>
    %dma_wait3A_116 = tpu.memref_squeeze %dma_wait3A_115 : memref<1x32x128xf32, #tpu.memory_space<vmem>> -> memref<32x128xf32, #tpu.memory_space<vmem>>
    %dma_wait3A_117 = arith.constant 0 : i32
    %dma_wait3A_118 = tpu.memref_slice %arg4[%mul3A_2, %dma_wait3A_117] : memref<204800x128xf32, #tpu.memory_space<hbm>> -> memref<32x128xf32, #tpu.memory_space<hbm>>
    %dma_wait3A_119 = arith.constant 0 : i32
    %dma_wait3A_120 = tpu.memref_slice %arg4[%mul3A_2, %dma_wait3A_119] : memref<204800x128xf32, #tpu.memory_space<hbm>> -> memref<32x128xf32, #tpu.memory_space<hbm>>
    %dma_wait3A_121 = arith.constant 0 : i32
    %dma_wait3A_122 = arith.constant 0 : i32
    %dma_wait3A_123 = tpu.memref_slice %arg7[%dma_wait3A_112, %dma_wait3A_121, %dma_wait3A_122] : memref<8x32x128xf32, #tpu.memory_space<vmem>> -> memref<1x32x128xf32, #tpu.memory_space<vmem>>
    %dma_wait3A_124 = tpu.memref_squeeze %dma_wait3A_123 : memref<1x32x128xf32, #tpu.memory_space<vmem>> -> memref<32x128xf32, #tpu.memory_space<vmem>>
    tpu.wait_dma2 semaphore(%arg18 : memref<!tpu.dma_semaphore, #tpu.memory_space<semaphore_mem>>) src(%dma_wait3A_124 : memref<32x128xf32, #tpu.memory_space<vmem>>) dst(%dma_wait3A_120 : memref<32x128xf32, #tpu.memory_space<hbm>>)
    %dma_wait3A_125 = arith.constant 3 : i32
    %dma_wait3A_126 = arith.constant 0 : i32
    %dma_wait3A_127 = arith.constant 0 : i32
    %dma_wait3A_128 = tpu.memref_slice %arg7[%dma_wait3A_125, %dma_wait3A_126, %dma_wait3A_127] : memref<8x32x128xf32, #tpu.memory_space<vmem>> -> memref<1x32x128xf32, #tpu.memory_space<vmem>>
    %dma_wait3A_129 = tpu.memref_squeeze %dma_wait3A_128 : memref<1x32x128xf32, #tpu.memory_space<vmem>> -> memref<32x128xf32, #tpu.memory_space<vmem>>
    %dma_wait3A_130 = arith.constant 0 : i32
    %dma_wait3A_131 = tpu.memref_slice %arg4[%mul3A_2, %dma_wait3A_130] : memref<204800x128xf32, #tpu.memory_space<hbm>> -> memref<32x128xf32, #tpu.memory_space<hbm>>
    %dma_wait3A_132 = arith.constant 0 : i32
    %dma_wait3A_133 = tpu.memref_slice %arg4[%mul3A_2, %dma_wait3A_132] : memref<204800x128xf32, #tpu.memory_space<hbm>> -> memref<32x128xf32, #tpu.memory_space<hbm>>
    %dma_wait3A_134 = arith.constant 0 : i32
    %dma_wait3A_135 = arith.constant 0 : i32
    %dma_wait3A_136 = tpu.memref_slice %arg7[%dma_wait3A_125, %dma_wait3A_134, %dma_wait3A_135] : memref<8x32x128xf32, #tpu.memory_space<vmem>> -> memref<1x32x128xf32, #tpu.memory_space<vmem>>
    %dma_wait3A_137 = tpu.memref_squeeze %dma_wait3A_136 : memref<1x32x128xf32, #tpu.memory_space<vmem>> -> memref<32x128xf32, #tpu.memory_space<vmem>>
    tpu.wait_dma2 semaphore(%arg19 : memref<!tpu.dma_semaphore, #tpu.memory_space<semaphore_mem>>) src(%dma_wait3A_137 : memref<32x128xf32, #tpu.memory_space<vmem>>) dst(%dma_wait3A_133 : memref<32x128xf32, #tpu.memory_space<hbm>>)
    %dma_wait3A_138 = arith.constant 4 : i32
    %dma_wait3A_139 = arith.constant 0 : i32
    %dma_wait3A_140 = arith.constant 0 : i32
    %dma_wait3A_141 = tpu.memref_slice %arg7[%dma_wait3A_138, %dma_wait3A_139, %dma_wait3A_140] : memref<8x32x128xf32, #tpu.memory_space<vmem>> -> memref<1x32x128xf32, #tpu.memory_space<vmem>>
    %dma_wait3A_142 = tpu.memref_squeeze %dma_wait3A_141 : memref<1x32x128xf32, #tpu.memory_space<vmem>> -> memref<32x128xf32, #tpu.memory_space<vmem>>
    %dma_wait3A_143 = arith.constant 0 : i32
    %dma_wait3A_144 = tpu.memref_slice %arg4[%mul3A_2, %dma_wait3A_143] : memref<204800x128xf32, #tpu.memory_space<hbm>> -> memref<32x128xf32, #tpu.memory_space<hbm>>
    %dma_wait3A_145 = arith.constant 0 : i32
    %dma_wait3A_146 = tpu.memref_slice %arg4[%mul3A_2, %dma_wait3A_145] : memref<204800x128xf32, #tpu.memory_space<hbm>> -> memref<32x128xf32, #tpu.memory_space<hbm>>
    %dma_wait3A_147 = arith.constant 0 : i32
    %dma_wait3A_148 = arith.constant 0 : i32
    %dma_wait3A_149 = tpu.memref_slice %arg7[%dma_wait3A_138, %dma_wait3A_147, %dma_wait3A_148] : memref<8x32x128xf32, #tpu.memory_space<vmem>> -> memref<1x32x128xf32, #tpu.memory_space<vmem>>
    %dma_wait3A_150 = tpu.memref_squeeze %dma_wait3A_149 : memref<1x32x128xf32, #tpu.memory_space<vmem>> -> memref<32x128xf32, #tpu.memory_space<vmem>>
    tpu.wait_dma2 semaphore(%arg20 : memref<!tpu.dma_semaphore, #tpu.memory_space<semaphore_mem>>) src(%dma_wait3A_150 : memref<32x128xf32, #tpu.memory_space<vmem>>) dst(%dma_wait3A_146 : memref<32x128xf32, #tpu.memory_space<hbm>>)
    %dma_wait3A_151 = arith.constant 5 : i32
    %dma_wait3A_152 = arith.constant 0 : i32
    %dma_wait3A_153 = arith.constant 0 : i32
    %dma_wait3A_154 = tpu.memref_slice %arg7[%dma_wait3A_151, %dma_wait3A_152, %dma_wait3A_153] : memref<8x32x128xf32, #tpu.memory_space<vmem>> -> memref<1x32x128xf32, #tpu.memory_space<vmem>>
    %dma_wait3A_155 = tpu.memref_squeeze %dma_wait3A_154 : memref<1x32x128xf32, #tpu.memory_space<vmem>> -> memref<32x128xf32, #tpu.memory_space<vmem>>
    %dma_wait3A_156 = arith.constant 0 : i32
    %dma_wait3A_157 = tpu.memref_slice %arg4[%mul3A_2, %dma_wait3A_156] : memref<204800x128xf32, #tpu.memory_space<hbm>> -> memref<32x128xf32, #tpu.memory_space<hbm>>
    %dma_wait3A_158 = arith.constant 0 : i32
    %dma_wait3A_159 = tpu.memref_slice %arg4[%mul3A_2, %dma_wait3A_158] : memref<204800x128xf32, #tpu.memory_space<hbm>> -> memref<32x128xf32, #tpu.memory_space<hbm>>
    %dma_wait3A_160 = arith.constant 0 : i32
    %dma_wait3A_161 = arith.constant 0 : i32
    %dma_wait3A_162 = tpu.memref_slice %arg7[%dma_wait3A_151, %dma_wait3A_160, %dma_wait3A_161] : memref<8x32x128xf32, #tpu.memory_space<vmem>> -> memref<1x32x128xf32, #tpu.memory_space<vmem>>
    %dma_wait3A_163 = tpu.memref_squeeze %dma_wait3A_162 : memref<1x32x128xf32, #tpu.memory_space<vmem>> -> memref<32x128xf32, #tpu.memory_space<vmem>>
    tpu.wait_dma2 semaphore(%arg21 : memref<!tpu.dma_semaphore, #tpu.memory_space<semaphore_mem>>) src(%dma_wait3A_163 : memref<32x128xf32, #tpu.memory_space<vmem>>) dst(%dma_wait3A_159 : memref<32x128xf32, #tpu.memory_space<hbm>>)
    %dma_wait3A_164 = arith.constant 6 : i32
    %dma_wait3A_165 = arith.constant 0 : i32
    %dma_wait3A_166 = arith.constant 0 : i32
    %dma_wait3A_167 = tpu.memref_slice %arg7[%dma_wait3A_164, %dma_wait3A_165, %dma_wait3A_166] : memref<8x32x128xf32, #tpu.memory_space<vmem>> -> memref<1x32x128xf32, #tpu.memory_space<vmem>>
    %dma_wait3A_168 = tpu.memref_squeeze %dma_wait3A_167 : memref<1x32x128xf32, #tpu.memory_space<vmem>> -> memref<32x128xf32, #tpu.memory_space<vmem>>
    %dma_wait3A_169 = arith.constant 0 : i32
    %dma_wait3A_170 = tpu.memref_slice %arg4[%mul3A_2, %dma_wait3A_169] : memref<204800x128xf32, #tpu.memory_space<hbm>> -> memref<32x128xf32, #tpu.memory_space<hbm>>
    %dma_wait3A_171 = arith.constant 0 : i32
    %dma_wait3A_172 = tpu.memref_slice %arg4[%mul3A_2, %dma_wait3A_171] : memref<204800x128xf32, #tpu.memory_space<hbm>> -> memref<32x128xf32, #tpu.memory_space<hbm>>
    %dma_wait3A_173 = arith.constant 0 : i32
    %dma_wait3A_174 = arith.constant 0 : i32
    %dma_wait3A_175 = tpu.memref_slice %arg7[%dma_wait3A_164, %dma_wait3A_173, %dma_wait3A_174] : memref<8x32x128xf32, #tpu.memory_space<vmem>> -> memref<1x32x128xf32, #tpu.memory_space<vmem>>
    %dma_wait3A_176 = tpu.memref_squeeze %dma_wait3A_175 : memref<1x32x128xf32, #tpu.memory_space<vmem>> -> memref<32x128xf32, #tpu.memory_space<vmem>>
    tpu.wait_dma2 semaphore(%arg22 : memref<!tpu.dma_semaphore, #tpu.memory_space<semaphore_mem>>) src(%dma_wait3A_176 : memref<32x128xf32, #tpu.memory_space<vmem>>) dst(%dma_wait3A_172 : memref<32x128xf32, #tpu.memory_space<hbm>>)
    %dma_wait3A_177 = arith.constant 7 : i32
    %dma_wait3A_178 = arith.constant 0 : i32
    %dma_wait3A_179 = arith.constant 0 : i32
    %dma_wait3A_180 = tpu.memref_slice %arg7[%dma_wait3A_177, %dma_wait3A_178, %dma_wait3A_179] : memref<8x32x128xf32, #tpu.memory_space<vmem>> -> memref<1x32x128xf32, #tpu.memory_space<vmem>>
    %dma_wait3A_181 = tpu.memref_squeeze %dma_wait3A_180 : memref<1x32x128xf32, #tpu.memory_space<vmem>> -> memref<32x128xf32, #tpu.memory_space<vmem>>
    %dma_wait3A_182 = arith.constant 0 : i32
    %dma_wait3A_183 = tpu.memref_slice %arg4[%mul3A_2, %dma_wait3A_182] : memref<204800x128xf32, #tpu.memory_space<hbm>> -> memref<32x128xf32, #tpu.memory_space<hbm>>
    %dma_wait3A_184 = arith.constant 0 : i32
    %dma_wait3A_185 = tpu.memref_slice %arg4[%mul3A_2, %dma_wait3A_184] : memref<204800x128xf32, #tpu.memory_space<hbm>> -> memref<32x128xf32, #tpu.memory_space<hbm>>
    %dma_wait3A_186 = arith.constant 0 : i32
    %dma_wait3A_187 = arith.constant 0 : i32
    %dma_wait3A_188 = tpu.memref_slice %arg7[%dma_wait3A_177, %dma_wait3A_186, %dma_wait3A_187] : memref<8x32x128xf32, #tpu.memory_space<vmem>> -> memref<1x32x128xf32, #tpu.memory_space<vmem>>
    %dma_wait3A_189 = tpu.memref_squeeze %dma_wait3A_188 : memref<1x32x128xf32, #tpu.memory_space<vmem>> -> memref<32x128xf32, #tpu.memory_space<vmem>>
    tpu.wait_dma2 semaphore(%arg23 : memref<!tpu.dma_semaphore, #tpu.memory_space<semaphore_mem>>) src(%dma_wait3A_189 : memref<32x128xf32, #tpu.memory_space<vmem>>) dst(%dma_wait3A_185 : memref<32x128xf32, #tpu.memory_space<hbm>>)
    return
  }
}

</mosaic_0001>

<sc_bundles>
// kernel: kernel.3.cloned.1.call-start
scs
__scs_entry_jumppad:
0x0: {  	(pc) =	sbr.rel $0x88, $3  }
0x1: {  	(tag) =	ssettag $0x0;
	lr =	simm.s32 $0x1  }
0x2: {  	[smem:$0x3F9F] =	sst lr;
	_ =	strace $0xD0000000  }
0x3: {  	_ = 	snop  }
0x4: {  	_ = 	snop  }
0x5: {  	_ = 	snop  }
0x6: {  	_ = 	snop  }
0x7: {  	_ = 	snop  }
__scs_overlays_trampoline_lowered:
0x8: {  	[smem:$0x3FAE] =	sst s0  }
0x9: {  	[smem:$0x3FAF] =	sst s1  }
0xa: {  	[smem:$0x3FB0] =	sst s2  }
0xb: {  	[smem:$0x3FB1] =	sst s3  }
0xc: {  	[smem:$0x3FB2] =	sst s4  }
0xd: {  	[smem:$0x3FB3] =	sst s5  }
0xe: {  	[smem:$0x3FB4] =	sst s6  }
0xf: {  	[smem:$0x3FB5] =	sst s7  }
0x10: {  	[smem:$0x3FB6] =	sst s8  }
0x11: {  	[smem:$0x3FB7] =	sst s9;
	s0 =	simm.s32 @!p0 $0x0  }
0x12: {  	s1 =	sld [smem:$0x3F9D];
	s0 =	simm.s32 @p0 $0x1  }
0x13: {  	[smem:$0x3FB8] =	sst s0;
	s0 =	simm.s32 @!p1 $0x0  }
0x14: {  	s2 =	sld [smem:$0x3F9C];
	s0 =	simm.s32 @p1 $0x1  }
0x15: {  	[smem:$0x3FB9] =	sst s0;
	s0 =	simm.s32 @!p2 $0x0  }
0x16: {  	s3 =	sld [smem:$0x3FDB];
	s0 =	simm.s32 @p2 $0x1  }
0x17: {  	s4 =	simm.s32 $0x1BF5;
	[smem:$0x3FBB] =	sst s0  }
0x18: {  	s0 =	sld [smem:$0x3F9E];
	_ =	swait.ge [sflag:s4], $0x0  }
0x19: {  	s7 =	sld [smem:$0x3F9F]  }
0x1a: {  	s8 =	sadd.s32 $0xFFFFE003, lr  }
0x1b: {  	s9 =	sadd.s32 $0xFFFFFEF7, lr;
	s5 =	simm.s32 $0xFFFFFFFF;
	p2 =	slt.u32 s8, $0xFFFFF086  }
0x1c: {  	p1 =	slt.u32 s9, $0xF7A;
	s5 =	simm.s32 @!p2 $0x0  }
0x1d: {  	s5 =	simm.s32 @p1 $0x1;
	p0 =	seq.s32 s7, s2  }
0x1e: {  	s7 =	smul.u32 @!p0 $0xF7A, s2;
	p2 =	seq.s32 @!p0 s5, $0x0  }
0x1f: {  	s9 =	smul.u32 $0xF7A, s1;
	s8 =	simm.s32 @!p0 $0x1BF5;
	p2 =	por !p2, p0  }
0x20: {  	[sflag:s8] =	ssyncset.s32 @!p0 $0xFFFFF086;
	s6 =	sadd.s32 @!p0 s3, s7;
	s7 =	simm.s32 @!p0 $0x108  }
0x21: {  	s3 =	sadd.s32 s3, s9;
	s6 =	sadd.s32 @!p0 $0x88, s6;
	s7 =	simm.s32 @p2 $0x1082  }
0x22: {  	[simem:s7], [sflag:s8] =	dma.local @!p0 [hbm:s6], $0xF7A  }
0x23: {  	s9 =	sor.u32 $0xD0000000, s2;
	s6 =	simm.s32 $0x108;
	_ =	swait.ge @!p0 [sflag:s8], $0x0  }
0x24: {  	s3 =	sadd.s32 $0x88, s3;
	s6 =	simm.s32 @!p1 $0x1082;
	[sflag:s4] =	ssyncset.s32 $0xFFFFF086  }
0x25: {  	[simem:s6], [sflag:s4] =	dma.local [hbm:s3], $0xF7A  }
0x26: {  	[smem:$0x3F9F] =	sst s1;
	(tag) =	ssettag s2;
	_ =	strace s9  }
0x27: {  	s1 =	sld [smem:$0x3FAF]  }
0x28: {  	s2 =	sld [smem:$0x3FB0]  }
0x29: {  	s4 =	sld [smem:$0x3FB2]  }
0x2a: {  	p0 =	seq.s32 s5, $0x0;
	s5 =	sld [smem:$0x3FB3]  }
0x2b: {  	s6 =	sld [smem:$0x3FB4]  }
0x2c: {  	s7 =	sld [smem:$0x3FB5]  }
0x2d: {  	s3 =	simm.s32 $0x108;
	s8 =	sld [smem:$0x3FB6]  }
0x2e: {  	s3 =	simm.s32 @!p0 $0x1082;
	s9 =	sld [smem:$0x3FB7]  }
0x2f: {  	lr =	sadd.s32 s0, s3;
	s0 =	sld [smem:$0x3FAE]  }
0x30: {  	s3 =	sld [smem:$0x3FB1]  }
0x31: {  	[smem:$0x3FBA] =	sst s10  }
0x32: {  	s10 =	sld [smem:$0x3FB8];
	_ =	sdelay $0x3  }
0x33: {  	p0 =	seq.s32 s10, $0x1;
	s10 =	sld [smem:$0x3FBA];
	_ =	sdelay $0x3  }
0x34: {  	[smem:$0x3FBA] =	sst s10  }
0x35: {  	s10 =	sld [smem:$0x3FB9];
	_ =	sdelay $0x3  }
0x36: {  	p1 =	seq.s32 s10, $0x1;
	s10 =	sld [smem:$0x3FBA];
	_ =	sdelay $0x3  }
0x37: {  	[smem:$0x3FBA] =	sst s10  }
0x38: {  	s10 =	sld [smem:$0x3FBB]  }
0x39: {  	_ = 	snop;
	(pc) =	sbr.ind lr, $3  }
0x3a: {  	_ = 	snop  }
0x3b: {  	_ = 	snop  }
0x3c: {  	p2 =	seq.s32 s10, $0x1;
	s10 =	sld [smem:$0x3FBA]  }
0x3d: {  	_ =	shalt  }
0x3e: {  	_ =	shalt  }
0x3f: {  	_ =	shalt  }
0x40: {  	_ =	shalt  }
0x41: {  	_ =	shalt  }
0x42: {  	_ =	shalt  }
0x43: {  	_ =	shalt  }
0x44: {  	_ =	shalt  }
0x45: {  	_ =	shalt  }
0x46: {  	_ =	shalt  }
0x47: {  	_ =	shalt  }
0x48: {  	_ =	shalt  }
0x49: {  	_ =	shalt  }
0x4a: {  	_ =	shalt  }
0x4b: {  	_ =	shalt  }
0x4c: {  	_ =	shalt  }
0x4d: {  	_ =	shalt  }
0x4e: {  	_ =	shalt  }
0x4f: {  	_ =	shalt  }
0x50: {  	_ =	shalt  }
0x51: {  	_ =	shalt  }
0x52: {  	_ =	shalt  }
0x53: {  	_ =	shalt  }
0x54: {  	_ =	shalt  }
0x55: {  	_ =	shalt  }
0x56: {  	_ =	shalt  }
0x57: {  	_ =	shalt  }
0x58: {  	_ =	shalt  }
0x59: {  	_ =	shalt  }
0x5a: {  	_ =	shalt  }
0x5b: {  	_ =	shalt  }
0x5c: {  	_ =	shalt  }
0x5d: {  	_ =	shalt  }
0x5e: {  	_ =	shalt  }
0x5f: {  	_ =	shalt  }
0x60: {  	_ =	shalt  }
0x61: {  	_ =	shalt  }
0x62: {  	_ =	shalt  }
0x63: {  	_ =	shalt  }
0x64: {  	_ =	shalt  }
0x65: {  	_ =	shalt  }
0x66: {  	_ =	shalt  }
0x67: {  	_ =	shalt  }
0x68: {  	_ =	shalt  }
0x69: {  	_ =	shalt  }
0x6a: {  	_ =	shalt  }
0x6b: {  	_ =	shalt  }
0x6c: {  	_ =	shalt  }
0x6d: {  	_ =	shalt  }
0x6e: {  	_ =	shalt  }
0x6f: {  	_ =	shalt  }
0x70: {  	_ =	shalt  }
0x71: {  	_ =	shalt  }
0x72: {  	_ =	shalt  }
0x73: {  	_ =	shalt  }
0x74: {  	_ =	shalt  }
0x75: {  	_ =	shalt  }
0x76: {  	_ =	shalt  }
0x77: {  	_ =	shalt  }
0x78: {  	_ =	shalt  }
0x79: {  	_ =	shalt  }
0x7a: {  	_ =	shalt  }
0x7b: {  	_ =	shalt  }
0x7c: {  	_ =	shalt  }
0x7d: {  	_ =	shalt  }
0x7e: {  	_ =	shalt  }
0x7f: {  	_ =	shalt  }
0x80: {  	_ =	shalt  }
0x81: {  	_ =	shalt  }
0x82: {  	_ =	shalt  }
0x83: {  	_ =	shalt  }
0x84: {  	_ =	shalt  }
0x85: {  	_ =	shalt  }
0x86: {  	_ =	shalt  }
0x87: {  	_ =	shalt  }
.Lfunc_end0:
.L_simem_size_0:
called_computation_lowered:
.L_overlay_start_0:
0x88: {  	s2 =	sld [smem:$0x3FD9]  }
0x89: {  	s3 =	sld [smem:$0x3FFE];
	_ =	sdelay $0x1  }
0x8a: {  	s1 =	srdreg.scid  }
0x8b: {  	s0 =	sand.u32 $0x1, s1  }
0x8c: {  	s17 =	sshll.u32 s0, $0xA;
	s2 =	sadd.s32 s3, s2  }
0x8d: {  	s2 =	sadd.s32 s2, s17  }
0x8e: {  	[smem:$0x3FC6] =	sst s2  }
0x8f: {  	_ = 	snop  }
0x90: {  	s2 =	sld [smem:$0x3FC8]  }
0x91: {  	s18 =	sld [smem:$0x3FD0];
	(tm) =	ssettm $0x1  }
0x92: {  	s4 =	sld [smem:$0x3FFB];
	_ =	sdelay $0x3  }
0x93: {  	_ =	strace s4  }
0x94: {  	s4 =	sld [smem:$0x3FFC];
	_ =	sdelay $0x3  }
0x95: {  	_ =	strace s4  }
0x96: {  	s4 =	sld [smem:$0x3FFD];
	_ =	sdelay $0x3  }
0x97: {  	_ =	strace s4  }
0x98: {  	_ =	strace $0x8FFFFFFF  }
0x99: {  	s19 =	sld [smem:$0x3FDB];
	_ =	sdelay $0x1  }
0x9a: {  	s5 =	simm.s32 $_scs_section_size  }
0x9b: {  	s6 =	simm.s32 $_size__tile_overlayer_lowered;
	s7 =	simm.s32 $_tile_overlayer_lowered  }
0x9c: {  	s22 =	simm.s32 $0x1BFF;
	s21 =	sshll.u32 s7, $0x1;
	s4 =	sadd.s32 s5, s19  }
0x9d: {  	s8 =	simm.s32 $0x0;
	s20 =	sshll.u32 s6, $0x1;
	s6 =	sadd.s32 s21, s4  }
0x9e: {  	[timem:s8], [sflag:s22] =	dma.local [hbm:s6], s20  }
0x9f: {  	_ =	swait.ge [sflag:s22], s20  }
0xa0: {  	s5 =	ssub.s32 $0x0, s20;
	[sflag:s22] =	ssyncset.done $0x0  }
0xa1: {  	[sflag:s22] =	ssyncadd.s32 s5;
	_ =	sdelay $0x1  }
0xa2: {  	s23 =	simm.s32 $0x1B8B  }
0xa3: {  	_ =	swait.ge [sflag:s23], $0x1  }
0xa4: {  	[sflag:s23] =	ssyncset.done $0x0  }
0xa5: {  	s25 =	simm.s32 $0x1B8E;
	s24 =	sld [smem:$0x3FFE];
	[sflag:s23] =	ssyncadd.s32 $0xFFFFFFFF  }
0xa6: {  	s26 =	simm.s32 $execute0_lowered;
	[smem:$0x3FD2] =	sst s25  }
0xa7: {  	s6 =	sshll.u32 s26, $0x1;
	_ =	strace $0x80000046;
	[dreg:$0x1] =	wrdreg $0xFFFFFFFF  }
0xa8: {  	s28 =	simm.s32 $_size_execute0_lowered;
	s4 =	sadd.s32 s4, s6;
	[dreg:$0x0] =	wrdreg $0x0  }
0xa9: {  	s6 =	sshll.u32 s28, $0x1;
	[dreg:$0x2] =	wrdreg s4  }
0xaa: {  	[dreg:$0x3] =	wrdreg s6  }
0xab: {  	[dreg:$0x4] =	wrdreg $0xC0  }
0xac: {  	_ =	task [dreg:s8], $0x5FFFF  }
0xad: {  	[dreg:$0x1] =	wrdreg $0xFFFFFFFF  }
0xae: {  	[dreg:$0x0] =	wrdreg $0x60  }
0xaf: {  	[dreg:$0x2] =	wrdreg s24  }
0xb0: {  	[dreg:$0x3] =	wrdreg s2  }
0xb1: {  	[dreg:$0x4] =	wrdreg s18  }
0xb2: {  	[dreg:$0x5] =	wrdreg $0x9  }
0xb3: {  	_ =	task.clear_ibuf [dreg:s8], $0x6FFFF;
	_ =	strace $0x90000046  }
0xb4: {  	s29 =	simm.s32 $0x9;
	_ =	strace $0x80000048  }
0xb5: {  	_ =	swait.ge [sflag:s29], $0x1  }
0xb6: {  	[sflag:s29] =	ssyncadd.s32 $0xFFFFFFFF  }
0xb7: {  	_ =	strace $0x90000048  }
0xb8: {  	_ =	sfence  }
0xb9: {  	s30 =	sld [smem:$0x0];
	_ =	sdelay $0x2  }
0xba: {  	s31 =	sshll.u32 s1, $0xD;
	s1 =	sshrl.u32 s1, $0x2  }
0xbb: {  	s3 =	sand.u32 $0x4000, s31;
	s1 =	sadd.s32 s1, s30  }
0xbc: {  	s0 =	sor.u32 s3, s0;
	s1 =	sshll.u32 s1, $0x11  }
0xbd: {  	s0 =	sor.u32 s1, s0  }
0xbe: {  	s0 =	sadd.s32 $0x8F2B, s0  }
0xbf: {  	[sflag:s0] =	ssyncadd.remote.s32 $0x1  }
0xc0: {  	_ =	sfence.sel $0xFFFF  }
0xc1: {  	[dreg:$0x0] =	wrdreg $0xFFFFFFFF;
	(pc) =	sbr.abs _section_cstart, $3  }
0xc2: {  	[dreg:$0x1] =	wrdreg $0xFFFFFFFF  }
0xc3: {  	_ =	task.clear_ibuf [dreg:s8], $0x2FFFF;
	_ =	strace $0x9FFFFFFF  }
0xc4: {  	(tm) =	ssettm $0x7FFFFFFF  }
0xc5: {  	_ =	shalt  }
tec
execute0_lowered:
.L_overlay_start_1:
0x0: {  	(tag) =	ssettag $0x1  }
0x1: {  	s0 =	srdreg.scid;
	s2 =	stileid.u32  }
0x2: {  	s1 =	rddreg [dreg:$0x0];
	s5 =	simm.s32 $0x0;
	s11 =	simm.s32 $0x20  }
0x3: {  	s26 =	simm.s32 $0x1;
	s28 =	simm.s32 $0x9900;
	s29 =	simm.s32 $0x2  }
0x4: {  	s30 =	simm.s32 $0xA;
	s31 =	simm.s32 $0xA900;
	s13 =	simm.s32 $0x4  }
0x5: {  	s14 =	simm.s32 $0xC900;
	s15 =	simm.s32 $0x5;
	s16 =	simm.s32 $0xD900  }
0x6: {  	s17 =	simm.s32 $0x6;
	s18 =	simm.s32 $0xE900;
	s19 =	simm.s32 $0x7  }
0x7: {  	s20 =	simm.s32 $0xF900;
	s21 =	simm.s32 $0x8;
	s22 =	simm.s32 $0x10  }
0x8: {  	s24 =	simm.s32 $0x10900;
	s0 =	sand.u32 $0x1, s0;
	s3 =	sshll.u32 s2, $0x1  }
0x9: {  	s9 =	simm.s32 $0x0;
	s2 =	rddreg [dreg:$0x1];
	s4 =	sor.u32 s0, s3  }
0xa: {  	[smem:$0x7FF] =	sst s5;
	s0 =	ssub.s32 $0x2, s0;
	s4 =	smul.u32 $0x1900, s4  }
.Ltmp0:
0xb: {  	s3 =	rddreg [dreg:$0x2];
	s7 =	sshrl.u32 s0, $0x1;
	(pc) =	sbr.rel .LBB2_1-.Ltmp0, $4  }
0xc: {  	_ =	strace $0x80000047;
	s0 =	ssub.s32 s0, s7;
	s6 =	sshrl.u32 s4, $0x3  }
0xd: {  	s7 =	sor.u32 $0x20, s4;
	s0 =	smax.u32 s0, $0x1;
	s1 =	sadd.s32 s6, s1  }
0xe: {  	s8 =	sor.u32 $0xE0, s4;
	[dreg:$0x5] =	wrdreg s0;
	s1 =	sadd.s32 $0x400, s1  }
0xf: {  	s0 =	simm.s32 $0xB900;
	[dreg:$0x4] =	wrdreg s1;
	s1 =	simm.s32 $0x3  }
.LBB2_28:
0x10: {  	s6 =	simm.s32 $0x9  }
0x11: {  	_ =	swait.ge [sflag:s6], $0x1000  }
0x12: {  	[sflag:s6] =	ssyncset.done $0x0  }
0x13: {  	[sflag:s6] =	ssyncadd.s32 $0xFFFFF000  }
0x14: {  	_ =	swait.ge [sflag:s30], $0x1000  }
0x15: {  	[sflag:s30] =	ssyncset.done $0x0  }
0x16: {  	s25 =	simm.s32 $0xB;
	[sflag:s30] =	ssyncadd.s32 $0xFFFFF000  }
0x17: {  	_ =	swait.ge [sflag:s25], $0x1000  }
0x18: {  	[sflag:s25] =	ssyncset.done $0x0  }
0x19: {  	s9 =	simm.s32 $0xC;
	[sflag:s25] =	ssyncadd.s32 $0xFFFFF000  }
0x1a: {  	_ =	swait.ge [sflag:s9], $0x1000  }
0x1b: {  	[sflag:s9] =	ssyncset.done $0x0  }
0x1c: {  	s10 =	simm.s32 $0xD;
	[sflag:s9] =	ssyncadd.s32 $0xFFFFF000  }
0x1d: {  	_ =	swait.ge [sflag:s10], $0x1000  }
0x1e: {  	[sflag:s10] =	ssyncset.done $0x0  }
0x1f: {  	s12 =	simm.s32 $0xE;
	[sflag:s10] =	ssyncadd.s32 $0xFFFFF000  }
0x20: {  	_ =	swait.ge [sflag:s12], $0x1000  }
0x21: {  	[sflag:s12] =	ssyncset.done $0x0  }
0x22: {  	s23 =	simm.s32 $0xF;
	[sflag:s12] =	ssyncadd.s32 $0xFFFFF000  }
0x23: {  	_ =	swait.ge [sflag:s23], $0x1000  }
0x24: {  	[sflag:s23] =	ssyncset.done $0x0  }
0x25: {  	[sflag:s23] =	ssyncadd.s32 $0xFFFFF000  }
0x26: {  	_ =	swait.ge [sflag:s22], $0x1000  }
0x27: {  	s9 =	rddreg [dreg:$0x6]  }
0x28: {  	s25 =	rddreg [dreg:$0x5];
	s9 =	sadd.s32 $0x1, s9  }
0x29: {  	p0 =	sne.s32 s9, s25  }
.Ltmp1:
0x2a: {  	_ = 	snop;
	(pc) =	sbr.rel @!p0 .LBB2_29-.Ltmp1, $3  }
0x2b: {  	_ =	sdelay $0x1  }
0x2c: {  	[sflag:s22] =	ssyncset.done $0x0  }
0x2d: {  	[sflag:s22] =	ssyncadd.s32 $0xFFFFF000  }
.LBB2_1:
0x2e: {  	[dreg:$0x6] =	wrdreg s9  }
0x2f: {  	s6 =	rddreg [dreg:$0x4];
	s23 =	simm.s32 $0x11  }
0x30: {  	[tilespmem:s5], [sflag:$0x11] =	stream.linear.gather [hbm4b:s6+s5], $0x1900, $0x38;
	[tilespmem:$0x11900] =	vst v63  }
0x31: {  	_ =	swait.ge [sflag:s23], $0x1900  }
0x32: {  	[sflag:s23] =	ssyncset.done $0x0  }
0x33: {  	s25 =	simm.s32 $0x1900;
	[sflag:s23] =	ssyncadd.s32 $0xFFFFE700  }
0x34: {  	[tilespmem:s25], [sflag:$0x1] =	stream.indirect.gather [hbm4b:s2+s11], $0x80, s5, s11, $0xb8;
	[tilespmem:$0x11900] =	vst v63  }
0x35: {  	s9 =	simm.s32 $0x2900  }
0x36: {  	[tilespmem:s9], [sflag:$0x2] =	stream.indirect.gather [hbm4b:s2+s11], $0x80, s11, s11, $0xb8;
	[tilespmem:$0x11900] =	vst v63  }
0x37: {  	s10 =	simm.s32 $0x40;
	s12 =	simm.s32 $0x3900  }
0x38: {  	[tilespmem:s12], [sflag:$0x3] =	stream.indirect.gather [hbm4b:s2+s11], $0x80, s10, s11, $0xb8;
	[tilespmem:$0x11900] =	vst v63  }
0x39: {  	s23 =	simm.s32 $0x60;
	s25 =	simm.s32 $0x4900  }
0x3a: {  	[tilespmem:s25], [sflag:$0x4] =	stream.indirect.gather [hbm4b:s2+s11], $0x80, s23, s11, $0xb8;
	[tilespmem:$0x11900] =	vst v63  }
0x3b: {  	s10 =	simm.s32 $0x80;
	s12 =	simm.s32 $0x5900  }
0x3c: {  	[tilespmem:s12], [sflag:$0x5] =	stream.indirect.gather [hbm4b:s2+s11], $0x80, s10, s11, $0xb8;
	[tilespmem:$0x11900] =	vst v63  }
0x3d: {  	s23 =	simm.s32 $0xA0;
	s25 =	simm.s32 $0x6900  }
0x3e: {  	[tilespmem:s25], [sflag:$0x6] =	stream.indirect.gather [hbm4b:s2+s11], $0x80, s23, s11, $0xb8;
	[tilespmem:$0x11900] =	vst v63  }
0x3f: {  	s10 =	simm.s32 $0xC0;
	s12 =	simm.s32 $0x7900  }
0x40: {  	[tilespmem:s12], [sflag:$0x7] =	stream.indirect.gather [hbm4b:s2+s11], $0x80, s10, s11, $0xb8;
	[tilespmem:$0x11900] =	vst v63  }
0x41: {  	s9 =	simm.s32 $0x0;
	s23 =	simm.s32 $0xE0;
	s25 =	simm.s32 $0x8900  }
0x42: {  	[tilespmem:s25], [sflag:$0x8] =	stream.indirect.gather [hbm4b:s2+s11], $0x80, s23, s11, $0xb8;
	[tilespmem:$0x11900] =	vst v63  }
.LBB2_2:
0x43: {  	_ =	swait.ge [sflag:s26], $0x1000  }
0x44: {  	p0 =	seq.s32 s9, $0x0;
	[sflag:s26] =	ssyncset.done $0x0  }
0x45: {  	s6 =	simm.s32 @!p0 $0x9;
	[sflag:s26] =	ssyncadd.s32 $0xFFFFF000  }
0x46: {  	_ =	swait.ge @!p0 [sflag:s6], $0x1000  }
0x47: {  	[sflag:s6] =	ssyncset.done @!p0 $0x0  }
0x48: {  	s12 =	simm.s32 $0x0;
	[sflag:s6] =	ssyncadd.s32 @!p0 $0xFFFFF000  }
0x49: {  	v1 =	vld [tilespmem:s12+$0x1970]  }
0x4a: {  	v5 =	vld [tilespmem:s12+$0x1900]  }
0x4b: {  	v6 =	vld [tilespmem:s12+$0x1910]  }
0x4c: {  	v4 =	vld [tilespmem:s12+$0x1920]  }
0x4d: {  	v3 =	vld [tilespmem:s12+$0x1930]  }
0x4e: {  	v0 =	vld [tilespmem:s12+$0x1940];
	v7 =	vmul.f32 $1.131370830e+01, v1  }
0x4f: {  	v1 =	vld [tilespmem:s12+$0x1950];
	v5 =	vmul.f32 $1.131370830e+01, v5  }
0x50: {  	s10 =	sshll.u32 s9, $0x8;
	s23 =	simm.s32 $0x400;
	s6 =	simm.s32 $0x80;
	v2 =	vld [tilespmem:s12+$0x1960];
	v6 =	vmul.f32 $1.131370830e+01, v6;
	[tilespmem:s12+$0x9970] =	vst v7  }
.LBB2_3:
0x51: {  	p1 =	sne.s32 s23, $0x3E00;
	v7 =	vld [tilespmem:s6+$0x1970];
	[tilespmem:s12+$0x9900] =	vst v5;
	v4 =	vmul.f32 $1.131370830e+01, v4  }
0x52: {  	v5 =	vld [tilespmem:s6+$0x1900];
	[tilespmem:s12+$0x9910] =	vst v6;
	v3 =	vmul.f32 $1.131370830e+01, v3  }
0x53: {  	v6 =	vld [tilespmem:s6+$0x1910];
	[tilespmem:s12+$0x9920] =	vst v4;
	v0 =	vmul.f32 $1.131370830e+01, v0  }
.Ltmp2:
0x54: {  	v4 =	vld [tilespmem:s6+$0x1920];
	[tilespmem:s12+$0x9930] =	vst v3;
	v1 =	vmul.f32 $1.131370830e+01, v1;
	(pc) =	sbr.rel @p1 .LBB2_3-.Ltmp2, $4  }
0x55: {  	v3 =	vld [tilespmem:s6+$0x1930];
	[tilespmem:s12+$0x9940] =	vst v0;
	v2 =	vmul.f32 $1.131370830e+01, v2  }
0x56: {  	v0 =	vld [tilespmem:s6+$0x1940];
	v7 =	vmul.f32 $1.131370830e+01, v7;
	[tilespmem:s12+$0x9950] =	vst v1  }
0x57: {  	v5 =	vmul.f32 $1.131370830e+01, v5;
	v1 =	vld [tilespmem:s6+$0x1950];
	[tilespmem:s12+$0x9960] =	vst v2;
	s12 =	smov.u32 s6  }
0x58: {  	s6 =	sshra.s32 s23, $0x2;
	s23 =	sadd.s32 $0x200, s23;
	v6 =	vmul.f32 $1.131370830e+01, v6;
	v2 =	vld [tilespmem:s12+$0x1960];
	[tilespmem:s12+$0x9970] =	vst v7  }
0x59: {  	v7 =	vld [tilespmem:s6+$0x1970];
	[tilespmem:s12+$0x9900] =	vst v5;
	v4 =	vmul.f32 $1.131370830e+01, v4  }
0x5a: {  	v5 =	vld [tilespmem:s6+$0x1900];
	[tilespmem:s12+$0x9910] =	vst v6;
	v3 =	vmul.f32 $1.131370830e+01, v3  }
0x5b: {  	v6 =	vld [tilespmem:s6+$0x1910];
	[tilespmem:s12+$0x9920] =	vst v4;
	v0 =	vmul.f32 $1.131370830e+01, v0  }
0x5c: {  	v4 =	vld [tilespmem:s6+$0x1920];
	[tilespmem:s12+$0x9930] =	vst v3;
	v1 =	vmul.f32 $1.131370830e+01, v1  }
0x5d: {  	v3 =	vld [tilespmem:s6+$0x1930];
	[tilespmem:s12+$0x9940] =	vst v0;
	v2 =	vmul.f32 $1.131370830e+01, v2  }
0x5e: {  	v0 =	vld [tilespmem:s6+$0x1940];
	[tilespmem:s12+$0x9950] =	vst v1;
	v7 =	vmul.f32 $1.131370830e+01, v7  }
0x5f: {  	v1 =	vld [tilespmem:s6+$0x1950];
	[tilespmem:s12+$0x9960] =	vst v2;
	v60 =	vmul.f32 $1.131370830e+01, v5  }
0x60: {  	v61 =	vld [tilespmem:s6+$0x1960];
	v6 =	vmul.f32 $1.131370830e+01, v6;
	[tilespmem:s6+$0x9970] =	vst v7  }
0x61: {  	[tilespmem:s6+$0x9900] =	vst v60;
	v62 =	vmul.f32 $1.131370830e+01, v4  }
0x62: {  	[tilespmem:s6+$0x9910] =	vst v6;
	v3 =	vmul.f32 $1.131370830e+01, v3  }
0x63: {  	p2 =	sne.s32 s9, $0x18;
	[tilespmem:s6+$0x9920] =	vst v62;
	v0 =	vmul.f32 $1.131370830e+01, v0  }
.Ltmp3:
0x64: {  	[tilespmem:s6+$0x9930] =	vst v3;
	v1 =	vmul.f32 $1.131370830e+01, v1;
	(pc) =	sbr.rel @p2 .LBB2_6-.Ltmp3, $4  }
0x65: {  	s23 =	sadd.s32 s4, s10;
	[tilespmem:s6+$0x9940] =	vst v0;
	v63 =	vmul.f32 $1.131370830e+01, v61  }
0x66: {  	s12 =	sshll.u32 s23, $0x4;
	[tilespmem:s6+$0x9950] =	vst v1  }
0x67: {  	s25 =	sadd.s32 s3, s12;
	[tilespmem:s6+$0x9960] =	vst v63  }
0x68: {  	[hbm4b:s25+s5] =	stream.linear.scatter [tilespmem:s28], [sflag:$0x9], $0x1000, $0x38;
	[tilespmem:$0x11900] =	vst v63  }
.Ltmp4:
0x69: {  	(pc) =	sbr.rel .LBB2_7-.Ltmp4, $4  }
0x6a: {  	_ = 	snop  }
0x6b: {  	_ =	swait.ge [sflag:s29], $0x1000  }
0x6c: {  	[sflag:s29] =	ssyncset.done $0x0  }
0x6d: {  	[sflag:s29] =	ssyncadd.s32 $0xFFFFF000  }
.LBB2_6:
.Ltmp5:
0x6e: {  	s6 =	sadd.s32 $0x100, s10;
	s12 =	simm.s32 $0x1900;
	(pc) =	sbr.rel @p0 .LBB2_8-.Ltmp5, $4  }
0x6f: {  	[tilespmem:s12], [sflag:$0x1] =	stream.indirect.gather [hbm4b:s2+s11], $0x80, s6, s11, $0xb8;
	[tilespmem:$0x11900] =	vst v63  }
0x70: {  	_ =	swait.ge [sflag:s29], $0x1000  }
0x71: {  	[sflag:s29] =	ssyncset.done $0x0  }
0x72: {  	[sflag:s29] =	ssyncadd.s32 $0xFFFFF000  }
.LBB2_7:
0x73: {  	_ =	swait.ge [sflag:s30], $0x1000  }
0x74: {  	[sflag:s30] =	ssyncset.done $0x0  }
0x75: {  	[sflag:s30] =	ssyncadd.s32 $0xFFFFF000  }
.LBB2_8:
0x76: {  	s12 =	simm.s32 $0x0  }
0x77: {  	v1 =	vld [tilespmem:s12+$0x2970]  }
0x78: {  	v5 =	vld [tilespmem:s12+$0x2900]  }
0x79: {  	v6 =	vld [tilespmem:s12+$0x2910]  }
0x7a: {  	v4 =	vld [tilespmem:s12+$0x2920]  }
0x7b: {  	v3 =	vld [tilespmem:s12+$0x2930]  }
0x7c: {  	v0 =	vld [tilespmem:s12+$0x2940];
	v7 =	vmul.f32 $1.131370830e+01, v1  }
0x7d: {  	v1 =	vld [tilespmem:s12+$0x2950];
	v5 =	vmul.f32 $1.131370830e+01, v5  }
0x7e: {  	s6 =	simm.s32 $0x80;
	s23 =	simm.s32 $0x400;
	v2 =	vld [tilespmem:s12+$0x2960];
	v6 =	vmul.f32 $1.131370830e+01, v6;
	[tilespmem:s12+$0xA970] =	vst v7  }
.LBB2_9:
0x7f: {  	p1 =	sne.s32 s23, $0x3E00;
	v7 =	vld [tilespmem:s6+$0x2970];
	[tilespmem:s12+$0xA900] =	vst v5;
	v4 =	vmul.f32 $1.131370830e+01, v4  }
0x80: {  	v5 =	vld [tilespmem:s6+$0x2900];
	[tilespmem:s12+$0xA910] =	vst v6;
	v3 =	vmul.f32 $1.131370830e+01, v3  }
0x81: {  	v6 =	vld [tilespmem:s6+$0x2910];
	[tilespmem:s12+$0xA920] =	vst v4;
	v0 =	vmul.f32 $1.131370830e+01, v0  }
.Ltmp6:
0x82: {  	v4 =	vld [tilespmem:s6+$0x2920];
	[tilespmem:s12+$0xA930] =	vst v3;
	v1 =	vmul.f32 $1.131370830e+01, v1;
	(pc) =	sbr.rel @p1 .LBB2_9-.Ltmp6, $4  }
0x83: {  	v3 =	vld [tilespmem:s6+$0x2930];
	[tilespmem:s12+$0xA940] =	vst v0;
	v2 =	vmul.f32 $1.131370830e+01, v2  }
0x84: {  	v0 =	vld [tilespmem:s6+$0x2940];
	v7 =	vmul.f32 $1.131370830e+01, v7;
	[tilespmem:s12+$0xA950] =	vst v1  }
0x85: {  	v5 =	vmul.f32 $1.131370830e+01, v5;
	v1 =	vld [tilespmem:s6+$0x2950];
	[tilespmem:s12+$0xA960] =	vst v2;
	s12 =	smov.u32 s6  }
0x86: {  	s6 =	sshra.s32 s23, $0x2;
	s23 =	sadd.s32 $0x200, s23;
	v6 =	vmul.f32 $1.131370830e+01, v6;
	v2 =	vld [tilespmem:s12+$0x2960];
	[tilespmem:s12+$0xA970] =	vst v7  }
0x87: {  	v7 =	vld [tilespmem:s6+$0x2970];
	[tilespmem:s12+$0xA900] =	vst v5;
	v4 =	vmul.f32 $1.131370830e+01, v4  }
0x88: {  	v5 =	vld [tilespmem:s6+$0x2900];
	[tilespmem:s12+$0xA910] =	vst v6;
	v3 =	vmul.f32 $1.131370830e+01, v3  }
0x89: {  	v6 =	vld [tilespmem:s6+$0x2910];
	[tilespmem:s12+$0xA920] =	vst v4;
	v0 =	vmul.f32 $1.131370830e+01, v0  }
0x8a: {  	v4 =	vld [tilespmem:s6+$0x2920];
	[tilespmem:s12+$0xA930] =	vst v3;
	v1 =	vmul.f32 $1.131370830e+01, v1  }
0x8b: {  	v3 =	vld [tilespmem:s6+$0x2930];
	[tilespmem:s12+$0xA940] =	vst v0;
	v2 =	vmul.f32 $1.131370830e+01, v2  }
0x8c: {  	v0 =	vld [tilespmem:s6+$0x2940];
	[tilespmem:s12+$0xA950] =	vst v1;
	v7 =	vmul.f32 $1.131370830e+01, v7  }
0x8d: {  	v1 =	vld [tilespmem:s6+$0x2950];
	[tilespmem:s12+$0xA960] =	vst v2;
	v2 =	vmul.f32 $1.131370830e+01, v5  }
0x8e: {  	v5 =	vld [tilespmem:s6+$0x2960];
	v6 =	vmul.f32 $1.131370830e+01, v6;
	[tilespmem:s6+$0xA970] =	vst v7  }
0x8f: {  	[tilespmem:s6+$0xA900] =	vst v2;
	v2 =	vmul.f32 $1.131370830e+01, v4  }
0x90: {  	[tilespmem:s6+$0xA910] =	vst v6;
	v3 =	vmul.f32 $1.131370830e+01, v3  }
0x91: {  	[tilespmem:s6+$0xA920] =	vst v2;
	v0 =	vmul.f32 $1.131370830e+01, v0  }
0x92: {  	[tilespmem:s6+$0xA930] =	vst v3;
	v1 =	vmul.f32 $1.131370830e+01, v1  }
0x93: {  	s23 =	sadd.s32 s10, s7;
	[tilespmem:s6+$0xA940] =	vst v0;
	v0 =	vmul.f32 $1.131370830e+01, v5  }
0x94: {  	s12 =	sshll.u32 s23, $0x4;
	[tilespmem:s6+$0xA950] =	vst v1  }
0x95: {  	p1 =	seq.s32 s9, $0x18;
	s25 =	sadd.s32 s3, s12;
	[tilespmem:s6+$0xA960] =	vst v0  }
0x96: {  	[hbm4b:s25+s5] =	stream.linear.scatter [tilespmem:s31], [sflag:$0xA], $0x1000, $0x38;
	[tilespmem:$0x11900] =	vst v63  }
0x97: {  	s23 =	simm.s32 @!p1 $0x2900;
	s12 =	simm.s32 @!p1 $0x20;
	s6 =	sadd.s32 @!p1 $0x120, s10  }
0x98: {  	[tilespmem:s23], [sflag:$0x2] =	stream.indirect.gather @!p1 [hbm4b:s2+s12], $0x80, s6, s12, $0xb8;
	[tilespmem:$0x11900] =	vst v63  }
0x99: {  	_ =	swait.ge [sflag:s1], $0x1000  }
0x9a: {  	[sflag:s1] =	ssyncset.done $0x0  }
0x9b: {  	s6 =	simm.s32 @!p0 $0xB;
	[sflag:s1] =	ssyncadd.s32 $0xFFFFF000  }
0x9c: {  	_ =	swait.ge @!p0 [sflag:s6], $0x1000  }
0x9d: {  	[sflag:s6] =	ssyncset.done @!p0 $0x0  }
0x9e: {  	s23 =	simm.s32 $0x0;
	[sflag:s6] =	ssyncadd.s32 @!p0 $0xFFFFF000  }
0x9f: {  	v1 =	vld [tilespmem:s23+$0x3970]  }
0xa0: {  	v5 =	vld [tilespmem:s23+$0x3900]  }
0xa1: {  	v6 =	vld [tilespmem:s23+$0x3910]  }
0xa2: {  	v4 =	vld [tilespmem:s23+$0x3920]  }
0xa3: {  	v3 =	vld [tilespmem:s23+$0x3930]  }
0xa4: {  	v0 =	vld [tilespmem:s23+$0x3940];
	v7 =	vmul.f32 $1.131370830e+01, v1  }
0xa5: {  	v1 =	vld [tilespmem:s23+$0x3950];
	v5 =	vmul.f32 $1.131370830e+01, v5  }
0xa6: {  	s25 =	simm.s32 $0x400;
	s12 =	simm.s32 $0x80;
	s6 =	sor.u32 $0x40, s10;
	v2 =	vld [tilespmem:s23+$0x3960];
	v6 =	vmul.f32 $1.131370830e+01, v6;
	[tilespmem:s23+$0xB970] =	vst v7  }
.LBB2_11:
0xa7: {  	p3 =	sne.s32 s25, $0x3E00;
	v7 =	vld [tilespmem:s12+$0x3970];
	[tilespmem:s23+$0xB900] =	vst v5;
	v4 =	vmul.f32 $1.131370830e+01, v4  }
0xa8: {  	v5 =	vld [tilespmem:s12+$0x3900];
	[tilespmem:s23+$0xB910] =	vst v6;
	v3 =	vmul.f32 $1.131370830e+01, v3  }
0xa9: {  	v6 =	vld [tilespmem:s12+$0x3910];
	[tilespmem:s23+$0xB920] =	vst v4;
	v0 =	vmul.f32 $1.131370830e+01, v0  }
.Ltmp7:
0xaa: {  	v4 =	vld [tilespmem:s12+$0x3920];
	[tilespmem:s23+$0xB930] =	vst v3;
	v1 =	vmul.f32 $1.131370830e+01, v1;
	(pc) =	sbr.rel @p3 .LBB2_11-.Ltmp7, $4  }
0xab: {  	v3 =	vld [tilespmem:s12+$0x3930];
	[tilespmem:s23+$0xB940] =	vst v0;
	v2 =	vmul.f32 $1.131370830e+01, v2  }
0xac: {  	v0 =	vld [tilespmem:s12+$0x3940];
	v7 =	vmul.f32 $1.131370830e+01, v7;
	[tilespmem:s23+$0xB950] =	vst v1  }
0xad: {  	v5 =	vmul.f32 $1.131370830e+01, v5;
	v1 =	vld [tilespmem:s12+$0x3950];
	[tilespmem:s23+$0xB960] =	vst v2;
	s23 =	smov.u32 s12  }
0xae: {  	s12 =	sshra.s32 s25, $0x2;
	s25 =	sadd.s32 $0x200, s25;
	v6 =	vmul.f32 $1.131370830e+01, v6;
	v2 =	vld [tilespmem:s23+$0x3960];
	[tilespmem:s23+$0xB970] =	vst v7  }
0xaf: {  	v7 =	vld [tilespmem:s12+$0x3970];
	[tilespmem:s23+$0xB900] =	vst v5;
	v4 =	vmul.f32 $1.131370830e+01, v4  }
0xb0: {  	v5 =	vld [tilespmem:s12+$0x3900];
	[tilespmem:s23+$0xB910] =	vst v6;
	v3 =	vmul.f32 $1.131370830e+01, v3  }
0xb1: {  	v6 =	vld [tilespmem:s12+$0x3910];
	[tilespmem:s23+$0xB920] =	vst v4;
	v0 =	vmul.f32 $1.131370830e+01, v0  }
0xb2: {  	v4 =	vld [tilespmem:s12+$0x3920];
	[tilespmem:s23+$0xB930] =	vst v3;
	v1 =	vmul.f32 $1.131370830e+01, v1  }
0xb3: {  	v3 =	vld [tilespmem:s12+$0x3930];
	[tilespmem:s23+$0xB940] =	vst v0;
	v2 =	vmul.f32 $1.131370830e+01, v2  }
0xb4: {  	v0 =	vld [tilespmem:s12+$0x3940];
	[tilespmem:s23+$0xB950] =	vst v1;
	v7 =	vmul.f32 $1.131370830e+01, v7  }
0xb5: {  	v1 =	vld [tilespmem:s12+$0x3950];
	[tilespmem:s23+$0xB960] =	vst v2;
	v2 =	vmul.f32 $1.131370830e+01, v5  }
0xb6: {  	v5 =	vld [tilespmem:s12+$0x3960];
	v6 =	vmul.f32 $1.131370830e+01, v6;
	[tilespmem:s12+$0xB970] =	vst v7  }
0xb7: {  	[tilespmem:s12+$0xB900] =	vst v2;
	v2 =	vmul.f32 $1.131370830e+01, v4  }
0xb8: {  	[tilespmem:s12+$0xB910] =	vst v6;
	v3 =	vmul.f32 $1.131370830e+01, v3  }
0xb9: {  	[tilespmem:s12+$0xB920] =	vst v2;
	v0 =	vmul.f32 $1.131370830e+01, v0  }
0xba: {  	[tilespmem:s12+$0xB930] =	vst v3;
	v1 =	vmul.f32 $1.131370830e+01, v1  }
0xbb: {  	s25 =	sadd.s32 s4, s6;
	[tilespmem:s12+$0xB940] =	vst v0;
	v0 =	vmul.f32 $1.131370830e+01, v5  }
0xbc: {  	s23 =	sshll.u32 s25, $0x4;
	[tilespmem:s12+$0xB950] =	vst v1  }
0xbd: {  	s25 =	sadd.s32 s3, s23;
	[tilespmem:s12+$0xB960] =	vst v0  }
0xbe: {  	[hbm4b:s25+s5] =	stream.linear.scatter [tilespmem:s0], [sflag:$0xB], $0x1000, $0x38;
	[tilespmem:$0x11900] =	vst v63  }
0xbf: {  	s6 =	sadd.s32 @!p1 $0x100, s6;
	s23 =	simm.s32 @!p1 $0x3900;
	s12 =	simm.s32 @!p1 $0x20  }
0xc0: {  	[tilespmem:s23], [sflag:$0x3] =	stream.indirect.gather @!p1 [hbm4b:s2+s12], $0x80, s6, s12, $0xb8;
	[tilespmem:$0x11900] =	vst v63  }
0xc1: {  	_ =	swait.ge [sflag:s13], $0x1000  }
0xc2: {  	[sflag:s13] =	ssyncset.done $0x0  }
0xc3: {  	s6 =	simm.s32 @!p0 $0xC;
	[sflag:s13] =	ssyncadd.s32 $0xFFFFF000  }
0xc4: {  	_ =	swait.ge @!p0 [sflag:s6], $0x1000  }
0xc5: {  	[sflag:s6] =	ssyncset.done @!p0 $0x0  }
0xc6: {  	s23 =	simm.s32 $0x0;
	[sflag:s6] =	ssyncadd.s32 @!p0 $0xFFFFF000  }
0xc7: {  	v1 =	vld [tilespmem:s23+$0x4970]  }
0xc8: {  	v5 =	vld [tilespmem:s23+$0x4900]  }
0xc9: {  	v6 =	vld [tilespmem:s23+$0x4910]  }
0xca: {  	v4 =	vld [tilespmem:s23+$0x4920]  }
0xcb: {  	v3 =	vld [tilespmem:s23+$0x4930]  }
0xcc: {  	v0 =	vld [tilespmem:s23+$0x4940];
	v7 =	vmul.f32 $1.131370830e+01, v1  }
0xcd: {  	v1 =	vld [tilespmem:s23+$0x4950];
	v5 =	vmul.f32 $1.131370830e+01, v5  }
0xce: {  	s25 =	simm.s32 $0x400;
	s12 =	simm.s32 $0x80;
	s6 =	sor.u32 $0x60, s10;
	v2 =	vld [tilespmem:s23+$0x4960];
	v6 =	vmul.f32 $1.131370830e+01, v6;
	[tilespmem:s23+$0xC970] =	vst v7  }
.LBB2_13:
0xcf: {  	p3 =	sne.s32 s25, $0x3E00;
	v7 =	vld [tilespmem:s12+$0x4970];
	[tilespmem:s23+$0xC900] =	vst v5;
	v4 =	vmul.f32 $1.131370830e+01, v4  }
0xd0: {  	v5 =	vld [tilespmem:s12+$0x4900];
	[tilespmem:s23+$0xC910] =	vst v6;
	v3 =	vmul.f32 $1.131370830e+01, v3  }
0xd1: {  	v6 =	vld [tilespmem:s12+$0x4910];
	[tilespmem:s23+$0xC920] =	vst v4;
	v0 =	vmul.f32 $1.131370830e+01, v0  }
.Ltmp8:
0xd2: {  	v4 =	vld [tilespmem:s12+$0x4920];
	[tilespmem:s23+$0xC930] =	vst v3;
	v1 =	vmul.f32 $1.131370830e+01, v1;
	(pc) =	sbr.rel @p3 .LBB2_13-.Ltmp8, $4  }
0xd3: {  	v3 =	vld [tilespmem:s12+$0x4930];
	[tilespmem:s23+$0xC940] =	vst v0;
	v2 =	vmul.f32 $1.131370830e+01, v2  }
0xd4: {  	v0 =	vld [tilespmem:s12+$0x4940];
	v7 =	vmul.f32 $1.131370830e+01, v7;
	[tilespmem:s23+$0xC950] =	vst v1  }
0xd5: {  	v5 =	vmul.f32 $1.131370830e+01, v5;
	v1 =	vld [tilespmem:s12+$0x4950];
	[tilespmem:s23+$0xC960] =	vst v2;
	s23 =	smov.u32 s12  }
0xd6: {  	s12 =	sshra.s32 s25, $0x2;
	s25 =	sadd.s32 $0x200, s25;
	v6 =	vmul.f32 $1.131370830e+01, v6;
	v2 =	vld [tilespmem:s23+$0x4960];
	[tilespmem:s23+$0xC970] =	vst v7  }
0xd7: {  	v7 =	vld [tilespmem:s12+$0x4970];
	[tilespmem:s23+$0xC900] =	vst v5;
	v4 =	vmul.f32 $1.131370830e+01, v4  }
0xd8: {  	v5 =	vld [tilespmem:s12+$0x4900];
	[tilespmem:s23+$0xC910] =	vst v6;
	v3 =	vmul.f32 $1.131370830e+01, v3  }
0xd9: {  	v6 =	vld [tilespmem:s12+$0x4910];
	[tilespmem:s23+$0xC920] =	vst v4;
	v0 =	vmul.f32 $1.131370830e+01, v0  }
0xda: {  	v4 =	vld [tilespmem:s12+$0x4920];
	[tilespmem:s23+$0xC930] =	vst v3;
	v1 =	vmul.f32 $1.131370830e+01, v1  }
0xdb: {  	v3 =	vld [tilespmem:s12+$0x4930];
	[tilespmem:s23+$0xC940] =	vst v0;
	v2 =	vmul.f32 $1.131370830e+01, v2  }
0xdc: {  	v0 =	vld [tilespmem:s12+$0x4940];
	[tilespmem:s23+$0xC950] =	vst v1;
	v7 =	vmul.f32 $1.131370830e+01, v7  }
0xdd: {  	v1 =	vld [tilespmem:s12+$0x4950];
	[tilespmem:s23+$0xC960] =	vst v2;
	v2 =	vmul.f32 $1.131370830e+01, v5  }
0xde: {  	v5 =	vld [tilespmem:s12+$0x4960];
	v6 =	vmul.f32 $1.131370830e+01, v6;
	[tilespmem:s12+$0xC970] =	vst v7  }
0xdf: {  	[tilespmem:s12+$0xC900] =	vst v2;
	v2 =	vmul.f32 $1.131370830e+01, v4  }
0xe0: {  	[tilespmem:s12+$0xC910] =	vst v6;
	v3 =	vmul.f32 $1.131370830e+01, v3  }
0xe1: {  	[tilespmem:s12+$0xC920] =	vst v2;
	v0 =	vmul.f32 $1.131370830e+01, v0  }
0xe2: {  	[tilespmem:s12+$0xC930] =	vst v3;
	v1 =	vmul.f32 $1.131370830e+01, v1  }
0xe3: {  	s25 =	sadd.s32 s4, s6;
	[tilespmem:s12+$0xC940] =	vst v0;
	v0 =	vmul.f32 $1.131370830e+01, v5  }
0xe4: {  	s23 =	sshll.u32 s25, $0x4;
	[tilespmem:s12+$0xC950] =	vst v1  }
0xe5: {  	s25 =	sadd.s32 s3, s23;
	[tilespmem:s12+$0xC960] =	vst v0  }
0xe6: {  	[hbm4b:s25+s5] =	stream.linear.scatter [tilespmem:s14], [sflag:$0xC], $0x1000, $0x38;
	[tilespmem:$0x11900] =	vst v63  }
0xe7: {  	s6 =	sadd.s32 @!p1 $0x100, s6;
	s23 =	simm.s32 @!p1 $0x4900;
	s12 =	simm.s32 @!p1 $0x20  }
0xe8: {  	[tilespmem:s23], [sflag:$0x4] =	stream.indirect.gather @!p1 [hbm4b:s2+s12], $0x80, s6, s12, $0xb8;
	[tilespmem:$0x11900] =	vst v63  }
0xe9: {  	_ =	swait.ge [sflag:s15], $0x1000  }
0xea: {  	[sflag:s15] =	ssyncset.done $0x0  }
0xeb: {  	s6 =	simm.s32 @!p0 $0xD;
	[sflag:s15] =	ssyncadd.s32 $0xFFFFF000  }
0xec: {  	_ =	swait.ge @!p0 [sflag:s6], $0x1000  }
0xed: {  	[sflag:s6] =	ssyncset.done @!p0 $0x0  }
0xee: {  	s23 =	simm.s32 $0x0;
	[sflag:s6] =	ssyncadd.s32 @!p0 $0xFFFFF000  }
0xef: {  	v1 =	vld [tilespmem:s23+$0x5970]  }
0xf0: {  	v5 =	vld [tilespmem:s23+$0x5900]  }
0xf1: {  	v6 =	vld [tilespmem:s23+$0x5910]  }
0xf2: {  	v4 =	vld [tilespmem:s23+$0x5920]  }
0xf3: {  	v3 =	vld [tilespmem:s23+$0x5930]  }
0xf4: {  	v0 =	vld [tilespmem:s23+$0x5940];
	v7 =	vmul.f32 $1.131370830e+01, v1  }
0xf5: {  	v1 =	vld [tilespmem:s23+$0x5950];
	v5 =	vmul.f32 $1.131370830e+01, v5  }
0xf6: {  	s25 =	simm.s32 $0x400;
	s12 =	simm.s32 $0x80;
	s6 =	sor.u32 $0x80, s10;
	v2 =	vld [tilespmem:s23+$0x5960];
	v6 =	vmul.f32 $1.131370830e+01, v6;
	[tilespmem:s23+$0xD970] =	vst v7  }
.LBB2_15:
0xf7: {  	p3 =	sne.s32 s25, $0x3E00;
	v7 =	vld [tilespmem:s12+$0x5970];
	[tilespmem:s23+$0xD900] =	vst v5;
	v4 =	vmul.f32 $1.131370830e+01, v4  }
0xf8: {  	v5 =	vld [tilespmem:s12+$0x5900];
	[tilespmem:s23+$0xD910] =	vst v6;
	v3 =	vmul.f32 $1.131370830e+01, v3  }
0xf9: {  	v6 =	vld [tilespmem:s12+$0x5910];
	[tilespmem:s23+$0xD920] =	vst v4;
	v0 =	vmul.f32 $1.131370830e+01, v0  }
.Ltmp9:
0xfa: {  	v4 =	vld [tilespmem:s12+$0x5920];
	[tilespmem:s23+$0xD930] =	vst v3;
	v1 =	vmul.f32 $1.131370830e+01, v1;
	(pc) =	sbr.rel @p3 .LBB2_15-.Ltmp9, $4  }
0xfb: {  	v3 =	vld [tilespmem:s12+$0x5930];
	[tilespmem:s23+$0xD940] =	vst v0;
	v2 =	vmul.f32 $1.131370830e+01, v2  }
0xfc: {  	v0 =	vld [tilespmem:s12+$0x5940];
	v7 =	vmul.f32 $1.131370830e+01, v7;
	[tilespmem:s23+$0xD950] =	vst v1  }
0xfd: {  	v5 =	vmul.f32 $1.131370830e+01, v5;
	v1 =	vld [tilespmem:s12+$0x5950];
	[tilespmem:s23+$0xD960] =	vst v2;
	s23 =	smov.u32 s12  }
0xfe: {  	s12 =	sshra.s32 s25, $0x2;
	s25 =	sadd.s32 $0x200, s25;
	v6 =	vmul.f32 $1.131370830e+01, v6;
	v2 =	vld [tilespmem:s23+$0x5960];
	[tilespmem:s23+$0xD970] =	vst v7  }
0xff: {  	v7 =	vld [tilespmem:s12+$0x5970];
	[tilespmem:s23+$0xD900] =	vst v5;
	v4 =	vmul.f32 $1.131370830e+01, v4  }
0x100: {  	v5 =	vld [tilespmem:s12+$0x5900];
	[tilespmem:s23+$0xD910] =	vst v6;
	v3 =	vmul.f32 $1.131370830e+01, v3  }
0x101: {  	v6 =	vld [tilespmem:s12+$0x5910];
	[tilespmem:s23+$0xD920] =	vst v4;
	v0 =	vmul.f32 $1.131370830e+01, v0  }
0x102: {  	v4 =	vld [tilespmem:s12+$0x5920];
	[tilespmem:s23+$0xD930] =	vst v3;
	v1 =	vmul.f32 $1.131370830e+01, v1  }
0x103: {  	v3 =	vld [tilespmem:s12+$0x5930];
	[tilespmem:s23+$0xD940] =	vst v0;
	v2 =	vmul.f32 $1.131370830e+01, v2  }
0x104: {  	v0 =	vld [tilespmem:s12+$0x5940];
	[tilespmem:s23+$0xD950] =	vst v1;
	v7 =	vmul.f32 $1.131370830e+01, v7  }
0x105: {  	v1 =	vld [tilespmem:s12+$0x5950];
	[tilespmem:s23+$0xD960] =	vst v2;
	v2 =	vmul.f32 $1.131370830e+01, v5  }
0x106: {  	v5 =	vld [tilespmem:s12+$0x5960];
	v6 =	vmul.f32 $1.131370830e+01, v6;
	[tilespmem:s12+$0xD970] =	vst v7  }
0x107: {  	[tilespmem:s12+$0xD900] =	vst v2;
	v2 =	vmul.f32 $1.131370830e+01, v4  }
0x108: {  	[tilespmem:s12+$0xD910] =	vst v6;
	v3 =	vmul.f32 $1.131370830e+01, v3  }
0x109: {  	[tilespmem:s12+$0xD920] =	vst v2;
	v0 =	vmul.f32 $1.131370830e+01, v0  }
0x10a: {  	[tilespmem:s12+$0xD930] =	vst v3;
	v1 =	vmul.f32 $1.131370830e+01, v1  }
0x10b: {  	s25 =	sadd.s32 s4, s6;
	[tilespmem:s12+$0xD940] =	vst v0;
	v0 =	vmul.f32 $1.131370830e+01, v5  }
0x10c: {  	s23 =	sshll.u32 s25, $0x4;
	[tilespmem:s12+$0xD950] =	vst v1  }
0x10d: {  	s25 =	sadd.s32 s3, s23;
	[tilespmem:s12+$0xD960] =	vst v0  }
0x10e: {  	[hbm4b:s25+s5] =	stream.linear.scatter [tilespmem:s16], [sflag:$0xD], $0x1000, $0x38;
	[tilespmem:$0x11900] =	vst v63  }
0x10f: {  	s6 =	sadd.s32 @!p1 $0x100, s6;
	s23 =	simm.s32 @!p1 $0x5900;
	s12 =	simm.s32 @!p1 $0x20  }
0x110: {  	[tilespmem:s23], [sflag:$0x5] =	stream.indirect.gather @!p1 [hbm4b:s2+s12], $0x80, s6, s12, $0xb8;
	[tilespmem:$0x11900] =	vst v63  }
0x111: {  	_ =	swait.ge [sflag:s17], $0x1000  }
0x112: {  	[sflag:s17] =	ssyncset.done $0x0  }
0x113: {  	s6 =	simm.s32 @!p0 $0xE;
	[sflag:s17] =	ssyncadd.s32 $0xFFFFF000  }
0x114: {  	_ =	swait.ge @!p0 [sflag:s6], $0x1000  }
0x115: {  	[sflag:s6] =	ssyncset.done @!p0 $0x0  }
0x116: {  	s23 =	simm.s32 $0x0;
	[sflag:s6] =	ssyncadd.s32 @!p0 $0xFFFFF000  }
0x117: {  	v1 =	vld [tilespmem:s23+$0x6970]  }
0x118: {  	v5 =	vld [tilespmem:s23+$0x6900]  }
0x119: {  	v6 =	vld [tilespmem:s23+$0x6910]  }
0x11a: {  	v4 =	vld [tilespmem:s23+$0x6920]  }
0x11b: {  	v3 =	vld [tilespmem:s23+$0x6930]  }
0x11c: {  	v0 =	vld [tilespmem:s23+$0x6940];
	v7 =	vmul.f32 $1.131370830e+01, v1  }
0x11d: {  	v1 =	vld [tilespmem:s23+$0x6950];
	v5 =	vmul.f32 $1.131370830e+01, v5  }
0x11e: {  	s25 =	simm.s32 $0x400;
	s12 =	simm.s32 $0x80;
	s6 =	sor.u32 $0xA0, s10;
	v2 =	vld [tilespmem:s23+$0x6960];
	v6 =	vmul.f32 $1.131370830e+01, v6;
	[tilespmem:s23+$0xE970] =	vst v7  }
.LBB2_17:
0x11f: {  	p3 =	sne.s32 s25, $0x3E00;
	v7 =	vld [tilespmem:s12+$0x6970];
	[tilespmem:s23+$0xE900] =	vst v5;
	v4 =	vmul.f32 $1.131370830e+01, v4  }
0x120: {  	v5 =	vld [tilespmem:s12+$0x6900];
	[tilespmem:s23+$0xE910] =	vst v6;
	v3 =	vmul.f32 $1.131370830e+01, v3  }
0x121: {  	v6 =	vld [tilespmem:s12+$0x6910];
	[tilespmem:s23+$0xE920] =	vst v4;
	v0 =	vmul.f32 $1.131370830e+01, v0  }
.Ltmp10:
0x122: {  	v4 =	vld [tilespmem:s12+$0x6920];
	[tilespmem:s23+$0xE930] =	vst v3;
	v1 =	vmul.f32 $1.131370830e+01, v1;
	(pc) =	sbr.rel @p3 .LBB2_17-.Ltmp10, $4  }
0x123: {  	v3 =	vld [tilespmem:s12+$0x6930];
	[tilespmem:s23+$0xE940] =	vst v0;
	v2 =	vmul.f32 $1.131370830e+01, v2  }
0x124: {  	v0 =	vld [tilespmem:s12+$0x6940];
	v7 =	vmul.f32 $1.131370830e+01, v7;
	[tilespmem:s23+$0xE950] =	vst v1  }
0x125: {  	v5 =	vmul.f32 $1.131370830e+01, v5;
	v1 =	vld [tilespmem:s12+$0x6950];
	[tilespmem:s23+$0xE960] =	vst v2;
	s23 =	smov.u32 s12  }
0x126: {  	s12 =	sshra.s32 s25, $0x2;
	s25 =	sadd.s32 $0x200, s25;
	v6 =	vmul.f32 $1.131370830e+01, v6;
	v2 =	vld [tilespmem:s23+$0x6960];
	[tilespmem:s23+$0xE970] =	vst v7  }
0x127: {  	v7 =	vld [tilespmem:s12+$0x6970];
	[tilespmem:s23+$0xE900] =	vst v5;
	v4 =	vmul.f32 $1.131370830e+01, v4  }
0x128: {  	v5 =	vld [tilespmem:s12+$0x6900];
	[tilespmem:s23+$0xE910] =	vst v6;
	v3 =	vmul.f32 $1.131370830e+01, v3  }
0x129: {  	v6 =	vld [tilespmem:s12+$0x6910];
	[tilespmem:s23+$0xE920] =	vst v4;
	v0 =	vmul.f32 $1.131370830e+01, v0  }
0x12a: {  	v4 =	vld [tilespmem:s12+$0x6920];
	[tilespmem:s23+$0xE930] =	vst v3;
	v1 =	vmul.f32 $1.131370830e+01, v1  }
0x12b: {  	v3 =	vld [tilespmem:s12+$0x6930];
	[tilespmem:s23+$0xE940] =	vst v0;
	v2 =	vmul.f32 $1.131370830e+01, v2  }
0x12c: {  	v0 =	vld [tilespmem:s12+$0x6940];
	[tilespmem:s23+$0xE950] =	vst v1;
	v7 =	vmul.f32 $1.131370830e+01, v7  }
0x12d: {  	v1 =	vld [tilespmem:s12+$0x6950];
	[tilespmem:s23+$0xE960] =	vst v2;
	v2 =	vmul.f32 $1.131370830e+01, v5  }
0x12e: {  	v5 =	vld [tilespmem:s12+$0x6960];
	v6 =	vmul.f32 $1.131370830e+01, v6;
	[tilespmem:s12+$0xE970] =	vst v7  }
0x12f: {  	[tilespmem:s12+$0xE900] =	vst v2;
	v2 =	vmul.f32 $1.131370830e+01, v4  }
0x130: {  	[tilespmem:s12+$0xE910] =	vst v6;
	v3 =	vmul.f32 $1.131370830e+01, v3  }
0x131: {  	[tilespmem:s12+$0xE920] =	vst v2;
	v0 =	vmul.f32 $1.131370830e+01, v0  }
0x132: {  	[tilespmem:s12+$0xE930] =	vst v3;
	v1 =	vmul.f32 $1.131370830e+01, v1  }
0x133: {  	s25 =	sadd.s32 s4, s6;
	[tilespmem:s12+$0xE940] =	vst v0;
	v0 =	vmul.f32 $1.131370830e+01, v5  }
0x134: {  	s23 =	sshll.u32 s25, $0x4;
	[tilespmem:s12+$0xE950] =	vst v1  }
0x135: {  	s25 =	sadd.s32 s3, s23;
	[tilespmem:s12+$0xE960] =	vst v0  }
0x136: {  	[hbm4b:s25+s5] =	stream.linear.scatter [tilespmem:s18], [sflag:$0xE], $0x1000, $0x38;
	[tilespmem:$0x11900] =	vst v63  }
0x137: {  	s6 =	sadd.s32 @!p1 $0x100, s6;
	s23 =	simm.s32 @!p1 $0x6900;
	s12 =	simm.s32 @!p1 $0x20  }
0x138: {  	[tilespmem:s23], [sflag:$0x6] =	stream.indirect.gather @!p1 [hbm4b:s2+s12], $0x80, s6, s12, $0xb8;
	[tilespmem:$0x11900] =	vst v63  }
0x139: {  	_ =	swait.ge [sflag:s19], $0x1000  }
0x13a: {  	[sflag:s19] =	ssyncset.done $0x0  }
0x13b: {  	s6 =	simm.s32 @!p0 $0xF;
	[sflag:s19] =	ssyncadd.s32 $0xFFFFF000  }
0x13c: {  	_ =	swait.ge @!p0 [sflag:s6], $0x1000  }
0x13d: {  	[sflag:s6] =	ssyncset.done @!p0 $0x0  }
0x13e: {  	s23 =	simm.s32 $0x0;
	[sflag:s6] =	ssyncadd.s32 @!p0 $0xFFFFF000  }
0x13f: {  	v1 =	vld [tilespmem:s23+$0x7970]  }
0x140: {  	v5 =	vld [tilespmem:s23+$0x7900]  }
0x141: {  	v6 =	vld [tilespmem:s23+$0x7910]  }
0x142: {  	v4 =	vld [tilespmem:s23+$0x7920]  }
0x143: {  	v3 =	vld [tilespmem:s23+$0x7930]  }
0x144: {  	v0 =	vld [tilespmem:s23+$0x7940];
	v7 =	vmul.f32 $1.131370830e+01, v1  }
0x145: {  	v1 =	vld [tilespmem:s23+$0x7950];
	v5 =	vmul.f32 $1.131370830e+01, v5  }
0x146: {  	s25 =	simm.s32 $0x400;
	s12 =	simm.s32 $0x80;
	s6 =	sor.u32 $0xC0, s10;
	v2 =	vld [tilespmem:s23+$0x7960];
	v6 =	vmul.f32 $1.131370830e+01, v6;
	[tilespmem:s23+$0xF970] =	vst v7  }
.LBB2_19:
0x147: {  	p3 =	sne.s32 s25, $0x3E00;
	v7 =	vld [tilespmem:s12+$0x7970];
	[tilespmem:s23+$0xF900] =	vst v5;
	v4 =	vmul.f32 $1.131370830e+01, v4  }
0x148: {  	v5 =	vld [tilespmem:s12+$0x7900];
	[tilespmem:s23+$0xF910] =	vst v6;
	v3 =	vmul.f32 $1.131370830e+01, v3  }
0x149: {  	v6 =	vld [tilespmem:s12+$0x7910];
	[tilespmem:s23+$0xF920] =	vst v4;
	v0 =	vmul.f32 $1.131370830e+01, v0  }
.Ltmp11:
0x14a: {  	v4 =	vld [tilespmem:s12+$0x7920];
	[tilespmem:s23+$0xF930] =	vst v3;
	v1 =	vmul.f32 $1.131370830e+01, v1;
	(pc) =	sbr.rel @p3 .LBB2_19-.Ltmp11, $4  }
0x14b: {  	v3 =	vld [tilespmem:s12+$0x7930];
	[tilespmem:s23+$0xF940] =	vst v0;
	v2 =	vmul.f32 $1.131370830e+01, v2  }
0x14c: {  	v0 =	vld [tilespmem:s12+$0x7940];
	v7 =	vmul.f32 $1.131370830e+01, v7;
	[tilespmem:s23+$0xF950] =	vst v1  }
0x14d: {  	v5 =	vmul.f32 $1.131370830e+01, v5;
	v1 =	vld [tilespmem:s12+$0x7950];
	[tilespmem:s23+$0xF960] =	vst v2;
	s23 =	smov.u32 s12  }
0x14e: {  	s12 =	sshra.s32 s25, $0x2;
	s25 =	sadd.s32 $0x200, s25;
	v6 =	vmul.f32 $1.131370830e+01, v6;
	v2 =	vld [tilespmem:s23+$0x7960];
	[tilespmem:s23+$0xF970] =	vst v7  }
0x14f: {  	v7 =	vld [tilespmem:s12+$0x7970];
	[tilespmem:s23+$0xF900] =	vst v5;
	v4 =	vmul.f32 $1.131370830e+01, v4  }
0x150: {  	v5 =	vld [tilespmem:s12+$0x7900];
	[tilespmem:s23+$0xF910] =	vst v6;
	v3 =	vmul.f32 $1.131370830e+01, v3  }
0x151: {  	v6 =	vld [tilespmem:s12+$0x7910];
	[tilespmem:s23+$0xF920] =	vst v4;
	v0 =	vmul.f32 $1.131370830e+01, v0  }
0x152: {  	v4 =	vld [tilespmem:s12+$0x7920];
	[tilespmem:s23+$0xF930] =	vst v3;
	v1 =	vmul.f32 $1.131370830e+01, v1  }
0x153: {  	v3 =	vld [tilespmem:s12+$0x7930];
	[tilespmem:s23+$0xF940] =	vst v0;
	v2 =	vmul.f32 $1.131370830e+01, v2  }
0x154: {  	v0 =	vld [tilespmem:s12+$0x7940];
	[tilespmem:s23+$0xF950] =	vst v1;
	v7 =	vmul.f32 $1.131370830e+01, v7  }
0x155: {  	v1 =	vld [tilespmem:s12+$0x7950];
	[tilespmem:s23+$0xF960] =	vst v2;
	v60 =	vmul.f32 $1.131370830e+01, v5  }
0x156: {  	v61 =	vld [tilespmem:s12+$0x7960];
	v6 =	vmul.f32 $1.131370830e+01, v6;
	[tilespmem:s12+$0xF970] =	vst v7  }
0x157: {  	[tilespmem:s12+$0xF900] =	vst v60;
	v62 =	vmul.f32 $1.131370830e+01, v4  }
0x158: {  	[tilespmem:s12+$0xF910] =	vst v6;
	v3 =	vmul.f32 $1.131370830e+01, v3  }
0x159: {  	[tilespmem:s12+$0xF920] =	vst v62;
	v0 =	vmul.f32 $1.131370830e+01, v0  }
.Ltmp12:
0x15a: {  	[tilespmem:s12+$0xF930] =	vst v3;
	v1 =	vmul.f32 $1.131370830e+01, v1;
	(pc) =	sbr.rel @p2 .LBB2_22-.Ltmp12, $4  }
0x15b: {  	s25 =	sadd.s32 s4, s6;
	[tilespmem:s12+$0xF940] =	vst v0;
	v63 =	vmul.f32 $1.131370830e+01, v61  }
0x15c: {  	s23 =	sshll.u32 s25, $0x4;
	[tilespmem:s12+$0xF950] =	vst v1  }
0x15d: {  	s25 =	sadd.s32 s3, s23;
	[tilespmem:s12+$0xF960] =	vst v63  }
0x15e: {  	[hbm4b:s25+s5] =	stream.linear.scatter [tilespmem:s20], [sflag:$0xF], $0x1000, $0x38;
	[tilespmem:$0x11900] =	vst v63  }
.Ltmp13:
0x15f: {  	(pc) =	sbr.rel .LBB2_23-.Ltmp13, $4  }
0x160: {  	_ = 	snop  }
0x161: {  	_ =	swait.ge [sflag:s21], $0x1000  }
0x162: {  	[sflag:s21] =	ssyncset.done $0x0  }
0x163: {  	[sflag:s21] =	ssyncadd.s32 $0xFFFFF000  }
.LBB2_22:
.Ltmp14:
0x164: {  	s6 =	sadd.s32 $0x100, s6;
	s12 =	simm.s32 $0x7900;
	(pc) =	sbr.rel @p0 .LBB2_24-.Ltmp14, $4  }
0x165: {  	[tilespmem:s12], [sflag:$0x7] =	stream.indirect.gather [hbm4b:s2+s11], $0x80, s6, s11, $0xb8;
	[tilespmem:$0x11900] =	vst v63  }
0x166: {  	_ =	swait.ge [sflag:s21], $0x1000  }
0x167: {  	[sflag:s21] =	ssyncset.done $0x0  }
0x168: {  	[sflag:s21] =	ssyncadd.s32 $0xFFFFF000  }
.LBB2_23:
0x169: {  	_ =	swait.ge [sflag:s22], $0x1000  }
0x16a: {  	[sflag:s22] =	ssyncset.done $0x0  }
0x16b: {  	[sflag:s22] =	ssyncadd.s32 $0xFFFFF000  }
.LBB2_24:
0x16c: {  	s12 =	simm.s32 $0x0  }
0x16d: {  	v1 =	vld [tilespmem:s12+$0x8970]  }
0x16e: {  	v5 =	vld [tilespmem:s12+$0x8900]  }
0x16f: {  	v6 =	vld [tilespmem:s12+$0x8910]  }
0x170: {  	v4 =	vld [tilespmem:s12+$0x8920]  }
0x171: {  	v3 =	vld [tilespmem:s12+$0x8930]  }
0x172: {  	v0 =	vld [tilespmem:s12+$0x8940];
	v7 =	vmul.f32 $1.131370830e+01, v1  }
0x173: {  	v1 =	vld [tilespmem:s12+$0x8950];
	v5 =	vmul.f32 $1.131370830e+01, v5  }
0x174: {  	s6 =	simm.s32 $0x80;
	s23 =	simm.s32 $0x400;
	v2 =	vld [tilespmem:s12+$0x8960];
	v6 =	vmul.f32 $1.131370830e+01, v6;
	[tilespmem:s12+$0x10970] =	vst v7  }
.LBB2_25:
0x175: {  	p0 =	sne.s32 s23, $0x3E00;
	v7 =	vld [tilespmem:s6+$0x8970];
	[tilespmem:s12+$0x10900] =	vst v5;
	v4 =	vmul.f32 $1.131370830e+01, v4  }
0x176: {  	v5 =	vld [tilespmem:s6+$0x8900];
	[tilespmem:s12+$0x10910] =	vst v6;
	v3 =	vmul.f32 $1.131370830e+01, v3  }
0x177: {  	v6 =	vld [tilespmem:s6+$0x8910];
	[tilespmem:s12+$0x10920] =	vst v4;
	v0 =	vmul.f32 $1.131370830e+01, v0  }
.Ltmp15:
0x178: {  	v4 =	vld [tilespmem:s6+$0x8920];
	[tilespmem:s12+$0x10930] =	vst v3;
	v1 =	vmul.f32 $1.131370830e+01, v1;
	(pc) =	sbr.rel @p0 .LBB2_25-.Ltmp15, $4  }
0x179: {  	v3 =	vld [tilespmem:s6+$0x8930];
	[tilespmem:s12+$0x10940] =	vst v0;
	v2 =	vmul.f32 $1.131370830e+01, v2  }
0x17a: {  	v0 =	vld [tilespmem:s6+$0x8940];
	v7 =	vmul.f32 $1.131370830e+01, v7;
	[tilespmem:s12+$0x10950] =	vst v1  }
0x17b: {  	v5 =	vmul.f32 $1.131370830e+01, v5;
	v1 =	vld [tilespmem:s6+$0x8950];
	[tilespmem:s12+$0x10960] =	vst v2;
	s12 =	smov.u32 s6  }
0x17c: {  	s6 =	sshra.s32 s23, $0x2;
	s23 =	sadd.s32 $0x200, s23;
	v6 =	vmul.f32 $1.131370830e+01, v6;
	v2 =	vld [tilespmem:s12+$0x8960];
	[tilespmem:s12+$0x10970] =	vst v7  }
0x17d: {  	v7 =	vld [tilespmem:s6+$0x8970];
	[tilespmem:s12+$0x10900] =	vst v5;
	v4 =	vmul.f32 $1.131370830e+01, v4  }
0x17e: {  	v5 =	vld [tilespmem:s6+$0x8900];
	[tilespmem:s12+$0x10910] =	vst v6;
	v3 =	vmul.f32 $1.131370830e+01, v3  }
0x17f: {  	v6 =	vld [tilespmem:s6+$0x8910];
	[tilespmem:s12+$0x10920] =	vst v4;
	v0 =	vmul.f32 $1.131370830e+01, v0  }
0x180: {  	v4 =	vld [tilespmem:s6+$0x8920];
	[tilespmem:s12+$0x10930] =	vst v3;
	v1 =	vmul.f32 $1.131370830e+01, v1  }
0x181: {  	v3 =	vld [tilespmem:s6+$0x8930];
	[tilespmem:s12+$0x10940] =	vst v0;
	v2 =	vmul.f32 $1.131370830e+01, v2  }
0x182: {  	v0 =	vld [tilespmem:s6+$0x8940];
	[tilespmem:s12+$0x10950] =	vst v1;
	v7 =	vmul.f32 $1.131370830e+01, v7  }
0x183: {  	v1 =	vld [tilespmem:s6+$0x8950];
	[tilespmem:s12+$0x10960] =	vst v2;
	v60 =	vmul.f32 $1.131370830e+01, v5  }
0x184: {  	v61 =	vld [tilespmem:s6+$0x8960];
	v6 =	vmul.f32 $1.131370830e+01, v6;
	[tilespmem:s6+$0x10970] =	vst v7  }
0x185: {  	[tilespmem:s6+$0x10900] =	vst v60;
	v62 =	vmul.f32 $1.131370830e+01, v4  }
0x186: {  	[tilespmem:s6+$0x10910] =	vst v6;
	v3 =	vmul.f32 $1.131370830e+01, v3  }
0x187: {  	[tilespmem:s6+$0x10920] =	vst v62;
	v0 =	vmul.f32 $1.131370830e+01, v0  }
.Ltmp16:
0x188: {  	[tilespmem:s6+$0x10930] =	vst v3;
	v1 =	vmul.f32 $1.131370830e+01, v1;
	(pc) =	sbr.rel @p1 .LBB2_28-.Ltmp16, $4  }
0x189: {  	s23 =	sadd.s32 s10, s8;
	[tilespmem:s6+$0x10940] =	vst v0;
	v63 =	vmul.f32 $1.131370830e+01, v61  }
0x18a: {  	s12 =	sshll.u32 s23, $0x4;
	[tilespmem:s6+$0x10950] =	vst v1  }
0x18b: {  	s25 =	sadd.s32 s3, s12;
	[tilespmem:s6+$0x10960] =	vst v63  }
0x18c: {  	[hbm4b:s25+s5] =	stream.linear.scatter [tilespmem:s24], [sflag:$0x10], $0x1000, $0x38;
	[tilespmem:$0x11900] =	vst v63  }
.Ltmp17:
0x18d: {  	(pc) =	sbr.rel .LBB2_2-.Ltmp17, $3  }
0x18e: {  	_ =	sdelay $0x1  }
0x18f: {  	s6 =	sadd.s32 $0x1E0, s10;
	s25 =	simm.s32 $0x8900;
	s9 =	sadd.s32 $0x1, s9  }
0x190: {  	[tilespmem:s25], [sflag:$0x8] =	stream.indirect.gather [hbm4b:s2+s11], $0x80, s6, s11, $0xb8;
	[tilespmem:$0x11900] =	vst v63  }
.LBB2_29:
0x191: {  	_ =	sfence.sel $0x180000  }
0x192: {  	[bflag:$0x0] =	sbarrier.arrive $0xFFFF  }
0x193: {  	_ =	strace $0x90000047  }
0x194: {  	s0 =	stileid.u32;
	[bflag:$0x2] =	sbarrier.arrive $0xFFFF  }
0x195: {  	p0 =	sne.s32 s0, $0x0;
	s0 =	rddreg [dreg:$0x3]  }
0x196: {  	s0 =	sadd.s32 @!p0 $0x100000, s0  }
0x197: {  	[sflag:s0] =	ssyncadd.tile.s32 @!p0 $0x1;
	_ =	shalt  }
.Lfunc_end2:
_tile_overlayer_lowered:
.L_overlay_start_2:
0x198: {  	(tag) =	ssettag $0x2  }
0x199: {  	s0 =	rddreg [dreg:$0x0];
	s2 =	stileid.u32  }
0x19a: {  	s1 =	rddreg [dreg:$0x1];
	p0 =	sne.s32 s2, $0x0  }
0x19b: {  	s3 =	rddreg [dreg:$0x2];
	[bflag:$0x3] =	sbarrier.arrive $0xFFFF;
	s2 =	simm.s32 @!p0 $0x1C11  }
0x19c: {  	[timem:s3], [sflag:s2] =	dma.local @!p0 [hbm:s0], s1  }
0x19d: {  	s0 =	simm.s32 @!p0 $0x11  }
0x19e: {  	_ =	swait.ge @!p0 [sflag:s0], s1  }
0x19f: {  	s1 =	ssub.s32 @!p0 $0x0, s1;
	[sflag:s0] =	ssyncset.done @!p0 $0x0  }
0x1a0: {  	[sflag:s0] =	ssyncadd.s32 @!p0 s1  }
0x1a1: {  	[bflag:$0x3] =	sbarrier.arrive $0xFFFF  }
0x1a2: {  	_ =	shalt  }

</sc_bundles>
